<compile_context>
chip_gen: v7x
topology: tpu7x:2x2x1
jax: 0.10.2.dev20260603
libtpu: 0.0.44.dev20260713+nightly
codegen_flags: <defaults>
</compile_context>

<pallas_src>
import functools

import jax
import jax.numpy as jnp
from jax import lax
from jax.experimental import pallas as pl
from jax.experimental.pallas import tpu as pltpu
from jax.experimental.pallas import tpu_sc as plsc

_N = 10000
_NPAD = 10240
_E = 320000
_D = 128
_CHUNK = 128
_NCHUNKS = _E // _CHUNK
_NW = 32
_RPT = _NPAD // 16

_mesh = plsc.VectorSubcoreMesh(core_axis_name="c", subcore_axis_name="s")



@functools.partial(
    pl.kernel,
    out_type=jax.ShapeDtypeStruct((2, _NPAD, 16), jnp.float32),
    mesh=_mesh,
    compiler_params=pltpu.CompilerParams(use_tc_tiling_on_sc=False),
    scratch_types=[
        pltpu.VMEM_SHARED((_NPAD, 16), jnp.float32),
        pltpu.VMEM((_CHUNK, 16), jnp.float32),
        pltpu.VMEM((1, _CHUNK), jnp.int32),
        pltpu.SemaphoreType.DMA,
    ],
)
def _deg_kernel(dst_hbm, zeros16_hbm, ones16_hbm, out_hbm, acc, ones_v, didx, sem):
    cid = lax.axis_index("c")
    sid = lax.axis_index("s")
    base = sid * _RPT
    pltpu.sync_copy(zeros16_hbm, acc.at[pl.ds(base, _RPT)])
    pltpu.sync_copy(ones16_hbm, ones_v)
    plsc.subcore_barrier()
    wid = sid * 2 + cid

    def body(j, carry):
        off = (wid + j * _NW) * _CHUNK
        pltpu.sync_copy(dst_hbm.at[pl.ds(off, _CHUNK)], didx.at[0])
        pltpu.async_copy(ones_v, acc.at[didx.at[0]], sem, add=True).wait()
        return carry

    lax.fori_loop(0, (_NCHUNKS - wid + _NW - 1) // _NW, body, 0)
    plsc.subcore_barrier()
    pltpu.sync_copy(acc.at[pl.ds(base, _RPT)], out_hbm.at[cid, pl.ds(base, _RPT)])


@functools.partial(
    pl.kernel,
    out_type=jax.ShapeDtypeStruct((2, _NPAD, _D), jnp.float32),
    mesh=_mesh,
    scratch_types=[
        pltpu.VMEM_SHARED((_NPAD, _D), jnp.float32),
        pltpu.VMEM((_CHUNK, _D), jnp.float32),
        pltpu.VMEM((_CHUNK, _D), jnp.float32),
        pltpu.VMEM((2, _CHUNK), jnp.int32),
        pltpu.VMEM((2, _CHUNK), jnp.int32),
        pltpu.VMEM((2, _CHUNK), jnp.int32),
        pltpu.VMEM((2, _CHUNK), jnp.int32),
        pltpu.SemaphoreType.DMA,
        pltpu.SemaphoreType.DMA,
        pltpu.SemaphoreType.DMA,
        pltpu.SemaphoreType.DMA,
        pltpu.SemaphoreType.DMA,
        pltpu.SemaphoreType.DMA,
        pltpu.SemaphoreType.DMA,
    ],
)
def _agg_kernel(hs_hbm, sd_hbm, zrows_hbm, out_hbm,
                acc, rows0, rows1, idx0, idx1, idx2, idx3,
                gsem0, gsem1, ssem, isem0, isem1, isem2, isem3):
    cid = lax.axis_index("c")
    sid = lax.axis_index("s")
    base = sid * _RPT
    pltpu.sync_copy(zrows_hbm, acc.at[pl.ds(base, _RPT)])
    wid = sid * 2 + cid
    idxs = (idx0, idx1, idx2, idx3)
    isems = (isem0, isem1, isem2, isem3)

    def fire_idx(j, t):
        pltpu.async_copy(sd_hbm.at[wid + j * _NW], idxs[t], isems[t])

    def wait_idx(j, t):
        pltpu.make_async_copy(sd_hbm.at[wid + j * _NW], idxs[t],
                              isems[t]).wait()

    def gather(idx, rows, gsem):
        return pltpu.async_copy(hs_hbm.at[idx.at[0]], rows, gsem)

    def scatter(idx, rows):
        pltpu.async_copy(rows, acc.at[idx.at[1]], ssem, add=True).wait()

    for t in range(4):
        fire_idx(t, t)
    plsc.subcore_barrier()

    def body(j2, carry):
        c = j2 * 4
        for t in range(4):
            wait_idx(c + t, t)
        ga = gather(idx0, rows0, gsem0)
        gb = gather(idx1, rows1, gsem1)
        ga.wait()
        scatter(idx0, rows0)
        gc = gather(idx2, rows0, gsem0)
        gb.wait()
        scatter(idx1, rows1)
        gd = gather(idx3, rows1, gsem1)
        gc.wait()
        scatter(idx2, rows0)
        for t in range(3):
            cn = c + 4 + t

            @pl.when(jnp.logical_or(cn < 78, jnp.logical_and(cn < 79, wid < 4)))
            def _():
                fire_idx(cn, t)

        gd.wait()
        scatter(idx3, rows1)

        @pl.when(c + 7 < 78)
        def _():
            fire_idx(c + 7, 3)

        return carry

    lax.fori_loop(0, 19, body, 0)

    wait_idx(76, 0)
    wait_idx(77, 1)
    ga = gather(idx0, rows0, gsem0)
    gb = gather(idx1, rows1, gsem1)
    ga.wait()
    scatter(idx0, rows0)
    gb.wait()
    scatter(idx1, rows1)

    @pl.when(wid < _NCHUNKS % _NW)
    def _():
        wait_idx(78, 2)
        gather(idx2, rows0, gsem0).wait()
        scatter(idx2, rows0)

    plsc.subcore_barrier()
    pltpu.sync_copy(acc.at[pl.ds(base, _RPT)], out_hbm.at[cid, pl.ds(base, _RPT)])



_R = 1000


def _tc_pre_body(deg_ref, x_ref, w_ref, hs_ref, dis_ref):
    deg = deg_ref[0] + deg_ref[1] + 1.0
    dis = lax.rsqrt(deg)
    dis_ref[...] = dis
    xw = jnp.dot(x_ref[...], w_ref[...], preferred_element_type=jnp.float32)
    hs_ref[...] = xw * dis[:, :1]


def _tc_pre(degpair, x, W0):
    return pl.pallas_call(
        _tc_pre_body,
        grid=(_N // _R,),
        in_specs=[
            pl.BlockSpec((2, _R, 16), lambda i: (0, i, 0)),
            pl.BlockSpec((_R, _D), lambda i: (i, 0)),
            pl.BlockSpec((_D, _D), lambda i: (0, 0)),
        ],
        out_specs=[
            pl.BlockSpec((_R, _D), lambda i: (i, 0)),
            pl.BlockSpec((_R, 16), lambda i: (i, 0)),
        ],
        out_shape=[
            jax.ShapeDtypeStruct((_N, _D), jnp.float32),
            jax.ShapeDtypeStruct((_N, 16), jnp.float32),
        ],
    )(degpair, x, W0)


def _tc_mid_body(p_ref, hs_ref, dis_ref, b_ref, w_ref, o_ref):
    d = dis_ref[:, :1]
    agg = (p_ref[0] + p_ref[1] + hs_ref[...]) * d
    h = jnp.maximum(agg + b_ref[...], 0.0)
    o_ref[...] = jnp.dot(h, w_ref[...], preferred_element_type=jnp.float32) * d


def _tc_mid(p, hs, dis, b, W):
    return pl.pallas_call(
        _tc_mid_body,
        grid=(_N // _R,),
        in_specs=[
            pl.BlockSpec((2, _R, _D), lambda i: (0, i, 0)),
            pl.BlockSpec((_R, _D), lambda i: (i, 0)),
            pl.BlockSpec((_R, 16), lambda i: (i, 0)),
            pl.BlockSpec((1, _D), lambda i: (0, 0)),
            pl.BlockSpec((_D, _D), lambda i: (0, 0)),
        ],
        out_specs=pl.BlockSpec((_R, _D), lambda i: (i, 0)),
        out_shape=jax.ShapeDtypeStruct((_N, _D), jnp.float32),
    )(p, hs, dis, b.reshape(1, _D), W)


def _tc_fin_body(p_ref, hs_ref, dis_ref, b_ref, o_ref):
    d = dis_ref[:, :1]
    z = (p_ref[0] + p_ref[1] + hs_ref[...]) * d + b_ref[...]
    m = jnp.max(z, axis=1, keepdims=True)
    zs = z - m
    o_ref[...] = zs - jnp.log(jnp.sum(jnp.exp(zs), axis=1, keepdims=True))


def _tc_fin(p, hs, dis, b):
    return pl.pallas_call(
        _tc_fin_body,
        grid=(_N // _R,),
        in_specs=[
            pl.BlockSpec((2, _R, _D), lambda i: (0, i, 0)),
            pl.BlockSpec((_R, _D), lambda i: (i, 0)),
            pl.BlockSpec((_R, 16), lambda i: (i, 0)),
            pl.BlockSpec((1, _D), lambda i: (0, 0)),
        ],
        out_specs=pl.BlockSpec((_R, _D), lambda i: (i, 0)),
        out_shape=jax.ShapeDtypeStruct((_N, _D), jnp.float32),
    )(p, hs, dis, b.reshape(1, _D))



def kernel(x, edge_index, W0, b0, W1, b1, W2, b2):
    src = edge_index[0]
    dst = edge_index[1]
    sd = jnp.stack(
        [src.reshape(_NCHUNKS, _CHUNK), dst.reshape(_NCHUNKS, _CHUNK)], axis=1
    )
    zeros16 = jnp.zeros((_RPT, 16), jnp.float32)
    ones16 = jnp.ones((_CHUNK, 16), jnp.float32)
    zrows = jnp.zeros((_RPT, _D), jnp.float32)

    degpair = _deg_kernel(dst, zeros16, ones16)
    hs0, dis = _tc_pre(degpair, x, W0)
    p0 = _agg_kernel(hs0, sd, zrows)
    hs1 = _tc_mid(p0, hs0, dis, b0, W1)
    p1 = _agg_kernel(hs1, sd, zrows)
    hs2 = _tc_mid(p1, hs1, dis, b1, W2)
    p2 = _agg_kernel(hs2, sd, zrows)
    return _tc_fin(p2, hs2, dis, b2)

# --- scband reference (transcript-rebuilt; emitter-appended) ---
"""Pipeline reference for scband-gcn-29703993819226 (READ-ONLY COPY).

The authoritative reference and input builder live on the scoring server;
editing this copy changes nothing except your own understanding.
"""

import jax, jax.numpy as jnp
import numpy as np

N = 10000
E = 320000
D_IN = 128
D_HID = 128
D_OUT = 128


def _glorot(key, fan_in, fan_out):
    s = jnp.sqrt(2.0 / (fan_in + fan_out)).astype(jnp.float32)
    return jax.random.normal(key, (fan_in, fan_out), dtype=jnp.float32) * s


def setup_inputs(seed: int = 0) -> dict:
    key = jax.random.key(seed)
    ks = jax.random.split(key, 8)
    x = jax.random.normal(ks[0], (N, D_IN), dtype=jnp.float32)
    edge_index = jax.random.randint(ks[1], (2, E), 0, N, dtype=jnp.int32)
    W0 = _glorot(ks[2], D_IN, D_HID)
    b0 = jnp.zeros((D_HID,), dtype=jnp.float32)
    W1 = _glorot(ks[3], D_HID, D_HID)
    b1 = jnp.zeros((D_HID,), dtype=jnp.float32)
    W2 = _glorot(ks[4], D_HID, D_OUT)
    b2 = jnp.zeros((D_OUT,), dtype=jnp.float32)
    return {"x": x, "edge_index": edge_index, "W0": W0, "b0": b0, "W1": W1, "b1": b1, "W2": W2, "b2": b2}


def reference(x, edge_index, W0, b0, W1, b1, W2, b2):
    # GCNConv (Kipf & Welling): add self-loops, symmetric normalization
    loop = jnp.arange(N, dtype=edge_index.dtype)
    src = jnp.concatenate([edge_index[0], loop])
    dst = jnp.concatenate([edge_index[1], loop])
    ones = jnp.ones((src.shape[0],), dtype=x.dtype)
    deg = jax.ops.segment_sum(ones, dst, num_segments=N)
    dis = jnp.where(deg > 0, jax.lax.rsqrt(jnp.maximum(deg, 1e-12)), 0.0)
    norm = (dis[src] * dis[dst])[:, None]

    def conv(h, W, b):
        h = h @ W
        msg = h[src] * norm
        agg = jax.ops.segment_sum(msg, dst, num_segments=N)
        return agg + b

    h = jax.nn.relu(conv(x, W0, b0))
    h = jax.nn.relu(conv(h, W1, b1))
    h = conv(h, W2, b2)
    return jax.nn.log_softmax(h, axis=1)

if __name__ == "__main__":
    import jax
    _d = setup_inputs()
    print(jax.jit(kernel)(*tuple(_d.values())))

</pallas_src>

<mosaic_0001>
#map = affine_map<(d0, d1) -> (0, 0)>
#map1 = affine_map<(d0, d1) -> (0, 0, 0)>
module attributes {stable_mosaic.version = 14 : i64} {
  func.func @_agg_kernel(%arg0: i32, %arg1: i32, %arg2: memref<10000x128xf32, #tpu.memory_space<hbm>>, %arg3: memref<2500x2x128xi32, #tpu.memory_space<hbm>>, %arg4: memref<640x128xf32, #tpu.memory_space<hbm>>, %arg5: memref<2x10240x128xf32, #tpu.memory_space<hbm>>, %arg6: memref<10240x128xf32, #tpu.memory_space<vmem_shared>>, %arg7: memref<128x128xf32, #tpu.memory_space<vmem>>, %arg8: memref<128x128xf32, #tpu.memory_space<vmem>>, %arg9: memref<2x128xi32, #tpu.memory_space<vmem>>, %arg10: memref<2x128xi32, #tpu.memory_space<vmem>>, %arg11: memref<2x128xi32, #tpu.memory_space<vmem>>, %arg12: memref<2x128xi32, #tpu.memory_space<vmem>>, %arg13: memref<!tpu.dma_semaphore, #tpu.memory_space<semaphore_mem>>, %arg14: memref<!tpu.dma_semaphore, #tpu.memory_space<semaphore_mem>>, %arg15: memref<!tpu.dma_semaphore, #tpu.memory_space<semaphore_mem>>, %arg16: memref<!tpu.dma_semaphore, #tpu.memory_space<semaphore_mem>>, %arg17: memref<!tpu.dma_semaphore, #tpu.memory_space<semaphore_mem>>, %arg18: memref<!tpu.dma_semaphore, #tpu.memory_space<semaphore_mem>>, %arg19: memref<!tpu.dma_semaphore, #tpu.memory_space<semaphore_mem>>) attributes {dimension_semantics = [#tpu.dimension_semantics<core_parallel>, #tpu.dimension_semantics<subcore_parallel>], iteration_bounds = array<i64: 2, 16>, scalar_prefetch = 0 : i64, scratch_operands = 14 : i64, tpu.core_type = #tpu.core_type<sc_vector_subcore>, window_params = [{transform_indices = #map}, {transform_indices = #map1}, {transform_indices = #map}, {transform_indices = #map1}]} {
    %mul3A = arith.constant 640 : i32
    %mul3A_0 = arith.muli %arg1, %mul3A : i32
    "tpu.region"() ({
      %run_scoped3A = tpu.sem_alloc : memref<!tpu.dma_semaphore, #tpu.memory_space<semaphore_mem>>
      %dma_start3A_125 = arith.constant 0 : i32
      %dma_start3A_126 = tpu.memref_slice %arg6[%mul3A_0, %dma_start3A_125] : memref<10240x128xf32, #tpu.memory_space<vmem_shared>> -> memref<640x128xf32, #tpu.memory_space<vmem_shared>>
      tpu.enqueue_dma source(%arg4 : memref<640x128xf32, #tpu.memory_space<hbm>>) target(%dma_start3A_126 : memref<640x128xf32, #tpu.memory_space<vmem_shared>>) target_semaphore(%run_scoped3A : memref<!tpu.dma_semaphore, #tpu.memory_space<semaphore_mem>>)
      %dma_wait3A_127 = arith.constant 0 : i32
      %dma_wait3A_128 = tpu.memref_slice %arg6[%mul3A_0, %dma_wait3A_127] : memref<10240x128xf32, #tpu.memory_space<vmem_shared>> -> memref<640x128xf32, #tpu.memory_space<vmem_shared>>
      tpu.wait_dma2 semaphore(%run_scoped3A : memref<!tpu.dma_semaphore, #tpu.memory_space<semaphore_mem>>) src(%arg4 : memref<640x128xf32, #tpu.memory_space<hbm>>) dst(%dma_wait3A_128 : memref<640x128xf32, #tpu.memory_space<vmem_shared>>)
      tpu.yield
    }) : () -> ()
    %mul3A_1 = arith.constant 2 : i32
    %mul3A_2 = arith.muli %arg1, %mul3A_1 : i32
    %add3A = arith.addi %mul3A_2, %arg0 : i32
    %add3A_3 = arith.constant 0 : i32
    %add3A_4 = arith.addi %add3A, %add3A_3 : i32
    %dma_start3A = arith.constant 0 : i32
    %dma_start3A_5 = arith.constant 0 : i32
    %dma_start3A_6 = tpu.memref_slice %arg3[%add3A_4, %dma_start3A, %dma_start3A_5] : memref<2500x2x128xi32, #tpu.memory_space<hbm>> -> memref<1x2x128xi32, #tpu.memory_space<hbm>>
    %dma_start3A_7 = tpu.memref_squeeze %dma_start3A_6 : memref<1x2x128xi32, #tpu.memory_space<hbm>> -> memref<2x128xi32, #tpu.memory_space<hbm>>
    %dma_start3A_8 = arith.constant 0 : i32
    %dma_start3A_9 = arith.constant 0 : i32
    %dma_start3A_10 = tpu.memref_slice %arg3[%add3A_4, %dma_start3A_8, %dma_start3A_9] : memref<2500x2x128xi32, #tpu.memory_space<hbm>> -> memref<1x2x128xi32, #tpu.memory_space<hbm>>
    %dma_start3A_11 = tpu.memref_squeeze %dma_start3A_10 : memref<1x2x128xi32, #tpu.memory_space<hbm>> -> memref<2x128xi32, #tpu.memory_space<hbm>>
    tpu.enqueue_dma source(%dma_start3A_11 : memref<2x128xi32, #tpu.memory_space<hbm>>) target(%arg9 : memref<2x128xi32, #tpu.memory_space<vmem>>) target_semaphore(%arg16 : memref<!tpu.dma_semaphore, #tpu.memory_space<semaphore_mem>>)
    %add3A_12 = arith.constant 32 : i32
    %add3A_13 = arith.addi %add3A, %add3A_12 : i32
    %dma_start3A_14 = arith.constant 0 : i32
    %dma_start3A_15 = arith.constant 0 : i32
    %dma_start3A_16 = tpu.memref_slice %arg3[%add3A_13, %dma_start3A_14, %dma_start3A_15] : memref<2500x2x128xi32, #tpu.memory_space<hbm>> -> memref<1x2x128xi32, #tpu.memory_space<hbm>>
    %dma_start3A_17 = tpu.memref_squeeze %dma_start3A_16 : memref<1x2x128xi32, #tpu.memory_space<hbm>> -> memref<2x128xi32, #tpu.memory_space<hbm>>
    %dma_start3A_18 = arith.constant 0 : i32
    %dma_start3A_19 = arith.constant 0 : i32
    %dma_start3A_20 = tpu.memref_slice %arg3[%add3A_13, %dma_start3A_18, %dma_start3A_19] : memref<2500x2x128xi32, #tpu.memory_space<hbm>> -> memref<1x2x128xi32, #tpu.memory_space<hbm>>
    %dma_start3A_21 = tpu.memref_squeeze %dma_start3A_20 : memref<1x2x128xi32, #tpu.memory_space<hbm>> -> memref<2x128xi32, #tpu.memory_space<hbm>>
    tpu.enqueue_dma source(%dma_start3A_21 : memref<2x128xi32, #tpu.memory_space<hbm>>) target(%arg10 : memref<2x128xi32, #tpu.memory_space<vmem>>) target_semaphore(%arg17 : memref<!tpu.dma_semaphore, #tpu.memory_space<semaphore_mem>>)
    %add3A_22 = arith.constant 64 : i32
    %add3A_23 = arith.addi %add3A, %add3A_22 : i32
    %dma_start3A_24 = arith.constant 0 : i32
    %dma_start3A_25 = arith.constant 0 : i32
    %dma_start3A_26 = tpu.memref_slice %arg3[%add3A_23, %dma_start3A_24, %dma_start3A_25] : memref<2500x2x128xi32, #tpu.memory_space<hbm>> -> memref<1x2x128xi32, #tpu.memory_space<hbm>>
    %dma_start3A_27 = tpu.memref_squeeze %dma_start3A_26 : memref<1x2x128xi32, #tpu.memory_space<hbm>> -> memref<2x128xi32, #tpu.memory_space<hbm>>
    %dma_start3A_28 = arith.constant 0 : i32
    %dma_start3A_29 = arith.constant 0 : i32
    %dma_start3A_30 = tpu.memref_slice %arg3[%add3A_23, %dma_start3A_28, %dma_start3A_29] : memref<2500x2x128xi32, #tpu.memory_space<hbm>> -> memref<1x2x128xi32, #tpu.memory_space<hbm>>
    %dma_start3A_31 = tpu.memref_squeeze %dma_start3A_30 : memref<1x2x128xi32, #tpu.memory_space<hbm>> -> memref<2x128xi32, #tpu.memory_space<hbm>>
    tpu.enqueue_dma source(%dma_start3A_31 : memref<2x128xi32, #tpu.memory_space<hbm>>) target(%arg11 : memref<2x128xi32, #tpu.memory_space<vmem>>) target_semaphore(%arg18 : memref<!tpu.dma_semaphore, #tpu.memory_space<semaphore_mem>>)
    %add3A_32 = arith.constant 96 : i32
    %add3A_33 = arith.addi %add3A, %add3A_32 : i32
    %dma_start3A_34 = arith.constant 0 : i32
    %dma_start3A_35 = arith.constant 0 : i32
    %dma_start3A_36 = tpu.memref_slice %arg3[%add3A_33, %dma_start3A_34, %dma_start3A_35] : memref<2500x2x128xi32, #tpu.memory_space<hbm>> -> memref<1x2x128xi32, #tpu.memory_space<hbm>>
    %dma_start3A_37 = tpu.memref_squeeze %dma_start3A_36 : memref<1x2x128xi32, #tpu.memory_space<hbm>> -> memref<2x128xi32, #tpu.memory_space<hbm>>
    %dma_start3A_38 = arith.constant 0 : i32
    %dma_start3A_39 = arith.constant 0 : i32
    %dma_start3A_40 = tpu.memref_slice %arg3[%add3A_33, %dma_start3A_38, %dma_start3A_39] : memref<2500x2x128xi32, #tpu.memory_space<hbm>> -> memref<1x2x128xi32, #tpu.memory_space<hbm>>
    %dma_start3A_41 = tpu.memref_squeeze %dma_start3A_40 : memref<1x2x128xi32, #tpu.memory_space<hbm>> -> memref<2x128xi32, #tpu.memory_space<hbm>>
    tpu.enqueue_dma source(%dma_start3A_41 : memref<2x128xi32, #tpu.memory_space<hbm>>) target(%arg12 : memref<2x128xi32, #tpu.memory_space<vmem>>) target_semaphore(%arg19 : memref<!tpu.dma_semaphore, #tpu.memory_space<semaphore_mem>>)
    %barrier3A = arith.constant 0 : index
    tpu.barrier barrier_id(%barrier3A)
    %scan3A = arith.constant 0 : i32
    %scan3A_42 = arith.constant 0 : i32
    %scan3A_43 = arith.constant 19 : i32
    %scan3A_44 = arith.addi %scan3A_42, %scan3A_43 : i32
    %scan3A_45 = arith.constant 1 : i32
    scf.for %scan3A_125 = %scan3A_42 to %scan3A_44 step %scan3A_45  : i32 {
      %mul3A_126 = arith.constant 4 : i32
      %mul3A_127 = arith.muli %scan3A_125, %mul3A_126 : i32
      %add3A_128 = arith.constant 0 : i32
      %add3A_129 = arith.addi %mul3A_127, %add3A_128 : i32
      %mul3A_130 = arith.constant 32 : i32
      %mul3A_131 = arith.muli %add3A_129, %mul3A_130 : i32
      %add3A_132 = arith.addi %add3A, %mul3A_131 : i32
      %dma_wait3A_133 = arith.constant 0 : i32
      %dma_wait3A_134 = arith.constant 0 : i32
      %dma_wait3A_135 = tpu.memref_slice %arg3[%add3A_132, %dma_wait3A_133, %dma_wait3A_134] : memref<2500x2x128xi32, #tpu.memory_space<hbm>> -> memref<1x2x128xi32, #tpu.memory_space<hbm>>
      %dma_wait3A_136 = tpu.memref_squeeze %dma_wait3A_135 : memref<1x2x128xi32, #tpu.memory_space<hbm>> -> memref<2x128xi32, #tpu.memory_space<hbm>>
      %dma_wait3A_137 = arith.constant 0 : i32
      %dma_wait3A_138 = arith.constant 0 : i32
      %dma_wait3A_139 = tpu.memref_slice %arg3[%add3A_132, %dma_wait3A_137, %dma_wait3A_138] : memref<2500x2x128xi32, #tpu.memory_space<hbm>> -> memref<1x2x128xi32, #tpu.memory_space<hbm>>
      %dma_wait3A_140 = tpu.memref_squeeze %dma_wait3A_139 : memref<1x2x128xi32, #tpu.memory_space<hbm>> -> memref<2x128xi32, #tpu.memory_space<hbm>>
      tpu.wait_dma2 semaphore(%arg16 : memref<!tpu.dma_semaphore, #tpu.memory_space<semaphore_mem>>) src(%dma_wait3A_140 : memref<2x128xi32, #tpu.memory_space<hbm>>) dst(%arg9 : memref<2x128xi32, #tpu.memory_space<vmem>>)
      %add3A_141 = arith.constant 1 : i32
      %add3A_142 = arith.addi %mul3A_127, %add3A_141 : i32
      %mul3A_143 = arith.constant 32 : i32
      %mul3A_144 = arith.muli %add3A_142, %mul3A_143 : i32
      %add3A_145 = arith.addi %add3A, %mul3A_144 : i32
      %dma_wait3A_146 = arith.constant 0 : i32
      %dma_wait3A_147 = arith.constant 0 : i32
      %dma_wait3A_148 = tpu.memref_slice %arg3[%add3A_145, %dma_wait3A_146, %dma_wait3A_147] : memref<2500x2x128xi32, #tpu.memory_space<hbm>> -> memref<1x2x128xi32, #tpu.memory_space<hbm>>
      %dma_wait3A_149 = tpu.memref_squeeze %dma_wait3A_148 : memref<1x2x128xi32, #tpu.memory_space<hbm>> -> memref<2x128xi32, #tpu.memory_space<hbm>>
      %dma_wait3A_150 = arith.constant 0 : i32
      %dma_wait3A_151 = arith.constant 0 : i32
      %dma_wait3A_152 = tpu.memref_slice %arg3[%add3A_145, %dma_wait3A_150, %dma_wait3A_151] : memref<2500x2x128xi32, #tpu.memory_space<hbm>> -> memref<1x2x128xi32, #tpu.memory_space<hbm>>
      %dma_wait3A_153 = tpu.memref_squeeze %dma_wait3A_152 : memref<1x2x128xi32, #tpu.memory_space<hbm>> -> memref<2x128xi32, #tpu.memory_space<hbm>>
      tpu.wait_dma2 semaphore(%arg17 : memref<!tpu.dma_semaphore, #tpu.memory_space<semaphore_mem>>) src(%dma_wait3A_153 : memref<2x128xi32, #tpu.memory_space<hbm>>) dst(%arg10 : memref<2x128xi32, #tpu.memory_space<vmem>>)
      %add3A_154 = arith.constant 2 : i32
      %add3A_155 = arith.addi %mul3A_127, %add3A_154 : i32
      %mul3A_156 = arith.constant 32 : i32
      %mul3A_157 = arith.muli %add3A_155, %mul3A_156 : i32
      %add3A_158 = arith.addi %add3A, %mul3A_157 : i32
      %dma_wait3A_159 = arith.constant 0 : i32
      %dma_wait3A_160 = arith.constant 0 : i32
      %dma_wait3A_161 = tpu.memref_slice %arg3[%add3A_158, %dma_wait3A_159, %dma_wait3A_160] : memref<2500x2x128xi32, #tpu.memory_space<hbm>> -> memref<1x2x128xi32, #tpu.memory_space<hbm>>
      %dma_wait3A_162 = tpu.memref_squeeze %dma_wait3A_161 : memref<1x2x128xi32, #tpu.memory_space<hbm>> -> memref<2x128xi32, #tpu.memory_space<hbm>>
      %dma_wait3A_163 = arith.constant 0 : i32
      %dma_wait3A_164 = arith.constant 0 : i32
      %dma_wait3A_165 = tpu.memref_slice %arg3[%add3A_158, %dma_wait3A_163, %dma_wait3A_164] : memref<2500x2x128xi32, #tpu.memory_space<hbm>> -> memref<1x2x128xi32, #tpu.memory_space<hbm>>
      %dma_wait3A_166 = tpu.memref_squeeze %dma_wait3A_165 : memref<1x2x128xi32, #tpu.memory_space<hbm>> -> memref<2x128xi32, #tpu.memory_space<hbm>>
      tpu.wait_dma2 semaphore(%arg18 : memref<!tpu.dma_semaphore, #tpu.memory_space<semaphore_mem>>) src(%dma_wait3A_166 : memref<2x128xi32, #tpu.memory_space<hbm>>) dst(%arg11 : memref<2x128xi32, #tpu.memory_space<vmem>>)
      %add3A_167 = arith.constant 3 : i32
      %add3A_168 = arith.addi %mul3A_127, %add3A_167 : i32
      %mul3A_169 = arith.constant 32 : i32
      %mul3A_170 = arith.muli %add3A_168, %mul3A_169 : i32
      %add3A_171 = arith.addi %add3A, %mul3A_170 : i32
      %dma_wait3A_172 = arith.constant 0 : i32
      %dma_wait3A_173 = arith.constant 0 : i32
      %dma_wait3A_174 = tpu.memref_slice %arg3[%add3A_171, %dma_wait3A_172, %dma_wait3A_173] : memref<2500x2x128xi32, #tpu.memory_space<hbm>> -> memref<1x2x128xi32, #tpu.memory_space<hbm>>
      %dma_wait3A_175 = tpu.memref_squeeze %dma_wait3A_174 : memref<1x2x128xi32, #tpu.memory_space<hbm>> -> memref<2x128xi32, #tpu.memory_space<hbm>>
      %dma_wait3A_176 = arith.constant 0 : i32
      %dma_wait3A_177 = arith.constant 0 : i32
      %dma_wait3A_178 = tpu.memref_slice %arg3[%add3A_171, %dma_wait3A_176, %dma_wait3A_177] : memref<2500x2x128xi32, #tpu.memory_space<hbm>> -> memref<1x2x128xi32, #tpu.memory_space<hbm>>
      %dma_wait3A_179 = tpu.memref_squeeze %dma_wait3A_178 : memref<1x2x128xi32, #tpu.memory_space<hbm>> -> memref<2x128xi32, #tpu.memory_space<hbm>>
      tpu.wait_dma2 semaphore(%arg19 : memref<!tpu.dma_semaphore, #tpu.memory_space<semaphore_mem>>) src(%dma_wait3A_179 : memref<2x128xi32, #tpu.memory_space<hbm>>) dst(%arg12 : memref<2x128xi32, #tpu.memory_space<vmem>>)
      %dma_start3A_180 = arith.constant 0 : i32
      %dma_start3A_181 = arith.constant 0 : i32
      %dma_start3A_182 = tpu.memref_slice %arg9[%dma_start3A_180, %dma_start3A_181] : memref<2x128xi32, #tpu.memory_space<vmem>> -> memref<1x128xi32, #tpu.memory_space<vmem>>
      %dma_start3A_183 = tpu.memref_squeeze %dma_start3A_182 : memref<1x128xi32, #tpu.memory_space<vmem>> -> memref<128xi32, #tpu.memory_space<vmem>>
      %dma_start3A_184 = arith.constant 0 : i32
      %dma_start3A_185 = arith.constant 0 : i32
      %dma_start3A_186 = tpu.memref_slice %arg2[%dma_start3A_184, %dma_start3A_185] : memref<10000x128xf32, #tpu.memory_space<hbm>> -> memref<10000x128xf32, #tpu.memory_space<hbm>>
      tpu.enqueue_indirect_dma source(%dma_start3A_186 : memref<10000x128xf32, #tpu.memory_space<hbm>>) target(%arg7 : memref<128x128xf32, #tpu.memory_space<vmem>>) offsets(%dma_start3A_183 : memref<128xi32, #tpu.memory_space<vmem>>) semaphore(%arg13 : memref<!tpu.dma_semaphore, #tpu.memory_space<semaphore_mem>>)
      %dma_start3A_187 = arith.constant 0 : i32
      %dma_start3A_188 = arith.constant 0 : i32
      %dma_start3A_189 = tpu.memref_slice %arg10[%dma_start3A_187, %dma_start3A_188] : memref<2x128xi32, #tpu.memory_space<vmem>> -> memref<1x128xi32, #tpu.memory_space<vmem>>
      %dma_start3A_190 = tpu.memref_squeeze %dma_start3A_189 : memref<1x128xi32, #tpu.memory_space<vmem>> -> memref<128xi32, #tpu.memory_space<vmem>>
      %dma_start3A_191 = arith.constant 0 : i32
      %dma_start3A_192 = arith.constant 0 : i32
      %dma_start3A_193 = tpu.memref_slice %arg2[%dma_start3A_191, %dma_start3A_192] : memref<10000x128xf32, #tpu.memory_space<hbm>> -> memref<10000x128xf32, #tpu.memory_space<hbm>>
      tpu.enqueue_indirect_dma source(%dma_start3A_193 : memref<10000x128xf32, #tpu.memory_space<hbm>>) target(%arg8 : memref<128x128xf32, #tpu.memory_space<vmem>>) offsets(%dma_start3A_190 : memref<128xi32, #tpu.memory_space<vmem>>) semaphore(%arg14 : memref<!tpu.dma_semaphore, #tpu.memory_space<semaphore_mem>>)
      %dma_wait3A_194 = arith.constant 0 : i32
      %dma_wait3A_195 = arith.constant 0 : i32
      %dma_wait3A_196 = tpu.memref_slice %arg9[%dma_wait3A_194, %dma_wait3A_195] : memref<2x128xi32, #tpu.memory_space<vmem>> -> memref<1x128xi32, #tpu.memory_space<vmem>>
      %dma_wait3A_197 = tpu.memref_squeeze %dma_wait3A_196 : memref<1x128xi32, #tpu.memory_space<vmem>> -> memref<128xi32, #tpu.memory_space<vmem>>
      %dma_wait3A_198 = arith.constant 0 : i32
      %dma_wait3A_199 = arith.constant 0 : i32
      %dma_wait3A_200 = tpu.memref_slice %arg2[%dma_wait3A_198, %dma_wait3A_199] : memref<10000x128xf32, #tpu.memory_space<hbm>> -> memref<10000x128xf32, #tpu.memory_space<hbm>>
      tpu.wait_indirect_dma semaphore(%arg13 : memref<!tpu.dma_semaphore, #tpu.memory_space<semaphore_mem>>) src(%dma_wait3A_200 : memref<10000x128xf32, #tpu.memory_space<hbm>>) dst(%arg7 : memref<128x128xf32, #tpu.memory_space<vmem>>)
      %dma_start3A_201 = arith.constant 1 : i32
      %dma_start3A_202 = arith.constant 0 : i32
      %dma_start3A_203 = tpu.memref_slice %arg9[%dma_start3A_201, %dma_start3A_202] : memref<2x128xi32, #tpu.memory_space<vmem>> -> memref<1x128xi32, #tpu.memory_space<vmem>>
      %dma_start3A_204 = tpu.memref_squeeze %dma_start3A_203 : memref<1x128xi32, #tpu.memory_space<vmem>> -> memref<128xi32, #tpu.memory_space<vmem>>
      %dma_start3A_205 = arith.constant 0 : i32
      %dma_start3A_206 = arith.constant 0 : i32
      %dma_start3A_207 = tpu.memref_slice %arg6[%dma_start3A_205, %dma_start3A_206] : memref<10240x128xf32, #tpu.memory_space<vmem_shared>> -> memref<10240x128xf32, #tpu.memory_space<vmem_shared>>
      tpu.enqueue_indirect_dma source(%arg7 : memref<128x128xf32, #tpu.memory_space<vmem>>) target(%dma_start3A_207 : memref<10240x128xf32, #tpu.memory_space<vmem_shared>>) offsets(%dma_start3A_204 : memref<128xi32, #tpu.memory_space<vmem>>) semaphore(%arg15 : memref<!tpu.dma_semaphore, #tpu.memory_space<semaphore_mem>>) {add = true}
      %dma_wait3A_208 = arith.constant 1 : i32
      %dma_wait3A_209 = arith.constant 0 : i32
      %dma_wait3A_210 = tpu.memref_slice %arg9[%dma_wait3A_208, %dma_wait3A_209] : memref<2x128xi32, #tpu.memory_space<vmem>> -> memref<1x128xi32, #tpu.memory_space<vmem>>
      %dma_wait3A_211 = tpu.memref_squeeze %dma_wait3A_210 : memref<1x128xi32, #tpu.memory_space<vmem>> -> memref<128xi32, #tpu.memory_space<vmem>>
      %dma_wait3A_212 = arith.constant 0 : i32
      %dma_wait3A_213 = arith.constant 0 : i32
      %dma_wait3A_214 = tpu.memref_slice %arg6[%dma_wait3A_212, %dma_wait3A_213] : memref<10240x128xf32, #tpu.memory_space<vmem_shared>> -> memref<10240x128xf32, #tpu.memory_space<vmem_shared>>
      tpu.wait_indirect_dma semaphore(%arg15 : memref<!tpu.dma_semaphore, #tpu.memory_space<semaphore_mem>>) src(%arg7 : memref<128x128xf32, #tpu.memory_space<vmem>>) dst(%dma_wait3A_214 : memref<10240x128xf32, #tpu.memory_space<vmem_shared>>)
      %dma_start3A_215 = arith.constant 0 : i32
      %dma_start3A_216 = arith.constant 0 : i32
      %dma_start3A_217 = tpu.memref_slice %arg11[%dma_start3A_215, %dma_start3A_216] : memref<2x128xi32, #tpu.memory_space<vmem>> -> memref<1x128xi32, #tpu.memory_space<vmem>>
      %dma_start3A_218 = tpu.memref_squeeze %dma_start3A_217 : memref<1x128xi32, #tpu.memory_space<vmem>> -> memref<128xi32, #tpu.memory_space<vmem>>
      %dma_start3A_219 = arith.constant 0 : i32
      %dma_start3A_220 = arith.constant 0 : i32
      %dma_start3A_221 = tpu.memref_slice %arg2[%dma_start3A_219, %dma_start3A_220] : memref<10000x128xf32, #tpu.memory_space<hbm>> -> memref<10000x128xf32, #tpu.memory_space<hbm>>
      tpu.enqueue_indirect_dma source(%dma_start3A_221 : memref<10000x128xf32, #tpu.memory_space<hbm>>) target(%arg7 : memref<128x128xf32, #tpu.memory_space<vmem>>) offsets(%dma_start3A_218 : memref<128xi32, #tpu.memory_space<vmem>>) semaphore(%arg13 : memref<!tpu.dma_semaphore, #tpu.memory_space<semaphore_mem>>)
      %dma_wait3A_222 = arith.constant 0 : i32
      %dma_wait3A_223 = arith.constant 0 : i32
      %dma_wait3A_224 = tpu.memref_slice %arg10[%dma_wait3A_222, %dma_wait3A_223] : memref<2x128xi32, #tpu.memory_space<vmem>> -> memref<1x128xi32, #tpu.memory_space<vmem>>
      %dma_wait3A_225 = tpu.memref_squeeze %dma_wait3A_224 : memref<1x128xi32, #tpu.memory_space<vmem>> -> memref<128xi32, #tpu.memory_space<vmem>>
      %dma_wait3A_226 = arith.constant 0 : i32
      %dma_wait3A_227 = arith.constant 0 : i32
      %dma_wait3A_228 = tpu.memref_slice %arg2[%dma_wait3A_226, %dma_wait3A_227] : memref<10000x128xf32, #tpu.memory_space<hbm>> -> memref<10000x128xf32, #tpu.memory_space<hbm>>
      tpu.wait_indirect_dma semaphore(%arg14 : memref<!tpu.dma_semaphore, #tpu.memory_space<semaphore_mem>>) src(%dma_wait3A_228 : memref<10000x128xf32, #tpu.memory_space<hbm>>) dst(%arg8 : memref<128x128xf32, #tpu.memory_space<vmem>>)
      %dma_start3A_229 = arith.constant 1 : i32
      %dma_start3A_230 = arith.constant 0 : i32
      %dma_start3A_231 = tpu.memref_slice %arg10[%dma_start3A_229, %dma_start3A_230] : memref<2x128xi32, #tpu.memory_space<vmem>> -> memref<1x128xi32, #tpu.memory_space<vmem>>
      %dma_start3A_232 = tpu.memref_squeeze %dma_start3A_231 : memref<1x128xi32, #tpu.memory_space<vmem>> -> memref<128xi32, #tpu.memory_space<vmem>>
      %dma_start3A_233 = arith.constant 0 : i32
      %dma_start3A_234 = arith.constant 0 : i32
      %dma_start3A_235 = tpu.memref_slice %arg6[%dma_start3A_233, %dma_start3A_234] : memref<10240x128xf32, #tpu.memory_space<vmem_shared>> -> memref<10240x128xf32, #tpu.memory_space<vmem_shared>>
      tpu.enqueue_indirect_dma source(%arg8 : memref<128x128xf32, #tpu.memory_space<vmem>>) target(%dma_start3A_235 : memref<10240x128xf32, #tpu.memory_space<vmem_shared>>) offsets(%dma_start3A_232 : memref<128xi32, #tpu.memory_space<vmem>>) semaphore(%arg15 : memref<!tpu.dma_semaphore, #tpu.memory_space<semaphore_mem>>) {add = true}
      %dma_wait3A_236 = arith.constant 1 : i32
      %dma_wait3A_237 = arith.constant 0 : i32
      %dma_wait3A_238 = tpu.memref_slice %arg10[%dma_wait3A_236, %dma_wait3A_237] : memref<2x128xi32, #tpu.memory_space<vmem>> -> memref<1x128xi32, #tpu.memory_space<vmem>>
      %dma_wait3A_239 = tpu.memref_squeeze %dma_wait3A_238 : memref<1x128xi32, #tpu.memory_space<vmem>> -> memref<128xi32, #tpu.memory_space<vmem>>
      %dma_wait3A_240 = arith.constant 0 : i32
      %dma_wait3A_241 = arith.constant 0 : i32
      %dma_wait3A_242 = tpu.memref_slice %arg6[%dma_wait3A_240, %dma_wait3A_241] : memref<10240x128xf32, #tpu.memory_space<vmem_shared>> -> memref<10240x128xf32, #tpu.memory_space<vmem_shared>>
      tpu.wait_indirect_dma semaphore(%arg15 : memref<!tpu.dma_semaphore, #tpu.memory_space<semaphore_mem>>) src(%arg8 : memref<128x128xf32, #tpu.memory_space<vmem>>) dst(%dma_wait3A_242 : memref<10240x128xf32, #tpu.memory_space<vmem_shared>>)
      %dma_start3A_243 = arith.constant 0 : i32
      %dma_start3A_244 = arith.constant 0 : i32
      %dma_start3A_245 = tpu.memref_slice %arg12[%dma_start3A_243, %dma_start3A_244] : memref<2x128xi32, #tpu.memory_space<vmem>> -> memref<1x128xi32, #tpu.memory_space<vmem>>
      %dma_start3A_246 = tpu.memref_squeeze %dma_start3A_245 : memref<1x128xi32, #tpu.memory_space<vmem>> -> memref<128xi32, #tpu.memory_space<vmem>>
      %dma_start3A_247 = arith.constant 0 : i32
      %dma_start3A_248 = arith.constant 0 : i32
      %dma_start3A_249 = tpu.memref_slice %arg2[%dma_start3A_247, %dma_start3A_248] : memref<10000x128xf32, #tpu.memory_space<hbm>> -> memref<10000x128xf32, #tpu.memory_space<hbm>>
      tpu.enqueue_indirect_dma source(%dma_start3A_249 : memref<10000x128xf32, #tpu.memory_space<hbm>>) target(%arg8 : memref<128x128xf32, #tpu.memory_space<vmem>>) offsets(%dma_start3A_246 : memref<128xi32, #tpu.memory_space<vmem>>) semaphore(%arg14 : memref<!tpu.dma_semaphore, #tpu.memory_space<semaphore_mem>>)
      %dma_wait3A_250 = arith.constant 0 : i32
      %dma_wait3A_251 = arith.constant 0 : i32
      %dma_wait3A_252 = tpu.memref_slice %arg11[%dma_wait3A_250, %dma_wait3A_251] : memref<2x128xi32, #tpu.memory_space<vmem>> -> memref<1x128xi32, #tpu.memory_space<vmem>>
      %dma_wait3A_253 = tpu.memref_squeeze %dma_wait3A_252 : memref<1x128xi32, #tpu.memory_space<vmem>> -> memref<128xi32, #tpu.memory_space<vmem>>
      %dma_wait3A_254 = arith.constant 0 : i32
      %dma_wait3A_255 = arith.constant 0 : i32
      %dma_wait3A_256 = tpu.memref_slice %arg2[%dma_wait3A_254, %dma_wait3A_255] : memref<10000x128xf32, #tpu.memory_space<hbm>> -> memref<10000x128xf32, #tpu.memory_space<hbm>>
      tpu.wait_indirect_dma semaphore(%arg13 : memref<!tpu.dma_semaphore, #tpu.memory_space<semaphore_mem>>) src(%dma_wait3A_256 : memref<10000x128xf32, #tpu.memory_space<hbm>>) dst(%arg7 : memref<128x128xf32, #tpu.memory_space<vmem>>)
      %dma_start3A_257 = arith.constant 1 : i32
      %dma_start3A_258 = arith.constant 0 : i32
      %dma_start3A_259 = tpu.memref_slice %arg11[%dma_start3A_257, %dma_start3A_258] : memref<2x128xi32, #tpu.memory_space<vmem>> -> memref<1x128xi32, #tpu.memory_space<vmem>>
      %dma_start3A_260 = tpu.memref_squeeze %dma_start3A_259 : memref<1x128xi32, #tpu.memory_space<vmem>> -> memref<128xi32, #tpu.memory_space<vmem>>
      %dma_start3A_261 = arith.constant 0 : i32
      %dma_start3A_262 = arith.constant 0 : i32
      %dma_start3A_263 = tpu.memref_slice %arg6[%dma_start3A_261, %dma_start3A_262] : memref<10240x128xf32, #tpu.memory_space<vmem_shared>> -> memref<10240x128xf32, #tpu.memory_space<vmem_shared>>
      tpu.enqueue_indirect_dma source(%arg7 : memref<128x128xf32, #tpu.memory_space<vmem>>) target(%dma_start3A_263 : memref<10240x128xf32, #tpu.memory_space<vmem_shared>>) offsets(%dma_start3A_260 : memref<128xi32, #tpu.memory_space<vmem>>) semaphore(%arg15 : memref<!tpu.dma_semaphore, #tpu.memory_space<semaphore_mem>>) {add = true}
      %dma_wait3A_264 = arith.constant 1 : i32
      %dma_wait3A_265 = arith.constant 0 : i32
      %dma_wait3A_266 = tpu.memref_slice %arg11[%dma_wait3A_264, %dma_wait3A_265] : memref<2x128xi32, #tpu.memory_space<vmem>> -> memref<1x128xi32, #tpu.memory_space<vmem>>
      %dma_wait3A_267 = tpu.memref_squeeze %dma_wait3A_266 : memref<1x128xi32, #tpu.memory_space<vmem>> -> memref<128xi32, #tpu.memory_space<vmem>>
      %dma_wait3A_268 = arith.constant 0 : i32
      %dma_wait3A_269 = arith.constant 0 : i32
      %dma_wait3A_270 = tpu.memref_slice %arg6[%dma_wait3A_268, %dma_wait3A_269] : memref<10240x128xf32, #tpu.memory_space<vmem_shared>> -> memref<10240x128xf32, #tpu.memory_space<vmem_shared>>
      tpu.wait_indirect_dma semaphore(%arg15 : memref<!tpu.dma_semaphore, #tpu.memory_space<semaphore_mem>>) src(%arg7 : memref<128x128xf32, #tpu.memory_space<vmem>>) dst(%dma_wait3A_270 : memref<10240x128xf32, #tpu.memory_space<vmem_shared>>)
      %add3A_271 = arith.constant 4 : i32
      %add3A_272 = arith.addi %mul3A_127, %add3A_271 : i32
      %add3A_273 = arith.constant 0 : i32
      %add3A_274 = arith.addi %add3A_272, %add3A_273 : i32
      %lt3A_275 = arith.constant 78 : i32
      %lt3A_276 = arith.cmpi slt, %add3A_274, %lt3A_275 : i32
      %lt3A_277 = arith.constant 79 : i32
      %lt3A_278 = arith.cmpi slt, %add3A_274, %lt3A_277 : i32
      %lt3A_279 = arith.constant 4 : i32
      %lt3A_280 = arith.cmpi slt, %add3A, %lt3A_279 : i32
      %and3A = arith.andi %lt3A_278, %lt3A_280 : i1
      %or3A = arith.ori %lt3A_276, %and3A : i1
      %convert_element_type3A_281 = arith.extui %or3A : i1 to i32
      %cond3A_282 = arith.constant 0 : i32
      %cond3A_283 = arith.cmpi ne, %convert_element_type3A_281, %cond3A_282 : i32
      scf.if %cond3A_283 {
        %mul3A_342 = arith.constant 32 : i32
        %mul3A_343 = arith.muli %add3A_274, %mul3A_342 : i32
        %add3A_344 = arith.addi %add3A, %mul3A_343 : i32
        %dma_start3A_345 = arith.constant 0 : i32
        %dma_start3A_346 = arith.constant 0 : i32
        %dma_start3A_347 = tpu.memref_slice %arg3[%add3A_344, %dma_start3A_345, %dma_start3A_346] : memref<2500x2x128xi32, #tpu.memory_space<hbm>> -> memref<1x2x128xi32, #tpu.memory_space<hbm>>
        %dma_start3A_348 = tpu.memref_squeeze %dma_start3A_347 : memref<1x2x128xi32, #tpu.memory_space<hbm>> -> memref<2x128xi32, #tpu.memory_space<hbm>>
        %dma_start3A_349 = arith.constant 0 : i32
        %dma_start3A_350 = arith.constant 0 : i32
        %dma_start3A_351 = tpu.memref_slice %arg3[%add3A_344, %dma_start3A_349, %dma_start3A_350] : memref<2500x2x128xi32, #tpu.memory_space<hbm>> -> memref<1x2x128xi32, #tpu.memory_space<hbm>>
        %dma_start3A_352 = tpu.memref_squeeze %dma_start3A_351 : memref<1x2x128xi32, #tpu.memory_space<hbm>> -> memref<2x128xi32, #tpu.memory_space<hbm>>
        tpu.enqueue_dma source(%dma_start3A_352 : memref<2x128xi32, #tpu.memory_space<hbm>>) target(%arg9 : memref<2x128xi32, #tpu.memory_space<vmem>>) target_semaphore(%arg16 : memref<!tpu.dma_semaphore, #tpu.memory_space<semaphore_mem>>)
      } else {
      }
      %add3A_284 = arith.constant 4 : i32
      %add3A_285 = arith.addi %mul3A_127, %add3A_284 : i32
      %add3A_286 = arith.constant 1 : i32
      %add3A_287 = arith.addi %add3A_285, %add3A_286 : i32
      %lt3A_288 = arith.constant 78 : i32
      %lt3A_289 = arith.cmpi slt, %add3A_287, %lt3A_288 : i32
      %lt3A_290 = arith.constant 79 : i32
      %lt3A_291 = arith.cmpi slt, %add3A_287, %lt3A_290 : i32
      %lt3A_292 = arith.constant 4 : i32
      %lt3A_293 = arith.cmpi slt, %add3A, %lt3A_292 : i32
      %and3A_294 = arith.andi %lt3A_291, %lt3A_293 : i1
      %or3A_295 = arith.ori %lt3A_289, %and3A_294 : i1
      %convert_element_type3A_296 = arith.extui %or3A_295 : i1 to i32
      %cond3A_297 = arith.constant 0 : i32
      %cond3A_298 = arith.cmpi ne, %convert_element_type3A_296, %cond3A_297 : i32
      scf.if %cond3A_298 {
        %mul3A_342 = arith.constant 32 : i32
        %mul3A_343 = arith.muli %add3A_287, %mul3A_342 : i32
        %add3A_344 = arith.addi %add3A, %mul3A_343 : i32
        %dma_start3A_345 = arith.constant 0 : i32
        %dma_start3A_346 = arith.constant 0 : i32
        %dma_start3A_347 = tpu.memref_slice %arg3[%add3A_344, %dma_start3A_345, %dma_start3A_346] : memref<2500x2x128xi32, #tpu.memory_space<hbm>> -> memref<1x2x128xi32, #tpu.memory_space<hbm>>
        %dma_start3A_348 = tpu.memref_squeeze %dma_start3A_347 : memref<1x2x128xi32, #tpu.memory_space<hbm>> -> memref<2x128xi32, #tpu.memory_space<hbm>>
        %dma_start3A_349 = arith.constant 0 : i32
        %dma_start3A_350 = arith.constant 0 : i32
        %dma_start3A_351 = tpu.memref_slice %arg3[%add3A_344, %dma_start3A_349, %dma_start3A_350] : memref<2500x2x128xi32, #tpu.memory_space<hbm>> -> memref<1x2x128xi32, #tpu.memory_space<hbm>>
        %dma_start3A_352 = tpu.memref_squeeze %dma_start3A_351 : memref<1x2x128xi32, #tpu.memory_space<hbm>> -> memref<2x128xi32, #tpu.memory_space<hbm>>
        tpu.enqueue_dma source(%dma_start3A_352 : memref<2x128xi32, #tpu.memory_space<hbm>>) target(%arg10 : memref<2x128xi32, #tpu.memory_space<vmem>>) target_semaphore(%arg17 : memref<!tpu.dma_semaphore, #tpu.memory_space<semaphore_mem>>)
      } else {
      }
      %add3A_299 = arith.constant 4 : i32
      %add3A_300 = arith.addi %mul3A_127, %add3A_299 : i32
      %add3A_301 = arith.constant 2 : i32
      %add3A_302 = arith.addi %add3A_300, %add3A_301 : i32
      %lt3A_303 = arith.constant 78 : i32
      %lt3A_304 = arith.cmpi slt, %add3A_302, %lt3A_303 : i32
      %lt3A_305 = arith.constant 79 : i32
      %lt3A_306 = arith.cmpi slt, %add3A_302, %lt3A_305 : i32
      %lt3A_307 = arith.constant 4 : i32
      %lt3A_308 = arith.cmpi slt, %add3A, %lt3A_307 : i32
      %and3A_309 = arith.andi %lt3A_306, %lt3A_308 : i1
      %or3A_310 = arith.ori %lt3A_304, %and3A_309 : i1
      %convert_element_type3A_311 = arith.extui %or3A_310 : i1 to i32
      %cond3A_312 = arith.constant 0 : i32
      %cond3A_313 = arith.cmpi ne, %convert_element_type3A_311, %cond3A_312 : i32
      scf.if %cond3A_313 {
        %mul3A_342 = arith.constant 32 : i32
        %mul3A_343 = arith.muli %add3A_302, %mul3A_342 : i32
        %add3A_344 = arith.addi %add3A, %mul3A_343 : i32
        %dma_start3A_345 = arith.constant 0 : i32
        %dma_start3A_346 = arith.constant 0 : i32
        %dma_start3A_347 = tpu.memref_slice %arg3[%add3A_344, %dma_start3A_345, %dma_start3A_346] : memref<2500x2x128xi32, #tpu.memory_space<hbm>> -> memref<1x2x128xi32, #tpu.memory_space<hbm>>
        %dma_start3A_348 = tpu.memref_squeeze %dma_start3A_347 : memref<1x2x128xi32, #tpu.memory_space<hbm>> -> memref<2x128xi32, #tpu.memory_space<hbm>>
        %dma_start3A_349 = arith.constant 0 : i32
        %dma_start3A_350 = arith.constant 0 : i32
        %dma_start3A_351 = tpu.memref_slice %arg3[%add3A_344, %dma_start3A_349, %dma_start3A_350] : memref<2500x2x128xi32, #tpu.memory_space<hbm>> -> memref<1x2x128xi32, #tpu.memory_space<hbm>>
        %dma_start3A_352 = tpu.memref_squeeze %dma_start3A_351 : memref<1x2x128xi32, #tpu.memory_space<hbm>> -> memref<2x128xi32, #tpu.memory_space<hbm>>
        tpu.enqueue_dma source(%dma_start3A_352 : memref<2x128xi32, #tpu.memory_space<hbm>>) target(%arg11 : memref<2x128xi32, #tpu.memory_space<vmem>>) target_semaphore(%arg18 : memref<!tpu.dma_semaphore, #tpu.memory_space<semaphore_mem>>)
      } else {
      }
      %dma_wait3A_314 = arith.constant 0 : i32
      %dma_wait3A_315 = arith.constant 0 : i32
      %dma_wait3A_316 = tpu.memref_slice %arg12[%dma_wait3A_314, %dma_wait3A_315] : memref<2x128xi32, #tpu.memory_space<vmem>> -> memref<1x128xi32, #tpu.memory_space<vmem>>
      %dma_wait3A_317 = tpu.memref_squeeze %dma_wait3A_316 : memref<1x128xi32, #tpu.memory_space<vmem>> -> memref<128xi32, #tpu.memory_space<vmem>>
      %dma_wait3A_318 = arith.constant 0 : i32
      %dma_wait3A_319 = arith.constant 0 : i32
      %dma_wait3A_320 = tpu.memref_slice %arg2[%dma_wait3A_318, %dma_wait3A_319] : memref<10000x128xf32, #tpu.memory_space<hbm>> -> memref<10000x128xf32, #tpu.memory_space<hbm>>
      tpu.wait_indirect_dma semaphore(%arg14 : memref<!tpu.dma_semaphore, #tpu.memory_space<semaphore_mem>>) src(%dma_wait3A_320 : memref<10000x128xf32, #tpu.memory_space<hbm>>) dst(%arg8 : memref<128x128xf32, #tpu.memory_space<vmem>>)
      %dma_start3A_321 = arith.constant 1 : i32
      %dma_start3A_322 = arith.constant 0 : i32
      %dma_start3A_323 = tpu.memref_slice %arg12[%dma_start3A_321, %dma_start3A_322] : memref<2x128xi32, #tpu.memory_space<vmem>> -> memref<1x128xi32, #tpu.memory_space<vmem>>
      %dma_start3A_324 = tpu.memref_squeeze %dma_start3A_323 : memref<1x128xi32, #tpu.memory_space<vmem>> -> memref<128xi32, #tpu.memory_space<vmem>>
      %dma_start3A_325 = arith.constant 0 : i32
      %dma_start3A_326 = arith.constant 0 : i32
      %dma_start3A_327 = tpu.memref_slice %arg6[%dma_start3A_325, %dma_start3A_326] : memref<10240x128xf32, #tpu.memory_space<vmem_shared>> -> memref<10240x128xf32, #tpu.memory_space<vmem_shared>>
      tpu.enqueue_indirect_dma source(%arg8 : memref<128x128xf32, #tpu.memory_space<vmem>>) target(%dma_start3A_327 : memref<10240x128xf32, #tpu.memory_space<vmem_shared>>) offsets(%dma_start3A_324 : memref<128xi32, #tpu.memory_space<vmem>>) semaphore(%arg15 : memref<!tpu.dma_semaphore, #tpu.memory_space<semaphore_mem>>) {add = true}
      %dma_wait3A_328 = arith.constant 1 : i32
      %dma_wait3A_329 = arith.constant 0 : i32
      %dma_wait3A_330 = tpu.memref_slice %arg12[%dma_wait3A_328, %dma_wait3A_329] : memref<2x128xi32, #tpu.memory_space<vmem>> -> memref<1x128xi32, #tpu.memory_space<vmem>>
      %dma_wait3A_331 = tpu.memref_squeeze %dma_wait3A_330 : memref<1x128xi32, #tpu.memory_space<vmem>> -> memref<128xi32, #tpu.memory_space<vmem>>
      %dma_wait3A_332 = arith.constant 0 : i32
      %dma_wait3A_333 = arith.constant 0 : i32
      %dma_wait3A_334 = tpu.memref_slice %arg6[%dma_wait3A_332, %dma_wait3A_333] : memref<10240x128xf32, #tpu.memory_space<vmem_shared>> -> memref<10240x128xf32, #tpu.memory_space<vmem_shared>>
      tpu.wait_indirect_dma semaphore(%arg15 : memref<!tpu.dma_semaphore, #tpu.memory_space<semaphore_mem>>) src(%arg8 : memref<128x128xf32, #tpu.memory_space<vmem>>) dst(%dma_wait3A_334 : memref<10240x128xf32, #tpu.memory_space<vmem_shared>>)
      %add3A_335 = arith.constant 7 : i32
      %add3A_336 = arith.addi %mul3A_127, %add3A_335 : i32
      %lt3A_337 = arith.constant 78 : i32
      %lt3A_338 = arith.cmpi slt, %add3A_336, %lt3A_337 : i32
      %convert_element_type3A_339 = arith.extui %lt3A_338 : i1 to i32
      %cond3A_340 = arith.constant 0 : i32
      %cond3A_341 = arith.cmpi ne, %convert_element_type3A_339, %cond3A_340 : i32
      scf.if %cond3A_341 {
        %add3A_342 = arith.constant 7 : i32
        %add3A_343 = arith.addi %mul3A_127, %add3A_342 : i32
        %mul3A_344 = arith.constant 32 : i32
        %mul3A_345 = arith.muli %add3A_343, %mul3A_344 : i32
        %add3A_346 = arith.addi %add3A, %mul3A_345 : i32
        %dma_start3A_347 = arith.constant 0 : i32
        %dma_start3A_348 = arith.constant 0 : i32
        %dma_start3A_349 = tpu.memref_slice %arg3[%add3A_346, %dma_start3A_347, %dma_start3A_348] : memref<2500x2x128xi32, #tpu.memory_space<hbm>> -> memref<1x2x128xi32, #tpu.memory_space<hbm>>
        %dma_start3A_350 = tpu.memref_squeeze %dma_start3A_349 : memref<1x2x128xi32, #tpu.memory_space<hbm>> -> memref<2x128xi32, #tpu.memory_space<hbm>>
        %dma_start3A_351 = arith.constant 0 : i32
        %dma_start3A_352 = arith.constant 0 : i32
        %dma_start3A_353 = tpu.memref_slice %arg3[%add3A_346, %dma_start3A_351, %dma_start3A_352] : memref<2500x2x128xi32, #tpu.memory_space<hbm>> -> memref<1x2x128xi32, #tpu.memory_space<hbm>>
        %dma_start3A_354 = tpu.memref_squeeze %dma_start3A_353 : memref<1x2x128xi32, #tpu.memory_space<hbm>> -> memref<2x128xi32, #tpu.memory_space<hbm>>
        tpu.enqueue_dma source(%dma_start3A_354 : memref<2x128xi32, #tpu.memory_space<hbm>>) target(%arg12 : memref<2x128xi32, #tpu.memory_space<vmem>>) target_semaphore(%arg19 : memref<!tpu.dma_semaphore, #tpu.memory_space<semaphore_mem>>)
      } else {
      }
    }
    %scan3A_46 = arith.constant 19 : i32
    %add3A_47 = arith.constant 2432 : i32
    %add3A_48 = arith.addi %add3A, %add3A_47 : i32
    %dma_wait3A = arith.constant 0 : i32
    %dma_wait3A_49 = arith.constant 0 : i32
    %dma_wait3A_50 = tpu.memref_slice %arg3[%add3A_48, %dma_wait3A, %dma_wait3A_49] : memref<2500x2x128xi32, #tpu.memory_space<hbm>> -> memref<1x2x128xi32, #tpu.memory_space<hbm>>
    %dma_wait3A_51 = tpu.memref_squeeze %dma_wait3A_50 : memref<1x2x128xi32, #tpu.memory_space<hbm>> -> memref<2x128xi32, #tpu.memory_space<hbm>>
    %dma_wait3A_52 = arith.constant 0 : i32
    %dma_wait3A_53 = arith.constant 0 : i32
    %dma_wait3A_54 = tpu.memref_slice %arg3[%add3A_48, %dma_wait3A_52, %dma_wait3A_53] : memref<2500x2x128xi32, #tpu.memory_space<hbm>> -> memref<1x2x128xi32, #tpu.memory_space<hbm>>
    %dma_wait3A_55 = tpu.memref_squeeze %dma_wait3A_54 : memref<1x2x128xi32, #tpu.memory_space<hbm>> -> memref<2x128xi32, #tpu.memory_space<hbm>>
    tpu.wait_dma2 semaphore(%arg16 : memref<!tpu.dma_semaphore, #tpu.memory_space<semaphore_mem>>) src(%dma_wait3A_55 : memref<2x128xi32, #tpu.memory_space<hbm>>) dst(%arg9 : memref<2x128xi32, #tpu.memory_space<vmem>>)
    %add3A_56 = arith.constant 2464 : i32
    %add3A_57 = arith.addi %add3A, %add3A_56 : i32
    %dma_wait3A_58 = arith.constant 0 : i32
    %dma_wait3A_59 = arith.constant 0 : i32
    %dma_wait3A_60 = tpu.memref_slice %arg3[%add3A_57, %dma_wait3A_58, %dma_wait3A_59] : memref<2500x2x128xi32, #tpu.memory_space<hbm>> -> memref<1x2x128xi32, #tpu.memory_space<hbm>>
    %dma_wait3A_61 = tpu.memref_squeeze %dma_wait3A_60 : memref<1x2x128xi32, #tpu.memory_space<hbm>> -> memref<2x128xi32, #tpu.memory_space<hbm>>
    %dma_wait3A_62 = arith.constant 0 : i32
    %dma_wait3A_63 = arith.constant 0 : i32
    %dma_wait3A_64 = tpu.memref_slice %arg3[%add3A_57, %dma_wait3A_62, %dma_wait3A_63] : memref<2500x2x128xi32, #tpu.memory_space<hbm>> -> memref<1x2x128xi32, #tpu.memory_space<hbm>>
    %dma_wait3A_65 = tpu.memref_squeeze %dma_wait3A_64 : memref<1x2x128xi32, #tpu.memory_space<hbm>> -> memref<2x128xi32, #tpu.memory_space<hbm>>
    tpu.wait_dma2 semaphore(%arg17 : memref<!tpu.dma_semaphore, #tpu.memory_space<semaphore_mem>>) src(%dma_wait3A_65 : memref<2x128xi32, #tpu.memory_space<hbm>>) dst(%arg10 : memref<2x128xi32, #tpu.memory_space<vmem>>)
    %dma_start3A_66 = arith.constant 0 : i32
    %dma_start3A_67 = arith.constant 0 : i32
    %dma_start3A_68 = tpu.memref_slice %arg9[%dma_start3A_66, %dma_start3A_67] : memref<2x128xi32, #tpu.memory_space<vmem>> -> memref<1x128xi32, #tpu.memory_space<vmem>>
    %dma_start3A_69 = tpu.memref_squeeze %dma_start3A_68 : memref<1x128xi32, #tpu.memory_space<vmem>> -> memref<128xi32, #tpu.memory_space<vmem>>
    %dma_start3A_70 = arith.constant 0 : i32
    %dma_start3A_71 = arith.constant 0 : i32
    %dma_start3A_72 = tpu.memref_slice %arg2[%dma_start3A_70, %dma_start3A_71] : memref<10000x128xf32, #tpu.memory_space<hbm>> -> memref<10000x128xf32, #tpu.memory_space<hbm>>
    tpu.enqueue_indirect_dma source(%dma_start3A_72 : memref<10000x128xf32, #tpu.memory_space<hbm>>) target(%arg7 : memref<128x128xf32, #tpu.memory_space<vmem>>) offsets(%dma_start3A_69 : memref<128xi32, #tpu.memory_space<vmem>>) semaphore(%arg13 : memref<!tpu.dma_semaphore, #tpu.memory_space<semaphore_mem>>)
    %dma_start3A_73 = arith.constant 0 : i32
    %dma_start3A_74 = arith.constant 0 : i32
    %dma_start3A_75 = tpu.memref_slice %arg10[%dma_start3A_73, %dma_start3A_74] : memref<2x128xi32, #tpu.memory_space<vmem>> -> memref<1x128xi32, #tpu.memory_space<vmem>>
    %dma_start3A_76 = tpu.memref_squeeze %dma_start3A_75 : memref<1x128xi32, #tpu.memory_space<vmem>> -> memref<128xi32, #tpu.memory_space<vmem>>
    %dma_start3A_77 = arith.constant 0 : i32
    %dma_start3A_78 = arith.constant 0 : i32
    %dma_start3A_79 = tpu.memref_slice %arg2[%dma_start3A_77, %dma_start3A_78] : memref<10000x128xf32, #tpu.memory_space<hbm>> -> memref<10000x128xf32, #tpu.memory_space<hbm>>
    tpu.enqueue_indirect_dma source(%dma_start3A_79 : memref<10000x128xf32, #tpu.memory_space<hbm>>) target(%arg8 : memref<128x128xf32, #tpu.memory_space<vmem>>) offsets(%dma_start3A_76 : memref<128xi32, #tpu.memory_space<vmem>>) semaphore(%arg14 : memref<!tpu.dma_semaphore, #tpu.memory_space<semaphore_mem>>)
    %dma_wait3A_80 = arith.constant 0 : i32
    %dma_wait3A_81 = arith.constant 0 : i32
    %dma_wait3A_82 = tpu.memref_slice %arg9[%dma_wait3A_80, %dma_wait3A_81] : memref<2x128xi32, #tpu.memory_space<vmem>> -> memref<1x128xi32, #tpu.memory_space<vmem>>
    %dma_wait3A_83 = tpu.memref_squeeze %dma_wait3A_82 : memref<1x128xi32, #tpu.memory_space<vmem>> -> memref<128xi32, #tpu.memory_space<vmem>>
    %dma_wait3A_84 = arith.constant 0 : i32
    %dma_wait3A_85 = arith.constant 0 : i32
    %dma_wait3A_86 = tpu.memref_slice %arg2[%dma_wait3A_84, %dma_wait3A_85] : memref<10000x128xf32, #tpu.memory_space<hbm>> -> memref<10000x128xf32, #tpu.memory_space<hbm>>
    tpu.wait_indirect_dma semaphore(%arg13 : memref<!tpu.dma_semaphore, #tpu.memory_space<semaphore_mem>>) src(%dma_wait3A_86 : memref<10000x128xf32, #tpu.memory_space<hbm>>) dst(%arg7 : memref<128x128xf32, #tpu.memory_space<vmem>>)
    %dma_start3A_87 = arith.constant 1 : i32
    %dma_start3A_88 = arith.constant 0 : i32
    %dma_start3A_89 = tpu.memref_slice %arg9[%dma_start3A_87, %dma_start3A_88] : memref<2x128xi32, #tpu.memory_space<vmem>> -> memref<1x128xi32, #tpu.memory_space<vmem>>
    %dma_start3A_90 = tpu.memref_squeeze %dma_start3A_89 : memref<1x128xi32, #tpu.memory_space<vmem>> -> memref<128xi32, #tpu.memory_space<vmem>>
    %dma_start3A_91 = arith.constant 0 : i32
    %dma_start3A_92 = arith.constant 0 : i32
    %dma_start3A_93 = tpu.memref_slice %arg6[%dma_start3A_91, %dma_start3A_92] : memref<10240x128xf32, #tpu.memory_space<vmem_shared>> -> memref<10240x128xf32, #tpu.memory_space<vmem_shared>>
    tpu.enqueue_indirect_dma source(%arg7 : memref<128x128xf32, #tpu.memory_space<vmem>>) target(%dma_start3A_93 : memref<10240x128xf32, #tpu.memory_space<vmem_shared>>) offsets(%dma_start3A_90 : memref<128xi32, #tpu.memory_space<vmem>>) semaphore(%arg15 : memref<!tpu.dma_semaphore, #tpu.memory_space<semaphore_mem>>) {add = true}
    %dma_wait3A_94 = arith.constant 1 : i32
    %dma_wait3A_95 = arith.constant 0 : i32
    %dma_wait3A_96 = tpu.memref_slice %arg9[%dma_wait3A_94, %dma_wait3A_95] : memref<2x128xi32, #tpu.memory_space<vmem>> -> memref<1x128xi32, #tpu.memory_space<vmem>>
    %dma_wait3A_97 = tpu.memref_squeeze %dma_wait3A_96 : memref<1x128xi32, #tpu.memory_space<vmem>> -> memref<128xi32, #tpu.memory_space<vmem>>
    %dma_wait3A_98 = arith.constant 0 : i32
    %dma_wait3A_99 = arith.constant 0 : i32
    %dma_wait3A_100 = tpu.memref_slice %arg6[%dma_wait3A_98, %dma_wait3A_99] : memref<10240x128xf32, #tpu.memory_space<vmem_shared>> -> memref<10240x128xf32, #tpu.memory_space<vmem_shared>>
    tpu.wait_indirect_dma semaphore(%arg15 : memref<!tpu.dma_semaphore, #tpu.memory_space<semaphore_mem>>) src(%arg7 : memref<128x128xf32, #tpu.memory_space<vmem>>) dst(%dma_wait3A_100 : memref<10240x128xf32, #tpu.memory_space<vmem_shared>>)
    %dma_wait3A_101 = arith.constant 0 : i32
    %dma_wait3A_102 = arith.constant 0 : i32
    %dma_wait3A_103 = tpu.memref_slice %arg10[%dma_wait3A_101, %dma_wait3A_102] : memref<2x128xi32, #tpu.memory_space<vmem>> -> memref<1x128xi32, #tpu.memory_space<vmem>>
    %dma_wait3A_104 = tpu.memref_squeeze %dma_wait3A_103 : memref<1x128xi32, #tpu.memory_space<vmem>> -> memref<128xi32, #tpu.memory_space<vmem>>
    %dma_wait3A_105 = arith.constant 0 : i32
    %dma_wait3A_106 = arith.constant 0 : i32
    %dma_wait3A_107 = tpu.memref_slice %arg2[%dma_wait3A_105, %dma_wait3A_106] : memref<10000x128xf32, #tpu.memory_space<hbm>> -> memref<10000x128xf32, #tpu.memory_space<hbm>>
    tpu.wait_indirect_dma semaphore(%arg14 : memref<!tpu.dma_semaphore, #tpu.memory_space<semaphore_mem>>) src(%dma_wait3A_107 : memref<10000x128xf32, #tpu.memory_space<hbm>>) dst(%arg8 : memref<128x128xf32, #tpu.memory_space<vmem>>)
    %dma_start3A_108 = arith.constant 1 : i32
    %dma_start3A_109 = arith.constant 0 : i32
    %dma_start3A_110 = tpu.memref_slice %arg10[%dma_start3A_108, %dma_start3A_109] : memref<2x128xi32, #tpu.memory_space<vmem>> -> memref<1x128xi32, #tpu.memory_space<vmem>>
    %dma_start3A_111 = tpu.memref_squeeze %dma_start3A_110 : memref<1x128xi32, #tpu.memory_space<vmem>> -> memref<128xi32, #tpu.memory_space<vmem>>
    %dma_start3A_112 = arith.constant 0 : i32
    %dma_start3A_113 = arith.constant 0 : i32
    %dma_start3A_114 = tpu.memref_slice %arg6[%dma_start3A_112, %dma_start3A_113] : memref<10240x128xf32, #tpu.memory_space<vmem_shared>> -> memref<10240x128xf32, #tpu.memory_space<vmem_shared>>
    tpu.enqueue_indirect_dma source(%arg8 : memref<128x128xf32, #tpu.memory_space<vmem>>) target(%dma_start3A_114 : memref<10240x128xf32, #tpu.memory_space<vmem_shared>>) offsets(%dma_start3A_111 : memref<128xi32, #tpu.memory_space<vmem>>) semaphore(%arg15 : memref<!tpu.dma_semaphore, #tpu.memory_space<semaphore_mem>>) {add = true}
    %dma_wait3A_115 = arith.constant 1 : i32
    %dma_wait3A_116 = arith.constant 0 : i32
    %dma_wait3A_117 = tpu.memref_slice %arg10[%dma_wait3A_115, %dma_wait3A_116] : memref<2x128xi32, #tpu.memory_space<vmem>> -> memref<1x128xi32, #tpu.memory_space<vmem>>
    %dma_wait3A_118 = tpu.memref_squeeze %dma_wait3A_117 : memref<1x128xi32, #tpu.memory_space<vmem>> -> memref<128xi32, #tpu.memory_space<vmem>>
    %dma_wait3A_119 = arith.constant 0 : i32
    %dma_wait3A_120 = arith.constant 0 : i32
    %dma_wait3A_121 = tpu.memref_slice %arg6[%dma_wait3A_119, %dma_wait3A_120] : memref<10240x128xf32, #tpu.memory_space<vmem_shared>> -> memref<10240x128xf32, #tpu.memory_space<vmem_shared>>
    tpu.wait_indirect_dma semaphore(%arg15 : memref<!tpu.dma_semaphore, #tpu.memory_space<semaphore_mem>>) src(%arg8 : memref<128x128xf32, #tpu.memory_space<vmem>>) dst(%dma_wait3A_121 : memref<10240x128xf32, #tpu.memory_space<vmem_shared>>)
    %lt3A = arith.constant 4 : i32
    %lt3A_122 = arith.cmpi slt, %add3A, %lt3A : i32
    %convert_element_type3A = arith.extui %lt3A_122 : i1 to i32
    %cond3A = arith.constant 0 : i32
    %cond3A_123 = arith.cmpi ne, %convert_element_type3A, %cond3A : i32
    scf.if %cond3A_123 {
      %add3A_125 = arith.constant 2496 : i32
      %add3A_126 = arith.addi %add3A, %add3A_125 : i32
      %dma_wait3A_127 = arith.constant 0 : i32
      %dma_wait3A_128 = arith.constant 0 : i32
      %dma_wait3A_129 = tpu.memref_slice %arg3[%add3A_126, %dma_wait3A_127, %dma_wait3A_128] : memref<2500x2x128xi32, #tpu.memory_space<hbm>> -> memref<1x2x128xi32, #tpu.memory_space<hbm>>
      %dma_wait3A_130 = tpu.memref_squeeze %dma_wait3A_129 : memref<1x2x128xi32, #tpu.memory_space<hbm>> -> memref<2x128xi32, #tpu.memory_space<hbm>>
      %dma_wait3A_131 = arith.constant 0 : i32
      %dma_wait3A_132 = arith.constant 0 : i32
      %dma_wait3A_133 = tpu.memref_slice %arg3[%add3A_126, %dma_wait3A_131, %dma_wait3A_132] : memref<2500x2x128xi32, #tpu.memory_space<hbm>> -> memref<1x2x128xi32, #tpu.memory_space<hbm>>
      %dma_wait3A_134 = tpu.memref_squeeze %dma_wait3A_133 : memref<1x2x128xi32, #tpu.memory_space<hbm>> -> memref<2x128xi32, #tpu.memory_space<hbm>>
      tpu.wait_dma2 semaphore(%arg18 : memref<!tpu.dma_semaphore, #tpu.memory_space<semaphore_mem>>) src(%dma_wait3A_134 : memref<2x128xi32, #tpu.memory_space<hbm>>) dst(%arg11 : memref<2x128xi32, #tpu.memory_space<vmem>>)
      %dma_start3A_135 = arith.constant 0 : i32
      %dma_start3A_136 = arith.constant 0 : i32
      %dma_start3A_137 = tpu.memref_slice %arg11[%dma_start3A_135, %dma_start3A_136] : memref<2x128xi32, #tpu.memory_space<vmem>> -> memref<1x128xi32, #tpu.memory_space<vmem>>
      %dma_start3A_138 = tpu.memref_squeeze %dma_start3A_137 : memref<1x128xi32, #tpu.memory_space<vmem>> -> memref<128xi32, #tpu.memory_space<vmem>>
      %dma_start3A_139 = arith.constant 0 : i32
      %dma_start3A_140 = arith.constant 0 : i32
      %dma_start3A_141 = tpu.memref_slice %arg2[%dma_start3A_139, %dma_start3A_140] : memref<10000x128xf32, #tpu.memory_space<hbm>> -> memref<10000x128xf32, #tpu.memory_space<hbm>>
      tpu.enqueue_indirect_dma source(%dma_start3A_141 : memref<10000x128xf32, #tpu.memory_space<hbm>>) target(%arg7 : memref<128x128xf32, #tpu.memory_space<vmem>>) offsets(%dma_start3A_138 : memref<128xi32, #tpu.memory_space<vmem>>) semaphore(%arg13 : memref<!tpu.dma_semaphore, #tpu.memory_space<semaphore_mem>>)
      %dma_wait3A_142 = arith.constant 0 : i32
      %dma_wait3A_143 = arith.constant 0 : i32
      %dma_wait3A_144 = tpu.memref_slice %arg11[%dma_wait3A_142, %dma_wait3A_143] : memref<2x128xi32, #tpu.memory_space<vmem>> -> memref<1x128xi32, #tpu.memory_space<vmem>>
      %dma_wait3A_145 = tpu.memref_squeeze %dma_wait3A_144 : memref<1x128xi32, #tpu.memory_space<vmem>> -> memref<128xi32, #tpu.memory_space<vmem>>
      %dma_wait3A_146 = arith.constant 0 : i32
      %dma_wait3A_147 = arith.constant 0 : i32
      %dma_wait3A_148 = tpu.memref_slice %arg2[%dma_wait3A_146, %dma_wait3A_147] : memref<10000x128xf32, #tpu.memory_space<hbm>> -> memref<10000x128xf32, #tpu.memory_space<hbm>>
      tpu.wait_indirect_dma semaphore(%arg13 : memref<!tpu.dma_semaphore, #tpu.memory_space<semaphore_mem>>) src(%dma_wait3A_148 : memref<10000x128xf32, #tpu.memory_space<hbm>>) dst(%arg7 : memref<128x128xf32, #tpu.memory_space<vmem>>)
      %dma_start3A_149 = arith.constant 1 : i32
      %dma_start3A_150 = arith.constant 0 : i32
      %dma_start3A_151 = tpu.memref_slice %arg11[%dma_start3A_149, %dma_start3A_150] : memref<2x128xi32, #tpu.memory_space<vmem>> -> memref<1x128xi32, #tpu.memory_space<vmem>>
      %dma_start3A_152 = tpu.memref_squeeze %dma_start3A_151 : memref<1x128xi32, #tpu.memory_space<vmem>> -> memref<128xi32, #tpu.memory_space<vmem>>
      %dma_start3A_153 = arith.constant 0 : i32
      %dma_start3A_154 = arith.constant 0 : i32
      %dma_start3A_155 = tpu.memref_slice %arg6[%dma_start3A_153, %dma_start3A_154] : memref<10240x128xf32, #tpu.memory_space<vmem_shared>> -> memref<10240x128xf32, #tpu.memory_space<vmem_shared>>
      tpu.enqueue_indirect_dma source(%arg7 : memref<128x128xf32, #tpu.memory_space<vmem>>) target(%dma_start3A_155 : memref<10240x128xf32, #tpu.memory_space<vmem_shared>>) offsets(%dma_start3A_152 : memref<128xi32, #tpu.memory_space<vmem>>) semaphore(%arg15 : memref<!tpu.dma_semaphore, #tpu.memory_space<semaphore_mem>>) {add = true}
      %dma_wait3A_156 = arith.constant 1 : i32
      %dma_wait3A_157 = arith.constant 0 : i32
      %dma_wait3A_158 = tpu.memref_slice %arg11[%dma_wait3A_156, %dma_wait3A_157] : memref<2x128xi32, #tpu.memory_space<vmem>> -> memref<1x128xi32, #tpu.memory_space<vmem>>
      %dma_wait3A_159 = tpu.memref_squeeze %dma_wait3A_158 : memref<1x128xi32, #tpu.memory_space<vmem>> -> memref<128xi32, #tpu.memory_space<vmem>>
      %dma_wait3A_160 = arith.constant 0 : i32
      %dma_wait3A_161 = arith.constant 0 : i32
      %dma_wait3A_162 = tpu.memref_slice %arg6[%dma_wait3A_160, %dma_wait3A_161] : memref<10240x128xf32, #tpu.memory_space<vmem_shared>> -> memref<10240x128xf32, #tpu.memory_space<vmem_shared>>
      tpu.wait_indirect_dma semaphore(%arg15 : memref<!tpu.dma_semaphore, #tpu.memory_space<semaphore_mem>>) src(%arg7 : memref<128x128xf32, #tpu.memory_space<vmem>>) dst(%dma_wait3A_162 : memref<10240x128xf32, #tpu.memory_space<vmem_shared>>)
    } else {
    }
    %barrier3A_124 = arith.constant 0 : index
    tpu.barrier barrier_id(%barrier3A_124)
    "tpu.region"() ({
      %run_scoped3A = tpu.sem_alloc : memref<!tpu.dma_semaphore, #tpu.memory_space<semaphore_mem>>
      %dma_start3A_125 = arith.constant 0 : i32
      %dma_start3A_126 = tpu.memref_slice %arg5[%arg0, %mul3A_0, %dma_start3A_125] : memref<2x10240x128xf32, #tpu.memory_space<hbm>> -> memref<1x640x128xf32, #tpu.memory_space<hbm>>
      %dma_start3A_127 = tpu.memref_squeeze %dma_start3A_126 : memref<1x640x128xf32, #tpu.memory_space<hbm>> -> memref<640x128xf32, #tpu.memory_space<hbm>>
      %dma_start3A_128 = arith.constant 0 : i32
      %dma_start3A_129 = tpu.memref_slice %arg6[%mul3A_0, %dma_start3A_128] : memref<10240x128xf32, #tpu.memory_space<vmem_shared>> -> memref<640x128xf32, #tpu.memory_space<vmem_shared>>
      tpu.enqueue_dma source(%dma_start3A_129 : memref<640x128xf32, #tpu.memory_space<vmem_shared>>) target(%dma_start3A_127 : memref<640x128xf32, #tpu.memory_space<hbm>>) target_semaphore(%run_scoped3A : memref<!tpu.dma_semaphore, #tpu.memory_space<semaphore_mem>>)
      %dma_wait3A_130 = arith.constant 0 : i32
      %dma_wait3A_131 = tpu.memref_slice %arg5[%arg0, %mul3A_0, %dma_wait3A_130] : memref<2x10240x128xf32, #tpu.memory_space<hbm>> -> memref<1x640x128xf32, #tpu.memory_space<hbm>>
      %dma_wait3A_132 = tpu.memref_squeeze %dma_wait3A_131 : memref<1x640x128xf32, #tpu.memory_space<hbm>> -> memref<640x128xf32, #tpu.memory_space<hbm>>
      %dma_wait3A_133 = arith.constant 0 : i32
      %dma_wait3A_134 = tpu.memref_slice %arg6[%mul3A_0, %dma_wait3A_133] : memref<10240x128xf32, #tpu.memory_space<vmem_shared>> -> memref<640x128xf32, #tpu.memory_space<vmem_shared>>
      tpu.wait_dma2 semaphore(%run_scoped3A : memref<!tpu.dma_semaphore, #tpu.memory_space<semaphore_mem>>) src(%dma_wait3A_134 : memref<640x128xf32, #tpu.memory_space<vmem_shared>>) dst(%dma_wait3A_132 : memref<640x128xf32, #tpu.memory_space<hbm>>)
      tpu.yield
    }) : () -> ()
    return
  }
}

#map = affine_map<(d0, d1) -> (0, 0)>
#map1 = affine_map<(d0, d1) -> (0, 0, 0)>
module attributes {stable_mosaic.version = 14 : i64} {
  func.func @_agg_kernel(%arg0: i32, %arg1: i32, %arg2: memref<10000x128xf32, #tpu.memory_space<hbm>>, %arg3: memref<2500x2x128xi32, #tpu.memory_space<hbm>>, %arg4: memref<640x128xf32, #tpu.memory_space<hbm>>, %arg5: memref<2x10240x128xf32, #tpu.memory_space<hbm>>, %arg6: memref<10240x128xf32, #tpu.memory_space<vmem_shared>>, %arg7: memref<128x128xf32, #tpu.memory_space<vmem>>, %arg8: memref<128x128xf32, #tpu.memory_space<vmem>>, %arg9: memref<2x128xi32, #tpu.memory_space<vmem>>, %arg10: memref<2x128xi32, #tpu.memory_space<vmem>>, %arg11: memref<2x128xi32, #tpu.memory_space<vmem>>, %arg12: memref<2x128xi32, #tpu.memory_space<vmem>>, %arg13: memref<!tpu.dma_semaphore, #tpu.memory_space<semaphore_mem>>, %arg14: memref<!tpu.dma_semaphore, #tpu.memory_space<semaphore_mem>>, %arg15: memref<!tpu.dma_semaphore, #tpu.memory_space<semaphore_mem>>, %arg16: memref<!tpu.dma_semaphore, #tpu.memory_space<semaphore_mem>>, %arg17: memref<!tpu.dma_semaphore, #tpu.memory_space<semaphore_mem>>, %arg18: memref<!tpu.dma_semaphore, #tpu.memory_space<semaphore_mem>>, %arg19: memref<!tpu.dma_semaphore, #tpu.memory_space<semaphore_mem>>) attributes {dimension_semantics = [#tpu.dimension_semantics<core_parallel>, #tpu.dimension_semantics<subcore_parallel>], iteration_bounds = array<i64: 2, 16>, scalar_prefetch = 0 : i64, scratch_operands = 14 : i64, tpu.core_type = #tpu.core_type<sc_vector_subcore>, window_params = [{transform_indices = #map}, {transform_indices = #map1}, {transform_indices = #map}, {transform_indices = #map1}]} {
    %mul3A = arith.constant 640 : i32
    %mul3A_0 = arith.muli %arg1, %mul3A : i32
    "tpu.region"() ({
      %run_scoped3A = tpu.sem_alloc : memref<!tpu.dma_semaphore, #tpu.memory_space<semaphore_mem>>
      %dma_start3A_125 = arith.constant 0 : i32
      %dma_start3A_126 = tpu.memref_slice %arg6[%mul3A_0, %dma_start3A_125] : memref<10240x128xf32, #tpu.memory_space<vmem_shared>> -> memref<640x128xf32, #tpu.memory_space<vmem_shared>>
      tpu.enqueue_dma source(%arg4 : memref<640x128xf32, #tpu.memory_space<hbm>>) target(%dma_start3A_126 : memref<640x128xf32, #tpu.memory_space<vmem_shared>>) target_semaphore(%run_scoped3A : memref<!tpu.dma_semaphore, #tpu.memory_space<semaphore_mem>>)
      %dma_wait3A_127 = arith.constant 0 : i32
      %dma_wait3A_128 = tpu.memref_slice %arg6[%mul3A_0, %dma_wait3A_127] : memref<10240x128xf32, #tpu.memory_space<vmem_shared>> -> memref<640x128xf32, #tpu.memory_space<vmem_shared>>
      tpu.wait_dma2 semaphore(%run_scoped3A : memref<!tpu.dma_semaphore, #tpu.memory_space<semaphore_mem>>) src(%arg4 : memref<640x128xf32, #tpu.memory_space<hbm>>) dst(%dma_wait3A_128 : memref<640x128xf32, #tpu.memory_space<vmem_shared>>)
      tpu.yield
    }) : () -> ()
    %mul3A_1 = arith.constant 2 : i32
    %mul3A_2 = arith.muli %arg1, %mul3A_1 : i32
    %add3A = arith.addi %mul3A_2, %arg0 : i32
    %add3A_3 = arith.constant 0 : i32
    %add3A_4 = arith.addi %add3A, %add3A_3 : i32
    %dma_start3A = arith.constant 0 : i32
    %dma_start3A_5 = arith.constant 0 : i32
    %dma_start3A_6 = tpu.memref_slice %arg3[%add3A_4, %dma_start3A, %dma_start3A_5] : memref<2500x2x128xi32, #tpu.memory_space<hbm>> -> memref<1x2x128xi32, #tpu.memory_space<hbm>>
    %dma_start3A_7 = tpu.memref_squeeze %dma_start3A_6 : memref<1x2x128xi32, #tpu.memory_space<hbm>> -> memref<2x128xi32, #tpu.memory_space<hbm>>
    %dma_start3A_8 = arith.constant 0 : i32
    %dma_start3A_9 = arith.constant 0 : i32
    %dma_start3A_10 = tpu.memref_slice %arg3[%add3A_4, %dma_start3A_8, %dma_start3A_9] : memref<2500x2x128xi32, #tpu.memory_space<hbm>> -> memref<1x2x128xi32, #tpu.memory_space<hbm>>
    %dma_start3A_11 = tpu.memref_squeeze %dma_start3A_10 : memref<1x2x128xi32, #tpu.memory_space<hbm>> -> memref<2x128xi32, #tpu.memory_space<hbm>>
    tpu.enqueue_dma source(%dma_start3A_11 : memref<2x128xi32, #tpu.memory_space<hbm>>) target(%arg9 : memref<2x128xi32, #tpu.memory_space<vmem>>) target_semaphore(%arg16 : memref<!tpu.dma_semaphore, #tpu.memory_space<semaphore_mem>>)
    %add3A_12 = arith.constant 32 : i32
    %add3A_13 = arith.addi %add3A, %add3A_12 : i32
    %dma_start3A_14 = arith.constant 0 : i32
    %dma_start3A_15 = arith.constant 0 : i32
    %dma_start3A_16 = tpu.memref_slice %arg3[%add3A_13, %dma_start3A_14, %dma_start3A_15] : memref<2500x2x128xi32, #tpu.memory_space<hbm>> -> memref<1x2x128xi32, #tpu.memory_space<hbm>>
    %dma_start3A_17 = tpu.memref_squeeze %dma_start3A_16 : memref<1x2x128xi32, #tpu.memory_space<hbm>> -> memref<2x128xi32, #tpu.memory_space<hbm>>
    %dma_start3A_18 = arith.constant 0 : i32
    %dma_start3A_19 = arith.constant 0 : i32
    %dma_start3A_20 = tpu.memref_slice %arg3[%add3A_13, %dma_start3A_18, %dma_start3A_19] : memref<2500x2x128xi32, #tpu.memory_space<hbm>> -> memref<1x2x128xi32, #tpu.memory_space<hbm>>
    %dma_start3A_21 = tpu.memref_squeeze %dma_start3A_20 : memref<1x2x128xi32, #tpu.memory_space<hbm>> -> memref<2x128xi32, #tpu.memory_space<hbm>>
    tpu.enqueue_dma source(%dma_start3A_21 : memref<2x128xi32, #tpu.memory_space<hbm>>) target(%arg10 : memref<2x128xi32, #tpu.memory_space<vmem>>) target_semaphore(%arg17 : memref<!tpu.dma_semaphore, #tpu.memory_space<semaphore_mem>>)
    %add3A_22 = arith.constant 64 : i32
    %add3A_23 = arith.addi %add3A, %add3A_22 : i32
    %dma_start3A_24 = arith.constant 0 : i32
    %dma_start3A_25 = arith.constant 0 : i32
    %dma_start3A_26 = tpu.memref_slice %arg3[%add3A_23, %dma_start3A_24, %dma_start3A_25] : memref<2500x2x128xi32, #tpu.memory_space<hbm>> -> memref<1x2x128xi32, #tpu.memory_space<hbm>>
    %dma_start3A_27 = tpu.memref_squeeze %dma_start3A_26 : memref<1x2x128xi32, #tpu.memory_space<hbm>> -> memref<2x128xi32, #tpu.memory_space<hbm>>
    %dma_start3A_28 = arith.constant 0 : i32
    %dma_start3A_29 = arith.constant 0 : i32
    %dma_start3A_30 = tpu.memref_slice %arg3[%add3A_23, %dma_start3A_28, %dma_start3A_29] : memref<2500x2x128xi32, #tpu.memory_space<hbm>> -> memref<1x2x128xi32, #tpu.memory_space<hbm>>
    %dma_start3A_31 = tpu.memref_squeeze %dma_start3A_30 : memref<1x2x128xi32, #tpu.memory_space<hbm>> -> memref<2x128xi32, #tpu.memory_space<hbm>>
    tpu.enqueue_dma source(%dma_start3A_31 : memref<2x128xi32, #tpu.memory_space<hbm>>) target(%arg11 : memref<2x128xi32, #tpu.memory_space<vmem>>) target_semaphore(%arg18 : memref<!tpu.dma_semaphore, #tpu.memory_space<semaphore_mem>>)
    %add3A_32 = arith.constant 96 : i32
    %add3A_33 = arith.addi %add3A, %add3A_32 : i32
    %dma_start3A_34 = arith.constant 0 : i32
    %dma_start3A_35 = arith.constant 0 : i32
    %dma_start3A_36 = tpu.memref_slice %arg3[%add3A_33, %dma_start3A_34, %dma_start3A_35] : memref<2500x2x128xi32, #tpu.memory_space<hbm>> -> memref<1x2x128xi32, #tpu.memory_space<hbm>>
    %dma_start3A_37 = tpu.memref_squeeze %dma_start3A_36 : memref<1x2x128xi32, #tpu.memory_space<hbm>> -> memref<2x128xi32, #tpu.memory_space<hbm>>
    %dma_start3A_38 = arith.constant 0 : i32
    %dma_start3A_39 = arith.constant 0 : i32
    %dma_start3A_40 = tpu.memref_slice %arg3[%add3A_33, %dma_start3A_38, %dma_start3A_39] : memref<2500x2x128xi32, #tpu.memory_space<hbm>> -> memref<1x2x128xi32, #tpu.memory_space<hbm>>
    %dma_start3A_41 = tpu.memref_squeeze %dma_start3A_40 : memref<1x2x128xi32, #tpu.memory_space<hbm>> -> memref<2x128xi32, #tpu.memory_space<hbm>>
    tpu.enqueue_dma source(%dma_start3A_41 : memref<2x128xi32, #tpu.memory_space<hbm>>) target(%arg12 : memref<2x128xi32, #tpu.memory_space<vmem>>) target_semaphore(%arg19 : memref<!tpu.dma_semaphore, #tpu.memory_space<semaphore_mem>>)
    %barrier3A = arith.constant 0 : index
    tpu.barrier barrier_id(%barrier3A)
    %scan3A = arith.constant 0 : i32
    %scan3A_42 = arith.constant 0 : i32
    %scan3A_43 = arith.constant 19 : i32
    %scan3A_44 = arith.addi %scan3A_42, %scan3A_43 : i32
    %scan3A_45 = arith.constant 1 : i32
    scf.for %scan3A_125 = %scan3A_42 to %scan3A_44 step %scan3A_45  : i32 {
      %mul3A_126 = arith.constant 4 : i32
      %mul3A_127 = arith.muli %scan3A_125, %mul3A_126 : i32
      %add3A_128 = arith.constant 0 : i32
      %add3A_129 = arith.addi %mul3A_127, %add3A_128 : i32
      %mul3A_130 = arith.constant 32 : i32
      %mul3A_131 = arith.muli %add3A_129, %mul3A_130 : i32
      %add3A_132 = arith.addi %add3A, %mul3A_131 : i32
      %dma_wait3A_133 = arith.constant 0 : i32
      %dma_wait3A_134 = arith.constant 0 : i32
      %dma_wait3A_135 = tpu.memref_slice %arg3[%add3A_132, %dma_wait3A_133, %dma_wait3A_134] : memref<2500x2x128xi32, #tpu.memory_space<hbm>> -> memref<1x2x128xi32, #tpu.memory_space<hbm>>
      %dma_wait3A_136 = tpu.memref_squeeze %dma_wait3A_135 : memref<1x2x128xi32, #tpu.memory_space<hbm>> -> memref<2x128xi32, #tpu.memory_space<hbm>>
      %dma_wait3A_137 = arith.constant 0 : i32
      %dma_wait3A_138 = arith.constant 0 : i32
      %dma_wait3A_139 = tpu.memref_slice %arg3[%add3A_132, %dma_wait3A_137, %dma_wait3A_138] : memref<2500x2x128xi32, #tpu.memory_space<hbm>> -> memref<1x2x128xi32, #tpu.memory_space<hbm>>
      %dma_wait3A_140 = tpu.memref_squeeze %dma_wait3A_139 : memref<1x2x128xi32, #tpu.memory_space<hbm>> -> memref<2x128xi32, #tpu.memory_space<hbm>>
      tpu.wait_dma2 semaphore(%arg16 : memref<!tpu.dma_semaphore, #tpu.memory_space<semaphore_mem>>) src(%dma_wait3A_140 : memref<2x128xi32, #tpu.memory_space<hbm>>) dst(%arg9 : memref<2x128xi32, #tpu.memory_space<vmem>>)
      %add3A_141 = arith.constant 1 : i32
      %add3A_142 = arith.addi %mul3A_127, %add3A_141 : i32
      %mul3A_143 = arith.constant 32 : i32
      %mul3A_144 = arith.muli %add3A_142, %mul3A_143 : i32
      %add3A_145 = arith.addi %add3A, %mul3A_144 : i32
      %dma_wait3A_146 = arith.constant 0 : i32
      %dma_wait3A_147 = arith.constant 0 : i32
      %dma_wait3A_148 = tpu.memref_slice %arg3[%add3A_145, %dma_wait3A_146, %dma_wait3A_147] : memref<2500x2x128xi32, #tpu.memory_space<hbm>> -> memref<1x2x128xi32, #tpu.memory_space<hbm>>
      %dma_wait3A_149 = tpu.memref_squeeze %dma_wait3A_148 : memref<1x2x128xi32, #tpu.memory_space<hbm>> -> memref<2x128xi32, #tpu.memory_space<hbm>>
      %dma_wait3A_150 = arith.constant 0 : i32
      %dma_wait3A_151 = arith.constant 0 : i32
      %dma_wait3A_152 = tpu.memref_slice %arg3[%add3A_145, %dma_wait3A_150, %dma_wait3A_151] : memref<2500x2x128xi32, #tpu.memory_space<hbm>> -> memref<1x2x128xi32, #tpu.memory_space<hbm>>
      %dma_wait3A_153 = tpu.memref_squeeze %dma_wait3A_152 : memref<1x2x128xi32, #tpu.memory_space<hbm>> -> memref<2x128xi32, #tpu.memory_space<hbm>>
      tpu.wait_dma2 semaphore(%arg17 : memref<!tpu.dma_semaphore, #tpu.memory_space<semaphore_mem>>) src(%dma_wait3A_153 : memref<2x128xi32, #tpu.memory_space<hbm>>) dst(%arg10 : memref<2x128xi32, #tpu.memory_space<vmem>>)
      %add3A_154 = arith.constant 2 : i32
      %add3A_155 = arith.addi %mul3A_127, %add3A_154 : i32
      %mul3A_156 = arith.constant 32 : i32
      %mul3A_157 = arith.muli %add3A_155, %mul3A_156 : i32
      %add3A_158 = arith.addi %add3A, %mul3A_157 : i32
      %dma_wait3A_159 = arith.constant 0 : i32
      %dma_wait3A_160 = arith.constant 0 : i32
      %dma_wait3A_161 = tpu.memref_slice %arg3[%add3A_158, %dma_wait3A_159, %dma_wait3A_160] : memref<2500x2x128xi32, #tpu.memory_space<hbm>> -> memref<1x2x128xi32, #tpu.memory_space<hbm>>
      %dma_wait3A_162 = tpu.memref_squeeze %dma_wait3A_161 : memref<1x2x128xi32, #tpu.memory_space<hbm>> -> memref<2x128xi32, #tpu.memory_space<hbm>>
      %dma_wait3A_163 = arith.constant 0 : i32
      %dma_wait3A_164 = arith.constant 0 : i32
      %dma_wait3A_165 = tpu.memref_slice %arg3[%add3A_158, %dma_wait3A_163, %dma_wait3A_164] : memref<2500x2x128xi32, #tpu.memory_space<hbm>> -> memref<1x2x128xi32, #tpu.memory_space<hbm>>
      %dma_wait3A_166 = tpu.memref_squeeze %dma_wait3A_165 : memref<1x2x128xi32, #tpu.memory_space<hbm>> -> memref<2x128xi32, #tpu.memory_space<hbm>>
      tpu.wait_dma2 semaphore(%arg18 : memref<!tpu.dma_semaphore, #tpu.memory_space<semaphore_mem>>) src(%dma_wait3A_166 : memref<2x128xi32, #tpu.memory_space<hbm>>) dst(%arg11 : memref<2x128xi32, #tpu.memory_space<vmem>>)
      %add3A_167 = arith.constant 3 : i32
      %add3A_168 = arith.addi %mul3A_127, %add3A_167 : i32
      %mul3A_169 = arith.constant 32 : i32
      %mul3A_170 = arith.muli %add3A_168, %mul3A_169 : i32
      %add3A_171 = arith.addi %add3A, %mul3A_170 : i32
      %dma_wait3A_172 = arith.constant 0 : i32
      %dma_wait3A_173 = arith.constant 0 : i32
      %dma_wait3A_174 = tpu.memref_slice %arg3[%add3A_171, %dma_wait3A_172, %dma_wait3A_173] : memref<2500x2x128xi32, #tpu.memory_space<hbm>> -> memref<1x2x128xi32, #tpu.memory_space<hbm>>
      %dma_wait3A_175 = tpu.memref_squeeze %dma_wait3A_174 : memref<1x2x128xi32, #tpu.memory_space<hbm>> -> memref<2x128xi32, #tpu.memory_space<hbm>>
      %dma_wait3A_176 = arith.constant 0 : i32
      %dma_wait3A_177 = arith.constant 0 : i32
      %dma_wait3A_178 = tpu.memref_slice %arg3[%add3A_171, %dma_wait3A_176, %dma_wait3A_177] : memref<2500x2x128xi32, #tpu.memory_space<hbm>> -> memref<1x2x128xi32, #tpu.memory_space<hbm>>
      %dma_wait3A_179 = tpu.memref_squeeze %dma_wait3A_178 : memref<1x2x128xi32, #tpu.memory_space<hbm>> -> memref<2x128xi32, #tpu.memory_space<hbm>>
      tpu.wait_dma2 semaphore(%arg19 : memref<!tpu.dma_semaphore, #tpu.memory_space<semaphore_mem>>) src(%dma_wait3A_179 : memref<2x128xi32, #tpu.memory_space<hbm>>) dst(%arg12 : memref<2x128xi32, #tpu.memory_space<vmem>>)
      %dma_start3A_180 = arith.constant 0 : i32
      %dma_start3A_181 = arith.constant 0 : i32
      %dma_start3A_182 = tpu.memref_slice %arg9[%dma_start3A_180, %dma_start3A_181] : memref<2x128xi32, #tpu.memory_space<vmem>> -> memref<1x128xi32, #tpu.memory_space<vmem>>
      %dma_start3A_183 = tpu.memref_squeeze %dma_start3A_182 : memref<1x128xi32, #tpu.memory_space<vmem>> -> memref<128xi32, #tpu.memory_space<vmem>>
      %dma_start3A_184 = arith.constant 0 : i32
      %dma_start3A_185 = arith.constant 0 : i32
      %dma_start3A_186 = tpu.memref_slice %arg2[%dma_start3A_184, %dma_start3A_185] : memref<10000x128xf32, #tpu.memory_space<hbm>> -> memref<10000x128xf32, #tpu.memory_space<hbm>>
      tpu.enqueue_indirect_dma source(%dma_start3A_186 : memref<10000x128xf32, #tpu.memory_space<hbm>>) target(%arg7 : memref<128x128xf32, #tpu.memory_space<vmem>>) offsets(%dma_start3A_183 : memref<128xi32, #tpu.memory_space<vmem>>) semaphore(%arg13 : memref<!tpu.dma_semaphore, #tpu.memory_space<semaphore_mem>>)
      %dma_start3A_187 = arith.constant 0 : i32
      %dma_start3A_188 = arith.constant 0 : i32
      %dma_start3A_189 = tpu.memref_slice %arg10[%dma_start3A_187, %dma_start3A_188] : memref<2x128xi32, #tpu.memory_space<vmem>> -> memref<1x128xi32, #tpu.memory_space<vmem>>
      %dma_start3A_190 = tpu.memref_squeeze %dma_start3A_189 : memref<1x128xi32, #tpu.memory_space<vmem>> -> memref<128xi32, #tpu.memory_space<vmem>>
      %dma_start3A_191 = arith.constant 0 : i32
      %dma_start3A_192 = arith.constant 0 : i32
      %dma_start3A_193 = tpu.memref_slice %arg2[%dma_start3A_191, %dma_start3A_192] : memref<10000x128xf32, #tpu.memory_space<hbm>> -> memref<10000x128xf32, #tpu.memory_space<hbm>>
      tpu.enqueue_indirect_dma source(%dma_start3A_193 : memref<10000x128xf32, #tpu.memory_space<hbm>>) target(%arg8 : memref<128x128xf32, #tpu.memory_space<vmem>>) offsets(%dma_start3A_190 : memref<128xi32, #tpu.memory_space<vmem>>) semaphore(%arg14 : memref<!tpu.dma_semaphore, #tpu.memory_space<semaphore_mem>>)
      %dma_wait3A_194 = arith.constant 0 : i32
      %dma_wait3A_195 = arith.constant 0 : i32
      %dma_wait3A_196 = tpu.memref_slice %arg9[%dma_wait3A_194, %dma_wait3A_195] : memref<2x128xi32, #tpu.memory_space<vmem>> -> memref<1x128xi32, #tpu.memory_space<vmem>>
      %dma_wait3A_197 = tpu.memref_squeeze %dma_wait3A_196 : memref<1x128xi32, #tpu.memory_space<vmem>> -> memref<128xi32, #tpu.memory_space<vmem>>
      %dma_wait3A_198 = arith.constant 0 : i32
      %dma_wait3A_199 = arith.constant 0 : i32
      %dma_wait3A_200 = tpu.memref_slice %arg2[%dma_wait3A_198, %dma_wait3A_199] : memref<10000x128xf32, #tpu.memory_space<hbm>> -> memref<10000x128xf32, #tpu.memory_space<hbm>>
      tpu.wait_indirect_dma semaphore(%arg13 : memref<!tpu.dma_semaphore, #tpu.memory_space<semaphore_mem>>) src(%dma_wait3A_200 : memref<10000x128xf32, #tpu.memory_space<hbm>>) dst(%arg7 : memref<128x128xf32, #tpu.memory_space<vmem>>)
      %dma_start3A_201 = arith.constant 1 : i32
      %dma_start3A_202 = arith.constant 0 : i32
      %dma_start3A_203 = tpu.memref_slice %arg9[%dma_start3A_201, %dma_start3A_202] : memref<2x128xi32, #tpu.memory_space<vmem>> -> memref<1x128xi32, #tpu.memory_space<vmem>>
      %dma_start3A_204 = tpu.memref_squeeze %dma_start3A_203 : memref<1x128xi32, #tpu.memory_space<vmem>> -> memref<128xi32, #tpu.memory_space<vmem>>
      %dma_start3A_205 = arith.constant 0 : i32
      %dma_start3A_206 = arith.constant 0 : i32
      %dma_start3A_207 = tpu.memref_slice %arg6[%dma_start3A_205, %dma_start3A_206] : memref<10240x128xf32, #tpu.memory_space<vmem_shared>> -> memref<10240x128xf32, #tpu.memory_space<vmem_shared>>
      tpu.enqueue_indirect_dma source(%arg7 : memref<128x128xf32, #tpu.memory_space<vmem>>) target(%dma_start3A_207 : memref<10240x128xf32, #tpu.memory_space<vmem_shared>>) offsets(%dma_start3A_204 : memref<128xi32, #tpu.memory_space<vmem>>) semaphore(%arg15 : memref<!tpu.dma_semaphore, #tpu.memory_space<semaphore_mem>>) {add = true}
      %dma_wait3A_208 = arith.constant 1 : i32
      %dma_wait3A_209 = arith.constant 0 : i32
      %dma_wait3A_210 = tpu.memref_slice %arg9[%dma_wait3A_208, %dma_wait3A_209] : memref<2x128xi32, #tpu.memory_space<vmem>> -> memref<1x128xi32, #tpu.memory_space<vmem>>
      %dma_wait3A_211 = tpu.memref_squeeze %dma_wait3A_210 : memref<1x128xi32, #tpu.memory_space<vmem>> -> memref<128xi32, #tpu.memory_space<vmem>>
      %dma_wait3A_212 = arith.constant 0 : i32
      %dma_wait3A_213 = arith.constant 0 : i32
      %dma_wait3A_214 = tpu.memref_slice %arg6[%dma_wait3A_212, %dma_wait3A_213] : memref<10240x128xf32, #tpu.memory_space<vmem_shared>> -> memref<10240x128xf32, #tpu.memory_space<vmem_shared>>
      tpu.wait_indirect_dma semaphore(%arg15 : memref<!tpu.dma_semaphore, #tpu.memory_space<semaphore_mem>>) src(%arg7 : memref<128x128xf32, #tpu.memory_space<vmem>>) dst(%dma_wait3A_214 : memref<10240x128xf32, #tpu.memory_space<vmem_shared>>)
      %dma_start3A_215 = arith.constant 0 : i32
      %dma_start3A_216 = arith.constant 0 : i32
      %dma_start3A_217 = tpu.memref_slice %arg11[%dma_start3A_215, %dma_start3A_216] : memref<2x128xi32, #tpu.memory_space<vmem>> -> memref<1x128xi32, #tpu.memory_space<vmem>>
      %dma_start3A_218 = tpu.memref_squeeze %dma_start3A_217 : memref<1x128xi32, #tpu.memory_space<vmem>> -> memref<128xi32, #tpu.memory_space<vmem>>
      %dma_start3A_219 = arith.constant 0 : i32
      %dma_start3A_220 = arith.constant 0 : i32
      %dma_start3A_221 = tpu.memref_slice %arg2[%dma_start3A_219, %dma_start3A_220] : memref<10000x128xf32, #tpu.memory_space<hbm>> -> memref<10000x128xf32, #tpu.memory_space<hbm>>
      tpu.enqueue_indirect_dma source(%dma_start3A_221 : memref<10000x128xf32, #tpu.memory_space<hbm>>) target(%arg7 : memref<128x128xf32, #tpu.memory_space<vmem>>) offsets(%dma_start3A_218 : memref<128xi32, #tpu.memory_space<vmem>>) semaphore(%arg13 : memref<!tpu.dma_semaphore, #tpu.memory_space<semaphore_mem>>)
      %dma_wait3A_222 = arith.constant 0 : i32
      %dma_wait3A_223 = arith.constant 0 : i32
      %dma_wait3A_224 = tpu.memref_slice %arg10[%dma_wait3A_222, %dma_wait3A_223] : memref<2x128xi32, #tpu.memory_space<vmem>> -> memref<1x128xi32, #tpu.memory_space<vmem>>
      %dma_wait3A_225 = tpu.memref_squeeze %dma_wait3A_224 : memref<1x128xi32, #tpu.memory_space<vmem>> -> memref<128xi32, #tpu.memory_space<vmem>>
      %dma_wait3A_226 = arith.constant 0 : i32
      %dma_wait3A_227 = arith.constant 0 : i32
      %dma_wait3A_228 = tpu.memref_slice %arg2[%dma_wait3A_226, %dma_wait3A_227] : memref<10000x128xf32, #tpu.memory_space<hbm>> -> memref<10000x128xf32, #tpu.memory_space<hbm>>
      tpu.wait_indirect_dma semaphore(%arg14 : memref<!tpu.dma_semaphore, #tpu.memory_space<semaphore_mem>>) src(%dma_wait3A_228 : memref<10000x128xf32, #tpu.memory_space<hbm>>) dst(%arg8 : memref<128x128xf32, #tpu.memory_space<vmem>>)
      %dma_start3A_229 = arith.constant 1 : i32
      %dma_start3A_230 = arith.constant 0 : i32
      %dma_start3A_231 = tpu.memref_slice %arg10[%dma_start3A_229, %dma_start3A_230] : memref<2x128xi32, #tpu.memory_space<vmem>> -> memref<1x128xi32, #tpu.memory_space<vmem>>
      %dma_start3A_232 = tpu.memref_squeeze %dma_start3A_231 : memref<1x128xi32, #tpu.memory_space<vmem>> -> memref<128xi32, #tpu.memory_space<vmem>>
      %dma_start3A_233 = arith.constant 0 : i32
      %dma_start3A_234 = arith.constant 0 : i32
      %dma_start3A_235 = tpu.memref_slice %arg6[%dma_start3A_233, %dma_start3A_234] : memref<10240x128xf32, #tpu.memory_space<vmem_shared>> -> memref<10240x128xf32, #tpu.memory_space<vmem_shared>>
      tpu.enqueue_indirect_dma source(%arg8 : memref<128x128xf32, #tpu.memory_space<vmem>>) target(%dma_start3A_235 : memref<10240x128xf32, #tpu.memory_space<vmem_shared>>) offsets(%dma_start3A_232 : memref<128xi32, #tpu.memory_space<vmem>>) semaphore(%arg15 : memref<!tpu.dma_semaphore, #tpu.memory_space<semaphore_mem>>) {add = true}
      %dma_wait3A_236 = arith.constant 1 : i32
      %dma_wait3A_237 = arith.constant 0 : i32
      %dma_wait3A_238 = tpu.memref_slice %arg10[%dma_wait3A_236, %dma_wait3A_237] : memref<2x128xi32, #tpu.memory_space<vmem>> -> memref<1x128xi32, #tpu.memory_space<vmem>>
      %dma_wait3A_239 = tpu.memref_squeeze %dma_wait3A_238 : memref<1x128xi32, #tpu.memory_space<vmem>> -> memref<128xi32, #tpu.memory_space<vmem>>
      %dma_wait3A_240 = arith.constant 0 : i32
      %dma_wait3A_241 = arith.constant 0 : i32
      %dma_wait3A_242 = tpu.memref_slice %arg6[%dma_wait3A_240, %dma_wait3A_241] : memref<10240x128xf32, #tpu.memory_space<vmem_shared>> -> memref<10240x128xf32, #tpu.memory_space<vmem_shared>>
      tpu.wait_indirect_dma semaphore(%arg15 : memref<!tpu.dma_semaphore, #tpu.memory_space<semaphore_mem>>) src(%arg8 : memref<128x128xf32, #tpu.memory_space<vmem>>) dst(%dma_wait3A_242 : memref<10240x128xf32, #tpu.memory_space<vmem_shared>>)
      %dma_start3A_243 = arith.constant 0 : i32
      %dma_start3A_244 = arith.constant 0 : i32
      %dma_start3A_245 = tpu.memref_slice %arg12[%dma_start3A_243, %dma_start3A_244] : memref<2x128xi32, #tpu.memory_space<vmem>> -> memref<1x128xi32, #tpu.memory_space<vmem>>
      %dma_start3A_246 = tpu.memref_squeeze %dma_start3A_245 : memref<1x128xi32, #tpu.memory_space<vmem>> -> memref<128xi32, #tpu.memory_space<vmem>>
      %dma_start3A_247 = arith.constant 0 : i32
      %dma_start3A_248 = arith.constant 0 : i32
      %dma_start3A_249 = tpu.memref_slice %arg2[%dma_start3A_247, %dma_start3A_248] : memref<10000x128xf32, #tpu.memory_space<hbm>> -> memref<10000x128xf32, #tpu.memory_space<hbm>>
      tpu.enqueue_indirect_dma source(%dma_start3A_249 : memref<10000x128xf32, #tpu.memory_space<hbm>>) target(%arg8 : memref<128x128xf32, #tpu.memory_space<vmem>>) offsets(%dma_start3A_246 : memref<128xi32, #tpu.memory_space<vmem>>) semaphore(%arg14 : memref<!tpu.dma_semaphore, #tpu.memory_space<semaphore_mem>>)
      %dma_wait3A_250 = arith.constant 0 : i32
      %dma_wait3A_251 = arith.constant 0 : i32
      %dma_wait3A_252 = tpu.memref_slice %arg11[%dma_wait3A_250, %dma_wait3A_251] : memref<2x128xi32, #tpu.memory_space<vmem>> -> memref<1x128xi32, #tpu.memory_space<vmem>>
      %dma_wait3A_253 = tpu.memref_squeeze %dma_wait3A_252 : memref<1x128xi32, #tpu.memory_space<vmem>> -> memref<128xi32, #tpu.memory_space<vmem>>
      %dma_wait3A_254 = arith.constant 0 : i32
      %dma_wait3A_255 = arith.constant 0 : i32
      %dma_wait3A_256 = tpu.memref_slice %arg2[%dma_wait3A_254, %dma_wait3A_255] : memref<10000x128xf32, #tpu.memory_space<hbm>> -> memref<10000x128xf32, #tpu.memory_space<hbm>>
      tpu.wait_indirect_dma semaphore(%arg13 : memref<!tpu.dma_semaphore, #tpu.memory_space<semaphore_mem>>) src(%dma_wait3A_256 : memref<10000x128xf32, #tpu.memory_space<hbm>>) dst(%arg7 : memref<128x128xf32, #tpu.memory_space<vmem>>)
      %dma_start3A_257 = arith.constant 1 : i32
      %dma_start3A_258 = arith.constant 0 : i32
      %dma_start3A_259 = tpu.memref_slice %arg11[%dma_start3A_257, %dma_start3A_258] : memref<2x128xi32, #tpu.memory_space<vmem>> -> memref<1x128xi32, #tpu.memory_space<vmem>>
      %dma_start3A_260 = tpu.memref_squeeze %dma_start3A_259 : memref<1x128xi32, #tpu.memory_space<vmem>> -> memref<128xi32, #tpu.memory_space<vmem>>
      %dma_start3A_261 = arith.constant 0 : i32
      %dma_start3A_262 = arith.constant 0 : i32
      %dma_start3A_263 = tpu.memref_slice %arg6[%dma_start3A_261, %dma_start3A_262] : memref<10240x128xf32, #tpu.memory_space<vmem_shared>> -> memref<10240x128xf32, #tpu.memory_space<vmem_shared>>
      tpu.enqueue_indirect_dma source(%arg7 : memref<128x128xf32, #tpu.memory_space<vmem>>) target(%dma_start3A_263 : memref<10240x128xf32, #tpu.memory_space<vmem_shared>>) offsets(%dma_start3A_260 : memref<128xi32, #tpu.memory_space<vmem>>) semaphore(%arg15 : memref<!tpu.dma_semaphore, #tpu.memory_space<semaphore_mem>>) {add = true}
      %dma_wait3A_264 = arith.constant 1 : i32
      %dma_wait3A_265 = arith.constant 0 : i32
      %dma_wait3A_266 = tpu.memref_slice %arg11[%dma_wait3A_264, %dma_wait3A_265] : memref<2x128xi32, #tpu.memory_space<vmem>> -> memref<1x128xi32, #tpu.memory_space<vmem>>
      %dma_wait3A_267 = tpu.memref_squeeze %dma_wait3A_266 : memref<1x128xi32, #tpu.memory_space<vmem>> -> memref<128xi32, #tpu.memory_space<vmem>>
      %dma_wait3A_268 = arith.constant 0 : i32
      %dma_wait3A_269 = arith.constant 0 : i32
      %dma_wait3A_270 = tpu.memref_slice %arg6[%dma_wait3A_268, %dma_wait3A_269] : memref<10240x128xf32, #tpu.memory_space<vmem_shared>> -> memref<10240x128xf32, #tpu.memory_space<vmem_shared>>
      tpu.wait_indirect_dma semaphore(%arg15 : memref<!tpu.dma_semaphore, #tpu.memory_space<semaphore_mem>>) src(%arg7 : memref<128x128xf32, #tpu.memory_space<vmem>>) dst(%dma_wait3A_270 : memref<10240x128xf32, #tpu.memory_space<vmem_shared>>)
      %add3A_271 = arith.constant 4 : i32
      %add3A_272 = arith.addi %mul3A_127, %add3A_271 : i32
      %add3A_273 = arith.constant 0 : i32
      %add3A_274 = arith.addi %add3A_272, %add3A_273 : i32
      %lt3A_275 = arith.constant 78 : i32
      %lt3A_276 = arith.cmpi slt, %add3A_274, %lt3A_275 : i32
      %lt3A_277 = arith.constant 79 : i32
      %lt3A_278 = arith.cmpi slt, %add3A_274, %lt3A_277 : i32
      %lt3A_279 = arith.constant 4 : i32
      %lt3A_280 = arith.cmpi slt, %add3A, %lt3A_279 : i32
      %and3A = arith.andi %lt3A_278, %lt3A_280 : i1
      %or3A = arith.ori %lt3A_276, %and3A : i1
      %convert_element_type3A_281 = arith.extui %or3A : i1 to i32
      %cond3A_282 = arith.constant 0 : i32
      %cond3A_283 = arith.cmpi ne, %convert_element_type3A_281, %cond3A_282 : i32
      scf.if %cond3A_283 {
        %mul3A_342 = arith.constant 32 : i32
        %mul3A_343 = arith.muli %add3A_274, %mul3A_342 : i32
        %add3A_344 = arith.addi %add3A, %mul3A_343 : i32
        %dma_start3A_345 = arith.constant 0 : i32
        %dma_start3A_346 = arith.constant 0 : i32
        %dma_start3A_347 = tpu.memref_slice %arg3[%add3A_344, %dma_start3A_345, %dma_start3A_346] : memref<2500x2x128xi32, #tpu.memory_space<hbm>> -> memref<1x2x128xi32, #tpu.memory_space<hbm>>
        %dma_start3A_348 = tpu.memref_squeeze %dma_start3A_347 : memref<1x2x128xi32, #tpu.memory_space<hbm>> -> memref<2x128xi32, #tpu.memory_space<hbm>>
        %dma_start3A_349 = arith.constant 0 : i32
        %dma_start3A_350 = arith.constant 0 : i32
        %dma_start3A_351 = tpu.memref_slice %arg3[%add3A_344, %dma_start3A_349, %dma_start3A_350] : memref<2500x2x128xi32, #tpu.memory_space<hbm>> -> memref<1x2x128xi32, #tpu.memory_space<hbm>>
        %dma_start3A_352 = tpu.memref_squeeze %dma_start3A_351 : memref<1x2x128xi32, #tpu.memory_space<hbm>> -> memref<2x128xi32, #tpu.memory_space<hbm>>
        tpu.enqueue_dma source(%dma_start3A_352 : memref<2x128xi32, #tpu.memory_space<hbm>>) target(%arg9 : memref<2x128xi32, #tpu.memory_space<vmem>>) target_semaphore(%arg16 : memref<!tpu.dma_semaphore, #tpu.memory_space<semaphore_mem>>)
      } else {
      }
      %add3A_284 = arith.constant 4 : i32
      %add3A_285 = arith.addi %mul3A_127, %add3A_284 : i32
      %add3A_286 = arith.constant 1 : i32
      %add3A_287 = arith.addi %add3A_285, %add3A_286 : i32
      %lt3A_288 = arith.constant 78 : i32
      %lt3A_289 = arith.cmpi slt, %add3A_287, %lt3A_288 : i32
      %lt3A_290 = arith.constant 79 : i32
      %lt3A_291 = arith.cmpi slt, %add3A_287, %lt3A_290 : i32
      %lt3A_292 = arith.constant 4 : i32
      %lt3A_293 = arith.cmpi slt, %add3A, %lt3A_292 : i32
      %and3A_294 = arith.andi %lt3A_291, %lt3A_293 : i1
      %or3A_295 = arith.ori %lt3A_289, %and3A_294 : i1
      %convert_element_type3A_296 = arith.extui %or3A_295 : i1 to i32
      %cond3A_297 = arith.constant 0 : i32
      %cond3A_298 = arith.cmpi ne, %convert_element_type3A_296, %cond3A_297 : i32
      scf.if %cond3A_298 {
        %mul3A_342 = arith.constant 32 : i32
        %mul3A_343 = arith.muli %add3A_287, %mul3A_342 : i32
        %add3A_344 = arith.addi %add3A, %mul3A_343 : i32
        %dma_start3A_345 = arith.constant 0 : i32
        %dma_start3A_346 = arith.constant 0 : i32
        %dma_start3A_347 = tpu.memref_slice %arg3[%add3A_344, %dma_start3A_345, %dma_start3A_346] : memref<2500x2x128xi32, #tpu.memory_space<hbm>> -> memref<1x2x128xi32, #tpu.memory_space<hbm>>
        %dma_start3A_348 = tpu.memref_squeeze %dma_start3A_347 : memref<1x2x128xi32, #tpu.memory_space<hbm>> -> memref<2x128xi32, #tpu.memory_space<hbm>>
        %dma_start3A_349 = arith.constant 0 : i32
        %dma_start3A_350 = arith.constant 0 : i32
        %dma_start3A_351 = tpu.memref_slice %arg3[%add3A_344, %dma_start3A_349, %dma_start3A_350] : memref<2500x2x128xi32, #tpu.memory_space<hbm>> -> memref<1x2x128xi32, #tpu.memory_space<hbm>>
        %dma_start3A_352 = tpu.memref_squeeze %dma_start3A_351 : memref<1x2x128xi32, #tpu.memory_space<hbm>> -> memref<2x128xi32, #tpu.memory_space<hbm>>
        tpu.enqueue_dma source(%dma_start3A_352 : memref<2x128xi32, #tpu.memory_space<hbm>>) target(%arg10 : memref<2x128xi32, #tpu.memory_space<vmem>>) target_semaphore(%arg17 : memref<!tpu.dma_semaphore, #tpu.memory_space<semaphore_mem>>)
      } else {
      }
      %add3A_299 = arith.constant 4 : i32
      %add3A_300 = arith.addi %mul3A_127, %add3A_299 : i32
      %add3A_301 = arith.constant 2 : i32
      %add3A_302 = arith.addi %add3A_300, %add3A_301 : i32
      %lt3A_303 = arith.constant 78 : i32
      %lt3A_304 = arith.cmpi slt, %add3A_302, %lt3A_303 : i32
      %lt3A_305 = arith.constant 79 : i32
      %lt3A_306 = arith.cmpi slt, %add3A_302, %lt3A_305 : i32
      %lt3A_307 = arith.constant 4 : i32
      %lt3A_308 = arith.cmpi slt, %add3A, %lt3A_307 : i32
      %and3A_309 = arith.andi %lt3A_306, %lt3A_308 : i1
      %or3A_310 = arith.ori %lt3A_304, %and3A_309 : i1
      %convert_element_type3A_311 = arith.extui %or3A_310 : i1 to i32
      %cond3A_312 = arith.constant 0 : i32
      %cond3A_313 = arith.cmpi ne, %convert_element_type3A_311, %cond3A_312 : i32
      scf.if %cond3A_313 {
        %mul3A_342 = arith.constant 32 : i32
        %mul3A_343 = arith.muli %add3A_302, %mul3A_342 : i32
        %add3A_344 = arith.addi %add3A, %mul3A_343 : i32
        %dma_start3A_345 = arith.constant 0 : i32
        %dma_start3A_346 = arith.constant 0 : i32
        %dma_start3A_347 = tpu.memref_slice %arg3[%add3A_344, %dma_start3A_345, %dma_start3A_346] : memref<2500x2x128xi32, #tpu.memory_space<hbm>> -> memref<1x2x128xi32, #tpu.memory_space<hbm>>
        %dma_start3A_348 = tpu.memref_squeeze %dma_start3A_347 : memref<1x2x128xi32, #tpu.memory_space<hbm>> -> memref<2x128xi32, #tpu.memory_space<hbm>>
        %dma_start3A_349 = arith.constant 0 : i32
        %dma_start3A_350 = arith.constant 0 : i32
        %dma_start3A_351 = tpu.memref_slice %arg3[%add3A_344, %dma_start3A_349, %dma_start3A_350] : memref<2500x2x128xi32, #tpu.memory_space<hbm>> -> memref<1x2x128xi32, #tpu.memory_space<hbm>>
        %dma_start3A_352 = tpu.memref_squeeze %dma_start3A_351 : memref<1x2x128xi32, #tpu.memory_space<hbm>> -> memref<2x128xi32, #tpu.memory_space<hbm>>
        tpu.enqueue_dma source(%dma_start3A_352 : memref<2x128xi32, #tpu.memory_space<hbm>>) target(%arg11 : memref<2x128xi32, #tpu.memory_space<vmem>>) target_semaphore(%arg18 : memref<!tpu.dma_semaphore, #tpu.memory_space<semaphore_mem>>)
      } else {
      }
      %dma_wait3A_314 = arith.constant 0 : i32
      %dma_wait3A_315 = arith.constant 0 : i32
      %dma_wait3A_316 = tpu.memref_slice %arg12[%dma_wait3A_314, %dma_wait3A_315] : memref<2x128xi32, #tpu.memory_space<vmem>> -> memref<1x128xi32, #tpu.memory_space<vmem>>
      %dma_wait3A_317 = tpu.memref_squeeze %dma_wait3A_316 : memref<1x128xi32, #tpu.memory_space<vmem>> -> memref<128xi32, #tpu.memory_space<vmem>>
      %dma_wait3A_318 = arith.constant 0 : i32
      %dma_wait3A_319 = arith.constant 0 : i32
      %dma_wait3A_320 = tpu.memref_slice %arg2[%dma_wait3A_318, %dma_wait3A_319] : memref<10000x128xf32, #tpu.memory_space<hbm>> -> memref<10000x128xf32, #tpu.memory_space<hbm>>
      tpu.wait_indirect_dma semaphore(%arg14 : memref<!tpu.dma_semaphore, #tpu.memory_space<semaphore_mem>>) src(%dma_wait3A_320 : memref<10000x128xf32, #tpu.memory_space<hbm>>) dst(%arg8 : memref<128x128xf32, #tpu.memory_space<vmem>>)
      %dma_start3A_321 = arith.constant 1 : i32
      %dma_start3A_322 = arith.constant 0 : i32
      %dma_start3A_323 = tpu.memref_slice %arg12[%dma_start3A_321, %dma_start3A_322] : memref<2x128xi32, #tpu.memory_space<vmem>> -> memref<1x128xi32, #tpu.memory_space<vmem>>
      %dma_start3A_324 = tpu.memref_squeeze %dma_start3A_323 : memref<1x128xi32, #tpu.memory_space<vmem>> -> memref<128xi32, #tpu.memory_space<vmem>>
      %dma_start3A_325 = arith.constant 0 : i32
      %dma_start3A_326 = arith.constant 0 : i32
      %dma_start3A_327 = tpu.memref_slice %arg6[%dma_start3A_325, %dma_start3A_326] : memref<10240x128xf32, #tpu.memory_space<vmem_shared>> -> memref<10240x128xf32, #tpu.memory_space<vmem_shared>>
      tpu.enqueue_indirect_dma source(%arg8 : memref<128x128xf32, #tpu.memory_space<vmem>>) target(%dma_start3A_327 : memref<10240x128xf32, #tpu.memory_space<vmem_shared>>) offsets(%dma_start3A_324 : memref<128xi32, #tpu.memory_space<vmem>>) semaphore(%arg15 : memref<!tpu.dma_semaphore, #tpu.memory_space<semaphore_mem>>) {add = true}
      %dma_wait3A_328 = arith.constant 1 : i32
      %dma_wait3A_329 = arith.constant 0 : i32
      %dma_wait3A_330 = tpu.memref_slice %arg12[%dma_wait3A_328, %dma_wait3A_329] : memref<2x128xi32, #tpu.memory_space<vmem>> -> memref<1x128xi32, #tpu.memory_space<vmem>>
      %dma_wait3A_331 = tpu.memref_squeeze %dma_wait3A_330 : memref<1x128xi32, #tpu.memory_space<vmem>> -> memref<128xi32, #tpu.memory_space<vmem>>
      %dma_wait3A_332 = arith.constant 0 : i32
      %dma_wait3A_333 = arith.constant 0 : i32
      %dma_wait3A_334 = tpu.memref_slice %arg6[%dma_wait3A_332, %dma_wait3A_333] : memref<10240x128xf32, #tpu.memory_space<vmem_shared>> -> memref<10240x128xf32, #tpu.memory_space<vmem_shared>>
      tpu.wait_indirect_dma semaphore(%arg15 : memref<!tpu.dma_semaphore, #tpu.memory_space<semaphore_mem>>) src(%arg8 : memref<128x128xf32, #tpu.memory_space<vmem>>) dst(%dma_wait3A_334 : memref<10240x128xf32, #tpu.memory_space<vmem_shared>>)
      %add3A_335 = arith.constant 7 : i32
      %add3A_336 = arith.addi %mul3A_127, %add3A_335 : i32
      %lt3A_337 = arith.constant 78 : i32
      %lt3A_338 = arith.cmpi slt, %add3A_336, %lt3A_337 : i32
      %convert_element_type3A_339 = arith.extui %lt3A_338 : i1 to i32
      %cond3A_340 = arith.constant 0 : i32
      %cond3A_341 = arith.cmpi ne, %convert_element_type3A_339, %cond3A_340 : i32
      scf.if %cond3A_341 {
        %add3A_342 = arith.constant 7 : i32
        %add3A_343 = arith.addi %mul3A_127, %add3A_342 : i32
        %mul3A_344 = arith.constant 32 : i32
        %mul3A_345 = arith.muli %add3A_343, %mul3A_344 : i32
        %add3A_346 = arith.addi %add3A, %mul3A_345 : i32
        %dma_start3A_347 = arith.constant 0 : i32
        %dma_start3A_348 = arith.constant 0 : i32
        %dma_start3A_349 = tpu.memref_slice %arg3[%add3A_346, %dma_start3A_347, %dma_start3A_348] : memref<2500x2x128xi32, #tpu.memory_space<hbm>> -> memref<1x2x128xi32, #tpu.memory_space<hbm>>
        %dma_start3A_350 = tpu.memref_squeeze %dma_start3A_349 : memref<1x2x128xi32, #tpu.memory_space<hbm>> -> memref<2x128xi32, #tpu.memory_space<hbm>>
        %dma_start3A_351 = arith.constant 0 : i32
        %dma_start3A_352 = arith.constant 0 : i32
        %dma_start3A_353 = tpu.memref_slice %arg3[%add3A_346, %dma_start3A_351, %dma_start3A_352] : memref<2500x2x128xi32, #tpu.memory_space<hbm>> -> memref<1x2x128xi32, #tpu.memory_space<hbm>>
        %dma_start3A_354 = tpu.memref_squeeze %dma_start3A_353 : memref<1x2x128xi32, #tpu.memory_space<hbm>> -> memref<2x128xi32, #tpu.memory_space<hbm>>
        tpu.enqueue_dma source(%dma_start3A_354 : memref<2x128xi32, #tpu.memory_space<hbm>>) target(%arg12 : memref<2x128xi32, #tpu.memory_space<vmem>>) target_semaphore(%arg19 : memref<!tpu.dma_semaphore, #tpu.memory_space<semaphore_mem>>)
      } else {
      }
    }
    %scan3A_46 = arith.constant 19 : i32
    %add3A_47 = arith.constant 2432 : i32
    %add3A_48 = arith.addi %add3A, %add3A_47 : i32
    %dma_wait3A = arith.constant 0 : i32
    %dma_wait3A_49 = arith.constant 0 : i32
    %dma_wait3A_50 = tpu.memref_slice %arg3[%add3A_48, %dma_wait3A, %dma_wait3A_49] : memref<2500x2x128xi32, #tpu.memory_space<hbm>> -> memref<1x2x128xi32, #tpu.memory_space<hbm>>
    %dma_wait3A_51 = tpu.memref_squeeze %dma_wait3A_50 : memref<1x2x128xi32, #tpu.memory_space<hbm>> -> memref<2x128xi32, #tpu.memory_space<hbm>>
    %dma_wait3A_52 = arith.constant 0 : i32
    %dma_wait3A_53 = arith.constant 0 : i32
    %dma_wait3A_54 = tpu.memref_slice %arg3[%add3A_48, %dma_wait3A_52, %dma_wait3A_53] : memref<2500x2x128xi32, #tpu.memory_space<hbm>> -> memref<1x2x128xi32, #tpu.memory_space<hbm>>
    %dma_wait3A_55 = tpu.memref_squeeze %dma_wait3A_54 : memref<1x2x128xi32, #tpu.memory_space<hbm>> -> memref<2x128xi32, #tpu.memory_space<hbm>>
    tpu.wait_dma2 semaphore(%arg16 : memref<!tpu.dma_semaphore, #tpu.memory_space<semaphore_mem>>) src(%dma_wait3A_55 : memref<2x128xi32, #tpu.memory_space<hbm>>) dst(%arg9 : memref<2x128xi32, #tpu.memory_space<vmem>>)
    %add3A_56 = arith.constant 2464 : i32
    %add3A_57 = arith.addi %add3A, %add3A_56 : i32
    %dma_wait3A_58 = arith.constant 0 : i32
    %dma_wait3A_59 = arith.constant 0 : i32
    %dma_wait3A_60 = tpu.memref_slice %arg3[%add3A_57, %dma_wait3A_58, %dma_wait3A_59] : memref<2500x2x128xi32, #tpu.memory_space<hbm>> -> memref<1x2x128xi32, #tpu.memory_space<hbm>>
    %dma_wait3A_61 = tpu.memref_squeeze %dma_wait3A_60 : memref<1x2x128xi32, #tpu.memory_space<hbm>> -> memref<2x128xi32, #tpu.memory_space<hbm>>
    %dma_wait3A_62 = arith.constant 0 : i32
    %dma_wait3A_63 = arith.constant 0 : i32
    %dma_wait3A_64 = tpu.memref_slice %arg3[%add3A_57, %dma_wait3A_62, %dma_wait3A_63] : memref<2500x2x128xi32, #tpu.memory_space<hbm>> -> memref<1x2x128xi32, #tpu.memory_space<hbm>>
    %dma_wait3A_65 = tpu.memref_squeeze %dma_wait3A_64 : memref<1x2x128xi32, #tpu.memory_space<hbm>> -> memref<2x128xi32, #tpu.memory_space<hbm>>
    tpu.wait_dma2 semaphore(%arg17 : memref<!tpu.dma_semaphore, #tpu.memory_space<semaphore_mem>>) src(%dma_wait3A_65 : memref<2x128xi32, #tpu.memory_space<hbm>>) dst(%arg10 : memref<2x128xi32, #tpu.memory_space<vmem>>)
    %dma_start3A_66 = arith.constant 0 : i32
    %dma_start3A_67 = arith.constant 0 : i32
    %dma_start3A_68 = tpu.memref_slice %arg9[%dma_start3A_66, %dma_start3A_67] : memref<2x128xi32, #tpu.memory_space<vmem>> -> memref<1x128xi32, #tpu.memory_space<vmem>>
    %dma_start3A_69 = tpu.memref_squeeze %dma_start3A_68 : memref<1x128xi32, #tpu.memory_space<vmem>> -> memref<128xi32, #tpu.memory_space<vmem>>
    %dma_start3A_70 = arith.constant 0 : i32
    %dma_start3A_71 = arith.constant 0 : i32
    %dma_start3A_72 = tpu.memref_slice %arg2[%dma_start3A_70, %dma_start3A_71] : memref<10000x128xf32, #tpu.memory_space<hbm>> -> memref<10000x128xf32, #tpu.memory_space<hbm>>
    tpu.enqueue_indirect_dma source(%dma_start3A_72 : memref<10000x128xf32, #tpu.memory_space<hbm>>) target(%arg7 : memref<128x128xf32, #tpu.memory_space<vmem>>) offsets(%dma_start3A_69 : memref<128xi32, #tpu.memory_space<vmem>>) semaphore(%arg13 : memref<!tpu.dma_semaphore, #tpu.memory_space<semaphore_mem>>)
    %dma_start3A_73 = arith.constant 0 : i32
    %dma_start3A_74 = arith.constant 0 : i32
    %dma_start3A_75 = tpu.memref_slice %arg10[%dma_start3A_73, %dma_start3A_74] : memref<2x128xi32, #tpu.memory_space<vmem>> -> memref<1x128xi32, #tpu.memory_space<vmem>>
    %dma_start3A_76 = tpu.memref_squeeze %dma_start3A_75 : memref<1x128xi32, #tpu.memory_space<vmem>> -> memref<128xi32, #tpu.memory_space<vmem>>
    %dma_start3A_77 = arith.constant 0 : i32
    %dma_start3A_78 = arith.constant 0 : i32
    %dma_start3A_79 = tpu.memref_slice %arg2[%dma_start3A_77, %dma_start3A_78] : memref<10000x128xf32, #tpu.memory_space<hbm>> -> memref<10000x128xf32, #tpu.memory_space<hbm>>
    tpu.enqueue_indirect_dma source(%dma_start3A_79 : memref<10000x128xf32, #tpu.memory_space<hbm>>) target(%arg8 : memref<128x128xf32, #tpu.memory_space<vmem>>) offsets(%dma_start3A_76 : memref<128xi32, #tpu.memory_space<vmem>>) semaphore(%arg14 : memref<!tpu.dma_semaphore, #tpu.memory_space<semaphore_mem>>)
    %dma_wait3A_80 = arith.constant 0 : i32
    %dma_wait3A_81 = arith.constant 0 : i32
    %dma_wait3A_82 = tpu.memref_slice %arg9[%dma_wait3A_80, %dma_wait3A_81] : memref<2x128xi32, #tpu.memory_space<vmem>> -> memref<1x128xi32, #tpu.memory_space<vmem>>
    %dma_wait3A_83 = tpu.memref_squeeze %dma_wait3A_82 : memref<1x128xi32, #tpu.memory_space<vmem>> -> memref<128xi32, #tpu.memory_space<vmem>>
    %dma_wait3A_84 = arith.constant 0 : i32
    %dma_wait3A_85 = arith.constant 0 : i32
    %dma_wait3A_86 = tpu.memref_slice %arg2[%dma_wait3A_84, %dma_wait3A_85] : memref<10000x128xf32, #tpu.memory_space<hbm>> -> memref<10000x128xf32, #tpu.memory_space<hbm>>
    tpu.wait_indirect_dma semaphore(%arg13 : memref<!tpu.dma_semaphore, #tpu.memory_space<semaphore_mem>>) src(%dma_wait3A_86 : memref<10000x128xf32, #tpu.memory_space<hbm>>) dst(%arg7 : memref<128x128xf32, #tpu.memory_space<vmem>>)
    %dma_start3A_87 = arith.constant 1 : i32
    %dma_start3A_88 = arith.constant 0 : i32
    %dma_start3A_89 = tpu.memref_slice %arg9[%dma_start3A_87, %dma_start3A_88] : memref<2x128xi32, #tpu.memory_space<vmem>> -> memref<1x128xi32, #tpu.memory_space<vmem>>
    %dma_start3A_90 = tpu.memref_squeeze %dma_start3A_89 : memref<1x128xi32, #tpu.memory_space<vmem>> -> memref<128xi32, #tpu.memory_space<vmem>>
    %dma_start3A_91 = arith.constant 0 : i32
    %dma_start3A_92 = arith.constant 0 : i32
    %dma_start3A_93 = tpu.memref_slice %arg6[%dma_start3A_91, %dma_start3A_92] : memref<10240x128xf32, #tpu.memory_space<vmem_shared>> -> memref<10240x128xf32, #tpu.memory_space<vmem_shared>>
    tpu.enqueue_indirect_dma source(%arg7 : memref<128x128xf32, #tpu.memory_space<vmem>>) target(%dma_start3A_93 : memref<10240x128xf32, #tpu.memory_space<vmem_shared>>) offsets(%dma_start3A_90 : memref<128xi32, #tpu.memory_space<vmem>>) semaphore(%arg15 : memref<!tpu.dma_semaphore, #tpu.memory_space<semaphore_mem>>) {add = true}
    %dma_wait3A_94 = arith.constant 1 : i32
    %dma_wait3A_95 = arith.constant 0 : i32
    %dma_wait3A_96 = tpu.memref_slice %arg9[%dma_wait3A_94, %dma_wait3A_95] : memref<2x128xi32, #tpu.memory_space<vmem>> -> memref<1x128xi32, #tpu.memory_space<vmem>>
    %dma_wait3A_97 = tpu.memref_squeeze %dma_wait3A_96 : memref<1x128xi32, #tpu.memory_space<vmem>> -> memref<128xi32, #tpu.memory_space<vmem>>
    %dma_wait3A_98 = arith.constant 0 : i32
    %dma_wait3A_99 = arith.constant 0 : i32
    %dma_wait3A_100 = tpu.memref_slice %arg6[%dma_wait3A_98, %dma_wait3A_99] : memref<10240x128xf32, #tpu.memory_space<vmem_shared>> -> memref<10240x128xf32, #tpu.memory_space<vmem_shared>>
    tpu.wait_indirect_dma semaphore(%arg15 : memref<!tpu.dma_semaphore, #tpu.memory_space<semaphore_mem>>) src(%arg7 : memref<128x128xf32, #tpu.memory_space<vmem>>) dst(%dma_wait3A_100 : memref<10240x128xf32, #tpu.memory_space<vmem_shared>>)
    %dma_wait3A_101 = arith.constant 0 : i32
    %dma_wait3A_102 = arith.constant 0 : i32
    %dma_wait3A_103 = tpu.memref_slice %arg10[%dma_wait3A_101, %dma_wait3A_102] : memref<2x128xi32, #tpu.memory_space<vmem>> -> memref<1x128xi32, #tpu.memory_space<vmem>>
    %dma_wait3A_104 = tpu.memref_squeeze %dma_wait3A_103 : memref<1x128xi32, #tpu.memory_space<vmem>> -> memref<128xi32, #tpu.memory_space<vmem>>
    %dma_wait3A_105 = arith.constant 0 : i32
    %dma_wait3A_106 = arith.constant 0 : i32
    %dma_wait3A_107 = tpu.memref_slice %arg2[%dma_wait3A_105, %dma_wait3A_106] : memref<10000x128xf32, #tpu.memory_space<hbm>> -> memref<10000x128xf32, #tpu.memory_space<hbm>>
    tpu.wait_indirect_dma semaphore(%arg14 : memref<!tpu.dma_semaphore, #tpu.memory_space<semaphore_mem>>) src(%dma_wait3A_107 : memref<10000x128xf32, #tpu.memory_space<hbm>>) dst(%arg8 : memref<128x128xf32, #tpu.memory_space<vmem>>)
    %dma_start3A_108 = arith.constant 1 : i32
    %dma_start3A_109 = arith.constant 0 : i32
    %dma_start3A_110 = tpu.memref_slice %arg10[%dma_start3A_108, %dma_start3A_109] : memref<2x128xi32, #tpu.memory_space<vmem>> -> memref<1x128xi32, #tpu.memory_space<vmem>>
    %dma_start3A_111 = tpu.memref_squeeze %dma_start3A_110 : memref<1x128xi32, #tpu.memory_space<vmem>> -> memref<128xi32, #tpu.memory_space<vmem>>
    %dma_start3A_112 = arith.constant 0 : i32
    %dma_start3A_113 = arith.constant 0 : i32
    %dma_start3A_114 = tpu.memref_slice %arg6[%dma_start3A_112, %dma_start3A_113] : memref<10240x128xf32, #tpu.memory_space<vmem_shared>> -> memref<10240x128xf32, #tpu.memory_space<vmem_shared>>
    tpu.enqueue_indirect_dma source(%arg8 : memref<128x128xf32, #tpu.memory_space<vmem>>) target(%dma_start3A_114 : memref<10240x128xf32, #tpu.memory_space<vmem_shared>>) offsets(%dma_start3A_111 : memref<128xi32, #tpu.memory_space<vmem>>) semaphore(%arg15 : memref<!tpu.dma_semaphore, #tpu.memory_space<semaphore_mem>>) {add = true}
    %dma_wait3A_115 = arith.constant 1 : i32
    %dma_wait3A_116 = arith.constant 0 : i32
    %dma_wait3A_117 = tpu.memref_slice %arg10[%dma_wait3A_115, %dma_wait3A_116] : memref<2x128xi32, #tpu.memory_space<vmem>> -> memref<1x128xi32, #tpu.memory_space<vmem>>
    %dma_wait3A_118 = tpu.memref_squeeze %dma_wait3A_117 : memref<1x128xi32, #tpu.memory_space<vmem>> -> memref<128xi32, #tpu.memory_space<vmem>>
    %dma_wait3A_119 = arith.constant 0 : i32
    %dma_wait3A_120 = arith.constant 0 : i32
    %dma_wait3A_121 = tpu.memref_slice %arg6[%dma_wait3A_119, %dma_wait3A_120] : memref<10240x128xf32, #tpu.memory_space<vmem_shared>> -> memref<10240x128xf32, #tpu.memory_space<vmem_shared>>
    tpu.wait_indirect_dma semaphore(%arg15 : memref<!tpu.dma_semaphore, #tpu.memory_space<semaphore_mem>>) src(%arg8 : memref<128x128xf32, #tpu.memory_space<vmem>>) dst(%dma_wait3A_121 : memref<10240x128xf32, #tpu.memory_space<vmem_shared>>)
    %lt3A = arith.constant 4 : i32
    %lt3A_122 = arith.cmpi slt, %add3A, %lt3A : i32
    %convert_element_type3A = arith.extui %lt3A_122 : i1 to i32
    %cond3A = arith.constant 0 : i32
    %cond3A_123 = arith.cmpi ne, %convert_element_type3A, %cond3A : i32
    scf.if %cond3A_123 {
      %add3A_125 = arith.constant 2496 : i32
      %add3A_126 = arith.addi %add3A, %add3A_125 : i32
      %dma_wait3A_127 = arith.constant 0 : i32
      %dma_wait3A_128 = arith.constant 0 : i32
      %dma_wait3A_129 = tpu.memref_slice %arg3[%add3A_126, %dma_wait3A_127, %dma_wait3A_128] : memref<2500x2x128xi32, #tpu.memory_space<hbm>> -> memref<1x2x128xi32, #tpu.memory_space<hbm>>
      %dma_wait3A_130 = tpu.memref_squeeze %dma_wait3A_129 : memref<1x2x128xi32, #tpu.memory_space<hbm>> -> memref<2x128xi32, #tpu.memory_space<hbm>>
      %dma_wait3A_131 = arith.constant 0 : i32
      %dma_wait3A_132 = arith.constant 0 : i32
      %dma_wait3A_133 = tpu.memref_slice %arg3[%add3A_126, %dma_wait3A_131, %dma_wait3A_132] : memref<2500x2x128xi32, #tpu.memory_space<hbm>> -> memref<1x2x128xi32, #tpu.memory_space<hbm>>
      %dma_wait3A_134 = tpu.memref_squeeze %dma_wait3A_133 : memref<1x2x128xi32, #tpu.memory_space<hbm>> -> memref<2x128xi32, #tpu.memory_space<hbm>>
      tpu.wait_dma2 semaphore(%arg18 : memref<!tpu.dma_semaphore, #tpu.memory_space<semaphore_mem>>) src(%dma_wait3A_134 : memref<2x128xi32, #tpu.memory_space<hbm>>) dst(%arg11 : memref<2x128xi32, #tpu.memory_space<vmem>>)
      %dma_start3A_135 = arith.constant 0 : i32
      %dma_start3A_136 = arith.constant 0 : i32
      %dma_start3A_137 = tpu.memref_slice %arg11[%dma_start3A_135, %dma_start3A_136] : memref<2x128xi32, #tpu.memory_space<vmem>> -> memref<1x128xi32, #tpu.memory_space<vmem>>
      %dma_start3A_138 = tpu.memref_squeeze %dma_start3A_137 : memref<1x128xi32, #tpu.memory_space<vmem>> -> memref<128xi32, #tpu.memory_space<vmem>>
      %dma_start3A_139 = arith.constant 0 : i32
      %dma_start3A_140 = arith.constant 0 : i32
      %dma_start3A_141 = tpu.memref_slice %arg2[%dma_start3A_139, %dma_start3A_140] : memref<10000x128xf32, #tpu.memory_space<hbm>> -> memref<10000x128xf32, #tpu.memory_space<hbm>>
      tpu.enqueue_indirect_dma source(%dma_start3A_141 : memref<10000x128xf32, #tpu.memory_space<hbm>>) target(%arg7 : memref<128x128xf32, #tpu.memory_space<vmem>>) offsets(%dma_start3A_138 : memref<128xi32, #tpu.memory_space<vmem>>) semaphore(%arg13 : memref<!tpu.dma_semaphore, #tpu.memory_space<semaphore_mem>>)
      %dma_wait3A_142 = arith.constant 0 : i32
      %dma_wait3A_143 = arith.constant 0 : i32
      %dma_wait3A_144 = tpu.memref_slice %arg11[%dma_wait3A_142, %dma_wait3A_143] : memref<2x128xi32, #tpu.memory_space<vmem>> -> memref<1x128xi32, #tpu.memory_space<vmem>>
      %dma_wait3A_145 = tpu.memref_squeeze %dma_wait3A_144 : memref<1x128xi32, #tpu.memory_space<vmem>> -> memref<128xi32, #tpu.memory_space<vmem>>
      %dma_wait3A_146 = arith.constant 0 : i32
      %dma_wait3A_147 = arith.constant 0 : i32
      %dma_wait3A_148 = tpu.memref_slice %arg2[%dma_wait3A_146, %dma_wait3A_147] : memref<10000x128xf32, #tpu.memory_space<hbm>> -> memref<10000x128xf32, #tpu.memory_space<hbm>>
      tpu.wait_indirect_dma semaphore(%arg13 : memref<!tpu.dma_semaphore, #tpu.memory_space<semaphore_mem>>) src(%dma_wait3A_148 : memref<10000x128xf32, #tpu.memory_space<hbm>>) dst(%arg7 : memref<128x128xf32, #tpu.memory_space<vmem>>)
      %dma_start3A_149 = arith.constant 1 : i32
      %dma_start3A_150 = arith.constant 0 : i32
      %dma_start3A_151 = tpu.memref_slice %arg11[%dma_start3A_149, %dma_start3A_150] : memref<2x128xi32, #tpu.memory_space<vmem>> -> memref<1x128xi32, #tpu.memory_space<vmem>>
      %dma_start3A_152 = tpu.memref_squeeze %dma_start3A_151 : memref<1x128xi32, #tpu.memory_space<vmem>> -> memref<128xi32, #tpu.memory_space<vmem>>
      %dma_start3A_153 = arith.constant 0 : i32
      %dma_start3A_154 = arith.constant 0 : i32
      %dma_start3A_155 = tpu.memref_slice %arg6[%dma_start3A_153, %dma_start3A_154] : memref<10240x128xf32, #tpu.memory_space<vmem_shared>> -> memref<10240x128xf32, #tpu.memory_space<vmem_shared>>
      tpu.enqueue_indirect_dma source(%arg7 : memref<128x128xf32, #tpu.memory_space<vmem>>) target(%dma_start3A_155 : memref<10240x128xf32, #tpu.memory_space<vmem_shared>>) offsets(%dma_start3A_152 : memref<128xi32, #tpu.memory_space<vmem>>) semaphore(%arg15 : memref<!tpu.dma_semaphore, #tpu.memory_space<semaphore_mem>>) {add = true}
      %dma_wait3A_156 = arith.constant 1 : i32
      %dma_wait3A_157 = arith.constant 0 : i32
      %dma_wait3A_158 = tpu.memref_slice %arg11[%dma_wait3A_156, %dma_wait3A_157] : memref<2x128xi32, #tpu.memory_space<vmem>> -> memref<1x128xi32, #tpu.memory_space<vmem>>
      %dma_wait3A_159 = tpu.memref_squeeze %dma_wait3A_158 : memref<1x128xi32, #tpu.memory_space<vmem>> -> memref<128xi32, #tpu.memory_space<vmem>>
      %dma_wait3A_160 = arith.constant 0 : i32
      %dma_wait3A_161 = arith.constant 0 : i32
      %dma_wait3A_162 = tpu.memref_slice %arg6[%dma_wait3A_160, %dma_wait3A_161] : memref<10240x128xf32, #tpu.memory_space<vmem_shared>> -> memref<10240x128xf32, #tpu.memory_space<vmem_shared>>
      tpu.wait_indirect_dma semaphore(%arg15 : memref<!tpu.dma_semaphore, #tpu.memory_space<semaphore_mem>>) src(%arg7 : memref<128x128xf32, #tpu.memory_space<vmem>>) dst(%dma_wait3A_162 : memref<10240x128xf32, #tpu.memory_space<vmem_shared>>)
    } else {
    }
    %barrier3A_124 = arith.constant 0 : index
    tpu.barrier barrier_id(%barrier3A_124)
    "tpu.region"() ({
      %run_scoped3A = tpu.sem_alloc : memref<!tpu.dma_semaphore, #tpu.memory_space<semaphore_mem>>
      %dma_start3A_125 = arith.constant 0 : i32
      %dma_start3A_126 = tpu.memref_slice %arg5[%arg0, %mul3A_0, %dma_start3A_125] : memref<2x10240x128xf32, #tpu.memory_space<hbm>> -> memref<1x640x128xf32, #tpu.memory_space<hbm>>
      %dma_start3A_127 = tpu.memref_squeeze %dma_start3A_126 : memref<1x640x128xf32, #tpu.memory_space<hbm>> -> memref<640x128xf32, #tpu.memory_space<hbm>>
      %dma_start3A_128 = arith.constant 0 : i32
      %dma_start3A_129 = tpu.memref_slice %arg6[%mul3A_0, %dma_start3A_128] : memref<10240x128xf32, #tpu.memory_space<vmem_shared>> -> memref<640x128xf32, #tpu.memory_space<vmem_shared>>
      tpu.enqueue_dma source(%dma_start3A_129 : memref<640x128xf32, #tpu.memory_space<vmem_shared>>) target(%dma_start3A_127 : memref<640x128xf32, #tpu.memory_space<hbm>>) target_semaphore(%run_scoped3A : memref<!tpu.dma_semaphore, #tpu.memory_space<semaphore_mem>>)
      %dma_wait3A_130 = arith.constant 0 : i32
      %dma_wait3A_131 = tpu.memref_slice %arg5[%arg0, %mul3A_0, %dma_wait3A_130] : memref<2x10240x128xf32, #tpu.memory_space<hbm>> -> memref<1x640x128xf32, #tpu.memory_space<hbm>>
      %dma_wait3A_132 = tpu.memref_squeeze %dma_wait3A_131 : memref<1x640x128xf32, #tpu.memory_space<hbm>> -> memref<640x128xf32, #tpu.memory_space<hbm>>
      %dma_wait3A_133 = arith.constant 0 : i32
      %dma_wait3A_134 = tpu.memref_slice %arg6[%mul3A_0, %dma_wait3A_133] : memref<10240x128xf32, #tpu.memory_space<vmem_shared>> -> memref<640x128xf32, #tpu.memory_space<vmem_shared>>
      tpu.wait_dma2 semaphore(%run_scoped3A : memref<!tpu.dma_semaphore, #tpu.memory_space<semaphore_mem>>) src(%dma_wait3A_134 : memref<640x128xf32, #tpu.memory_space<vmem_shared>>) dst(%dma_wait3A_132 : memref<640x128xf32, #tpu.memory_space<hbm>>)
      tpu.yield
    }) : () -> ()
    return
  }
}

#map = affine_map<(d0, d1) -> (0)>
#map1 = affine_map<(d0, d1) -> (0, 0)>
#map2 = affine_map<(d0, d1) -> (0, 0, 0)>
module attributes {stable_mosaic.version = 14 : i64} {
  func.func @_deg_kernel(%arg0: i32, %arg1: i32, %arg2: memref<320000xi32, #tpu.memory_space<hbm>>, %arg3: memref<640x16xf32, #tpu.memory_space<hbm>>, %arg4: memref<128x16xf32, #tpu.memory_space<hbm>>, %arg5: memref<2x10240x16xf32, #tpu.memory_space<hbm>>, %arg6: memref<10240x16xf32, #tpu.memory_space<vmem_shared>>, %arg7: memref<128x16xf32, #tpu.memory_space<vmem>>, %arg8: memref<1x128xi32, #tpu.memory_space<vmem>>, %arg9: memref<!tpu.dma_semaphore, #tpu.memory_space<semaphore_mem>>) attributes {dimension_semantics = [#tpu.dimension_semantics<core_parallel>, #tpu.dimension_semantics<subcore_parallel>], iteration_bounds = array<i64: 2, 16>, scalar_prefetch = 0 : i64, scratch_operands = 4 : i64, tpu.core_type = #tpu.core_type<sc_vector_subcore>, window_params = [{transform_indices = #map}, {transform_indices = #map1}, {transform_indices = #map1}, {transform_indices = #map2}]} {
    %mul3A = arith.constant 640 : i32
    %mul3A_0 = arith.muli %arg1, %mul3A : i32
    "tpu.region"() ({
      %run_scoped3A = tpu.sem_alloc : memref<!tpu.dma_semaphore, #tpu.memory_space<semaphore_mem>>
      %dma_start3A = arith.constant 0 : i32
      %dma_start3A_35 = tpu.memref_slice %arg6[%mul3A_0, %dma_start3A] : memref<10240x16xf32, #tpu.memory_space<vmem_shared>> -> memref<640x16xf32, #tpu.memory_space<vmem_shared>>
      tpu.enqueue_dma source(%arg3 : memref<640x16xf32, #tpu.memory_space<hbm>>) target(%dma_start3A_35 : memref<640x16xf32, #tpu.memory_space<vmem_shared>>) target_semaphore(%run_scoped3A : memref<!tpu.dma_semaphore, #tpu.memory_space<semaphore_mem>>)
      %dma_wait3A = arith.constant 0 : i32
      %dma_wait3A_36 = tpu.memref_slice %arg6[%mul3A_0, %dma_wait3A] : memref<10240x16xf32, #tpu.memory_space<vmem_shared>> -> memref<640x16xf32, #tpu.memory_space<vmem_shared>>
      tpu.wait_dma2 semaphore(%run_scoped3A : memref<!tpu.dma_semaphore, #tpu.memory_space<semaphore_mem>>) src(%arg3 : memref<640x16xf32, #tpu.memory_space<hbm>>) dst(%dma_wait3A_36 : memref<640x16xf32, #tpu.memory_space<vmem_shared>>)
      tpu.yield
    }) : () -> ()
    "tpu.region"() ({
      %run_scoped3A = tpu.sem_alloc : memref<!tpu.dma_semaphore, #tpu.memory_space<semaphore_mem>>
      tpu.enqueue_dma source(%arg4 : memref<128x16xf32, #tpu.memory_space<hbm>>) target(%arg7 : memref<128x16xf32, #tpu.memory_space<vmem>>) target_semaphore(%run_scoped3A : memref<!tpu.dma_semaphore, #tpu.memory_space<semaphore_mem>>)
      tpu.wait_dma2 semaphore(%run_scoped3A : memref<!tpu.dma_semaphore, #tpu.memory_space<semaphore_mem>>) src(%arg4 : memref<128x16xf32, #tpu.memory_space<hbm>>) dst(%arg7 : memref<128x16xf32, #tpu.memory_space<vmem>>)
      tpu.yield
    }) : () -> ()
    %barrier3A = arith.constant 0 : index
    tpu.barrier barrier_id(%barrier3A)
    %mul3A_1 = arith.constant 2 : i32
    %mul3A_2 = arith.muli %arg1, %mul3A_1 : i32
    %add3A = arith.addi %mul3A_2, %arg0 : i32
    %sub3A = arith.constant 2500 : i32
    %sub3A_3 = arith.subi %sub3A, %add3A : i32
    %add3A_4 = arith.constant 32 : i32
    %add3A_5 = arith.addi %sub3A_3, %add3A_4 : i32
    %sub3A_6 = arith.constant 1 : i32
    %sub3A_7 = arith.subi %add3A_5, %sub3A_6 : i32
    %jit3A = arith.constant 32 : i32
    %div3A = arith.divsi %sub3A_7, %jit3A : i32
    %sign3A = arith.constant 0 : i32
    %sign3A_8 = arith.cmpi sgt, %sub3A_7, %sign3A : i32
    %sign3A_9 = arith.extui %sign3A_8 : i1 to i32
    %sign3A_10 = arith.constant 0 : i32
    %sign3A_11 = arith.cmpi slt, %sub3A_7, %sign3A_10 : i32
    %sign3A_12 = arith.extui %sign3A_11 : i1 to i32
    %sign3A_13 = arith.subi %sign3A_9, %sign3A_12 : i32
    %sign3A_14 = arith.constant 0 : i32
    %sign3A_15 = arith.cmpi sgt, %jit3A, %sign3A_14 : i32
    %sign3A_16 = arith.extui %sign3A_15 : i1 to i32
    %sign3A_17 = arith.constant 0 : i32
    %sign3A_18 = arith.cmpi slt, %jit3A, %sign3A_17 : i32
    %sign3A_19 = arith.extui %sign3A_18 : i1 to i32
    %sign3A_20 = arith.subi %sign3A_16, %sign3A_19 : i32
    %ne3A = arith.cmpi ne, %sign3A_13, %sign3A_20 : i32
    %rem3A = arith.remsi %sub3A_7, %jit3A : i32
    %ne3A_21 = arith.constant 0 : i32
    %ne3A_22 = arith.cmpi ne, %rem3A, %ne3A_21 : i32
    %and3A = arith.andi %ne3A, %ne3A_22 : i1
    %sub3A_23 = arith.constant 1 : i32
    %sub3A_24 = arith.subi %div3A, %sub3A_23 : i32
    %select_n3A = arith.select %and3A, %sub3A_24, %div3A : i32
    %while3A = arith.constant 0 : i32
    %while3A_25 = arith.constant 0 : i32
    %while3A_26 = arith.subi %select_n3A, %while3A_25 : i32
    %while3A_27 = arith.addi %while3A_25, %while3A_26 : i32
    %while3A_28 = arith.constant 1 : i32
    %while3A_29 = arith.divsi %while3A_26, %while3A_28 : i32
    %while3A_30 = arith.muli %while3A_29, %while3A_28 : i32
    %while3A_31 = arith.addi %while3A_25, %while3A_30 : i32
    %while3A_32 = arith.constant 1 : i32
    scf.for %while3A_35 = %while3A_25 to %while3A_31 step %while3A_32  : i32 {
      %mul3A_36 = arith.constant 32 : i32
      %mul3A_37 = arith.muli %while3A_35, %mul3A_36 : i32
      %add3A_38 = arith.addi %add3A, %mul3A_37 : i32
      %mul3A_39 = arith.constant 128 : i32
      %mul3A_40 = arith.muli %add3A_38, %mul3A_39 : i32
      %run_scoped3A = arith.constant 0 : i32
      "tpu.region"() ({
        %run_scoped3A_53 = tpu.sem_alloc : memref<!tpu.dma_semaphore, #tpu.memory_space<semaphore_mem>>
        %dma_start3A_54 = arith.constant 0 : i32
        %dma_start3A_55 = tpu.memref_slice %arg8[%run_scoped3A, %dma_start3A_54] : memref<1x128xi32, #tpu.memory_space<vmem>> -> memref<1x128xi32, #tpu.memory_space<vmem>>
        %dma_start3A_56 = tpu.memref_squeeze %dma_start3A_55 : memref<1x128xi32, #tpu.memory_space<vmem>> -> memref<128xi32, #tpu.memory_space<vmem>>
        %dma_start3A_57 = tpu.memref_slice %arg2[%mul3A_40] : memref<320000xi32, #tpu.memory_space<hbm>> -> memref<128xi32, #tpu.memory_space<hbm>>
        %dma_start3A_58 = arith.constant 0 : i32
        %dma_start3A_59 = tpu.memref_slice %arg8[%run_scoped3A, %dma_start3A_58] : memref<1x128xi32, #tpu.memory_space<vmem>> -> memref<1x128xi32, #tpu.memory_space<vmem>>
        %dma_start3A_60 = tpu.memref_squeeze %dma_start3A_59 : memref<1x128xi32, #tpu.memory_space<vmem>> -> memref<128xi32, #tpu.memory_space<vmem>>
        %dma_start3A_61 = tpu.memref_slice %arg2[%mul3A_40] : memref<320000xi32, #tpu.memory_space<hbm>> -> memref<128xi32, #tpu.memory_space<hbm>>
        tpu.enqueue_dma source(%dma_start3A_61 : memref<128xi32, #tpu.memory_space<hbm>>) target(%dma_start3A_60 : memref<128xi32, #tpu.memory_space<vmem>>) target_semaphore(%run_scoped3A_53 : memref<!tpu.dma_semaphore, #tpu.memory_space<semaphore_mem>>)
        %dma_wait3A_62 = arith.constant 0 : i32
        %dma_wait3A_63 = tpu.memref_slice %arg8[%run_scoped3A, %dma_wait3A_62] : memref<1x128xi32, #tpu.memory_space<vmem>> -> memref<1x128xi32, #tpu.memory_space<vmem>>
        %dma_wait3A_64 = tpu.memref_squeeze %dma_wait3A_63 : memref<1x128xi32, #tpu.memory_space<vmem>> -> memref<128xi32, #tpu.memory_space<vmem>>
        %dma_wait3A_65 = tpu.memref_slice %arg2[%mul3A_40] : memref<320000xi32, #tpu.memory_space<hbm>> -> memref<128xi32, #tpu.memory_space<hbm>>
        %dma_wait3A_66 = arith.constant 0 : i32
        %dma_wait3A_67 = tpu.memref_slice %arg8[%run_scoped3A, %dma_wait3A_66] : memref<1x128xi32, #tpu.memory_space<vmem>> -> memref<1x128xi32, #tpu.memory_space<vmem>>
        %dma_wait3A_68 = tpu.memref_squeeze %dma_wait3A_67 : memref<1x128xi32, #tpu.memory_space<vmem>> -> memref<128xi32, #tpu.memory_space<vmem>>
        %dma_wait3A_69 = tpu.memref_slice %arg2[%mul3A_40] : memref<320000xi32, #tpu.memory_space<hbm>> -> memref<128xi32, #tpu.memory_space<hbm>>
        tpu.wait_dma2 semaphore(%run_scoped3A_53 : memref<!tpu.dma_semaphore, #tpu.memory_space<semaphore_mem>>) src(%dma_wait3A_69 : memref<128xi32, #tpu.memory_space<hbm>>) dst(%dma_wait3A_68 : memref<128xi32, #tpu.memory_space<vmem>>)
        tpu.yield
      }) : () -> ()
      %dma_start3A = arith.constant 0 : i32
      %dma_start3A_41 = arith.constant 0 : i32
      %dma_start3A_42 = tpu.memref_slice %arg8[%dma_start3A, %dma_start3A_41] : memref<1x128xi32, #tpu.memory_space<vmem>> -> memref<1x128xi32, #tpu.memory_space<vmem>>
      %dma_start3A_43 = tpu.memref_squeeze %dma_start3A_42 : memref<1x128xi32, #tpu.memory_space<vmem>> -> memref<128xi32, #tpu.memory_space<vmem>>
      %dma_start3A_44 = arith.constant 0 : i32
      %dma_start3A_45 = arith.constant 0 : i32
      %dma_start3A_46 = tpu.memref_slice %arg6[%dma_start3A_44, %dma_start3A_45] : memref<10240x16xf32, #tpu.memory_space<vmem_shared>> -> memref<10240x16xf32, #tpu.memory_space<vmem_shared>>
      tpu.enqueue_indirect_dma source(%arg7 : memref<128x16xf32, #tpu.memory_space<vmem>>) target(%dma_start3A_46 : memref<10240x16xf32, #tpu.memory_space<vmem_shared>>) offsets(%dma_start3A_43 : memref<128xi32, #tpu.memory_space<vmem>>) semaphore(%arg9 : memref<!tpu.dma_semaphore, #tpu.memory_space<semaphore_mem>>) {add = true}
      %dma_wait3A = arith.constant 0 : i32
      %dma_wait3A_47 = arith.constant 0 : i32
      %dma_wait3A_48 = tpu.memref_slice %arg8[%dma_wait3A, %dma_wait3A_47] : memref<1x128xi32, #tpu.memory_space<vmem>> -> memref<1x128xi32, #tpu.memory_space<vmem>>
      %dma_wait3A_49 = tpu.memref_squeeze %dma_wait3A_48 : memref<1x128xi32, #tpu.memory_space<vmem>> -> memref<128xi32, #tpu.memory_space<vmem>>
      %dma_wait3A_50 = arith.constant 0 : i32
      %dma_wait3A_51 = arith.constant 0 : i32
      %dma_wait3A_52 = tpu.memref_slice %arg6[%dma_wait3A_50, %dma_wait3A_51] : memref<10240x16xf32, #tpu.memory_space<vmem_shared>> -> memref<10240x16xf32, #tpu.memory_space<vmem_shared>>
      tpu.wait_indirect_dma semaphore(%arg9 : memref<!tpu.dma_semaphore, #tpu.memory_space<semaphore_mem>>) src(%arg7 : memref<128x16xf32, #tpu.memory_space<vmem>>) dst(%dma_wait3A_52 : memref<10240x16xf32, #tpu.memory_space<vmem_shared>>)
    }
    %while3A_33 = arith.constant 1 : i32
    scf.for %while3A_35 = %while3A_31 to %while3A_27 step %while3A_33  : i32 {
      %mul3A_36 = arith.constant 32 : i32
      %mul3A_37 = arith.muli %while3A_35, %mul3A_36 : i32
      %add3A_38 = arith.addi %add3A, %mul3A_37 : i32
      %mul3A_39 = arith.constant 128 : i32
      %mul3A_40 = arith.muli %add3A_38, %mul3A_39 : i32
      %run_scoped3A = arith.constant 0 : i32
      "tpu.region"() ({
        %run_scoped3A_53 = tpu.sem_alloc : memref<!tpu.dma_semaphore, #tpu.memory_space<semaphore_mem>>
        %dma_start3A_54 = arith.constant 0 : i32
        %dma_start3A_55 = tpu.memref_slice %arg8[%run_scoped3A, %dma_start3A_54] : memref<1x128xi32, #tpu.memory_space<vmem>> -> memref<1x128xi32, #tpu.memory_space<vmem>>
        %dma_start3A_56 = tpu.memref_squeeze %dma_start3A_55 : memref<1x128xi32, #tpu.memory_space<vmem>> -> memref<128xi32, #tpu.memory_space<vmem>>
        %dma_start3A_57 = tpu.memref_slice %arg2[%mul3A_40] : memref<320000xi32, #tpu.memory_space<hbm>> -> memref<128xi32, #tpu.memory_space<hbm>>
        %dma_start3A_58 = arith.constant 0 : i32
        %dma_start3A_59 = tpu.memref_slice %arg8[%run_scoped3A, %dma_start3A_58] : memref<1x128xi32, #tpu.memory_space<vmem>> -> memref<1x128xi32, #tpu.memory_space<vmem>>
        %dma_start3A_60 = tpu.memref_squeeze %dma_start3A_59 : memref<1x128xi32, #tpu.memory_space<vmem>> -> memref<128xi32, #tpu.memory_space<vmem>>
        %dma_start3A_61 = tpu.memref_slice %arg2[%mul3A_40] : memref<320000xi32, #tpu.memory_space<hbm>> -> memref<128xi32, #tpu.memory_space<hbm>>
        tpu.enqueue_dma source(%dma_start3A_61 : memref<128xi32, #tpu.memory_space<hbm>>) target(%dma_start3A_60 : memref<128xi32, #tpu.memory_space<vmem>>) target_semaphore(%run_scoped3A_53 : memref<!tpu.dma_semaphore, #tpu.memory_space<semaphore_mem>>)
        %dma_wait3A_62 = arith.constant 0 : i32
        %dma_wait3A_63 = tpu.memref_slice %arg8[%run_scoped3A, %dma_wait3A_62] : memref<1x128xi32, #tpu.memory_space<vmem>> -> memref<1x128xi32, #tpu.memory_space<vmem>>
        %dma_wait3A_64 = tpu.memref_squeeze %dma_wait3A_63 : memref<1x128xi32, #tpu.memory_space<vmem>> -> memref<128xi32, #tpu.memory_space<vmem>>
        %dma_wait3A_65 = tpu.memref_slice %arg2[%mul3A_40] : memref<320000xi32, #tpu.memory_space<hbm>> -> memref<128xi32, #tpu.memory_space<hbm>>
        %dma_wait3A_66 = arith.constant 0 : i32
        %dma_wait3A_67 = tpu.memref_slice %arg8[%run_scoped3A, %dma_wait3A_66] : memref<1x128xi32, #tpu.memory_space<vmem>> -> memref<1x128xi32, #tpu.memory_space<vmem>>
        %dma_wait3A_68 = tpu.memref_squeeze %dma_wait3A_67 : memref<1x128xi32, #tpu.memory_space<vmem>> -> memref<128xi32, #tpu.memory_space<vmem>>
        %dma_wait3A_69 = tpu.memref_slice %arg2[%mul3A_40] : memref<320000xi32, #tpu.memory_space<hbm>> -> memref<128xi32, #tpu.memory_space<hbm>>
        tpu.wait_dma2 semaphore(%run_scoped3A_53 : memref<!tpu.dma_semaphore, #tpu.memory_space<semaphore_mem>>) src(%dma_wait3A_69 : memref<128xi32, #tpu.memory_space<hbm>>) dst(%dma_wait3A_68 : memref<128xi32, #tpu.memory_space<vmem>>)
        tpu.yield
      }) : () -> ()
      %dma_start3A = arith.constant 0 : i32
      %dma_start3A_41 = arith.constant 0 : i32
      %dma_start3A_42 = tpu.memref_slice %arg8[%dma_start3A, %dma_start3A_41] : memref<1x128xi32, #tpu.memory_space<vmem>> -> memref<1x128xi32, #tpu.memory_space<vmem>>
      %dma_start3A_43 = tpu.memref_squeeze %dma_start3A_42 : memref<1x128xi32, #tpu.memory_space<vmem>> -> memref<128xi32, #tpu.memory_space<vmem>>
      %dma_start3A_44 = arith.constant 0 : i32
      %dma_start3A_45 = arith.constant 0 : i32
      %dma_start3A_46 = tpu.memref_slice %arg6[%dma_start3A_44, %dma_start3A_45] : memref<10240x16xf32, #tpu.memory_space<vmem_shared>> -> memref<10240x16xf32, #tpu.memory_space<vmem_shared>>
      tpu.enqueue_indirect_dma source(%arg7 : memref<128x16xf32, #tpu.memory_space<vmem>>) target(%dma_start3A_46 : memref<10240x16xf32, #tpu.memory_space<vmem_shared>>) offsets(%dma_start3A_43 : memref<128xi32, #tpu.memory_space<vmem>>) semaphore(%arg9 : memref<!tpu.dma_semaphore, #tpu.memory_space<semaphore_mem>>) {add = true}
      %dma_wait3A = arith.constant 0 : i32
      %dma_wait3A_47 = arith.constant 0 : i32
      %dma_wait3A_48 = tpu.memref_slice %arg8[%dma_wait3A, %dma_wait3A_47] : memref<1x128xi32, #tpu.memory_space<vmem>> -> memref<1x128xi32, #tpu.memory_space<vmem>>
      %dma_wait3A_49 = tpu.memref_squeeze %dma_wait3A_48 : memref<1x128xi32, #tpu.memory_space<vmem>> -> memref<128xi32, #tpu.memory_space<vmem>>
      %dma_wait3A_50 = arith.constant 0 : i32
      %dma_wait3A_51 = arith.constant 0 : i32
      %dma_wait3A_52 = tpu.memref_slice %arg6[%dma_wait3A_50, %dma_wait3A_51] : memref<10240x16xf32, #tpu.memory_space<vmem_shared>> -> memref<10240x16xf32, #tpu.memory_space<vmem_shared>>
      tpu.wait_indirect_dma semaphore(%arg9 : memref<!tpu.dma_semaphore, #tpu.memory_space<semaphore_mem>>) src(%arg7 : memref<128x16xf32, #tpu.memory_space<vmem>>) dst(%dma_wait3A_52 : memref<10240x16xf32, #tpu.memory_space<vmem_shared>>)
    }
    %barrier3A_34 = arith.constant 0 : index
    tpu.barrier barrier_id(%barrier3A_34)
    "tpu.region"() ({
      %run_scoped3A = tpu.sem_alloc : memref<!tpu.dma_semaphore, #tpu.memory_space<semaphore_mem>>
      %dma_start3A = arith.constant 0 : i32
      %dma_start3A_35 = tpu.memref_slice %arg5[%arg0, %mul3A_0, %dma_start3A] : memref<2x10240x16xf32, #tpu.memory_space<hbm>> -> memref<1x640x16xf32, #tpu.memory_space<hbm>>
      %dma_start3A_36 = tpu.memref_squeeze %dma_start3A_35 : memref<1x640x16xf32, #tpu.memory_space<hbm>> -> memref<640x16xf32, #tpu.memory_space<hbm>>
      %dma_start3A_37 = arith.constant 0 : i32
      %dma_start3A_38 = tpu.memref_slice %arg6[%mul3A_0, %dma_start3A_37] : memref<10240x16xf32, #tpu.memory_space<vmem_shared>> -> memref<640x16xf32, #tpu.memory_space<vmem_shared>>
      tpu.enqueue_dma source(%dma_start3A_38 : memref<640x16xf32, #tpu.memory_space<vmem_shared>>) target(%dma_start3A_36 : memref<640x16xf32, #tpu.memory_space<hbm>>) target_semaphore(%run_scoped3A : memref<!tpu.dma_semaphore, #tpu.memory_space<semaphore_mem>>)
      %dma_wait3A = arith.constant 0 : i32
      %dma_wait3A_39 = tpu.memref_slice %arg5[%arg0, %mul3A_0, %dma_wait3A] : memref<2x10240x16xf32, #tpu.memory_space<hbm>> -> memref<1x640x16xf32, #tpu.memory_space<hbm>>
      %dma_wait3A_40 = tpu.memref_squeeze %dma_wait3A_39 : memref<1x640x16xf32, #tpu.memory_space<hbm>> -> memref<640x16xf32, #tpu.memory_space<hbm>>
      %dma_wait3A_41 = arith.constant 0 : i32
      %dma_wait3A_42 = tpu.memref_slice %arg6[%mul3A_0, %dma_wait3A_41] : memref<10240x16xf32, #tpu.memory_space<vmem_shared>> -> memref<640x16xf32, #tpu.memory_space<vmem_shared>>
      tpu.wait_dma2 semaphore(%run_scoped3A : memref<!tpu.dma_semaphore, #tpu.memory_space<semaphore_mem>>) src(%dma_wait3A_42 : memref<640x16xf32, #tpu.memory_space<vmem_shared>>) dst(%dma_wait3A_40 : memref<640x16xf32, #tpu.memory_space<hbm>>)
      tpu.yield
    }) : () -> ()
    return
  }
}

#map = affine_map<(d0, d1) -> (0, 0)>
#map1 = affine_map<(d0, d1) -> (0, 0, 0)>
module attributes {stable_mosaic.version = 14 : i64} {
  func.func @_agg_kernel(%arg0: i32, %arg1: i32, %arg2: memref<10000x128xf32, #tpu.memory_space<hbm>>, %arg3: memref<2500x2x128xi32, #tpu.memory_space<hbm>>, %arg4: memref<640x128xf32, #tpu.memory_space<hbm>>, %arg5: memref<2x10240x128xf32, #tpu.memory_space<hbm>>, %arg6: memref<10240x128xf32, #tpu.memory_space<vmem_shared>>, %arg7: memref<128x128xf32, #tpu.memory_space<vmem>>, %arg8: memref<128x128xf32, #tpu.memory_space<vmem>>, %arg9: memref<2x128xi32, #tpu.memory_space<vmem>>, %arg10: memref<2x128xi32, #tpu.memory_space<vmem>>, %arg11: memref<2x128xi32, #tpu.memory_space<vmem>>, %arg12: memref<2x128xi32, #tpu.memory_space<vmem>>, %arg13: memref<!tpu.dma_semaphore, #tpu.memory_space<semaphore_mem>>, %arg14: memref<!tpu.dma_semaphore, #tpu.memory_space<semaphore_mem>>, %arg15: memref<!tpu.dma_semaphore, #tpu.memory_space<semaphore_mem>>, %arg16: memref<!tpu.dma_semaphore, #tpu.memory_space<semaphore_mem>>, %arg17: memref<!tpu.dma_semaphore, #tpu.memory_space<semaphore_mem>>, %arg18: memref<!tpu.dma_semaphore, #tpu.memory_space<semaphore_mem>>, %arg19: memref<!tpu.dma_semaphore, #tpu.memory_space<semaphore_mem>>) attributes {dimension_semantics = [#tpu.dimension_semantics<core_parallel>, #tpu.dimension_semantics<subcore_parallel>], iteration_bounds = array<i64: 2, 16>, scalar_prefetch = 0 : i64, scratch_operands = 14 : i64, tpu.core_type = #tpu.core_type<sc_vector_subcore>, window_params = [{transform_indices = #map}, {transform_indices = #map1}, {transform_indices = #map}, {transform_indices = #map1}]} {
    %mul3A = arith.constant 640 : i32
    %mul3A_0 = arith.muli %arg1, %mul3A : i32
    "tpu.region"() ({
      %run_scoped3A = tpu.sem_alloc : memref<!tpu.dma_semaphore, #tpu.memory_space<semaphore_mem>>
      %dma_start3A_125 = arith.constant 0 : i32
      %dma_start3A_126 = tpu.memref_slice %arg6[%mul3A_0, %dma_start3A_125] : memref<10240x128xf32, #tpu.memory_space<vmem_shared>> -> memref<640x128xf32, #tpu.memory_space<vmem_shared>>
      tpu.enqueue_dma source(%arg4 : memref<640x128xf32, #tpu.memory_space<hbm>>) target(%dma_start3A_126 : memref<640x128xf32, #tpu.memory_space<vmem_shared>>) target_semaphore(%run_scoped3A : memref<!tpu.dma_semaphore, #tpu.memory_space<semaphore_mem>>)
      %dma_wait3A_127 = arith.constant 0 : i32
      %dma_wait3A_128 = tpu.memref_slice %arg6[%mul3A_0, %dma_wait3A_127] : memref<10240x128xf32, #tpu.memory_space<vmem_shared>> -> memref<640x128xf32, #tpu.memory_space<vmem_shared>>
      tpu.wait_dma2 semaphore(%run_scoped3A : memref<!tpu.dma_semaphore, #tpu.memory_space<semaphore_mem>>) src(%arg4 : memref<640x128xf32, #tpu.memory_space<hbm>>) dst(%dma_wait3A_128 : memref<640x128xf32, #tpu.memory_space<vmem_shared>>)
      tpu.yield
    }) : () -> ()
    %mul3A_1 = arith.constant 2 : i32
    %mul3A_2 = arith.muli %arg1, %mul3A_1 : i32
    %add3A = arith.addi %mul3A_2, %arg0 : i32
    %add3A_3 = arith.constant 0 : i32
    %add3A_4 = arith.addi %add3A, %add3A_3 : i32
    %dma_start3A = arith.constant 0 : i32
    %dma_start3A_5 = arith.constant 0 : i32
    %dma_start3A_6 = tpu.memref_slice %arg3[%add3A_4, %dma_start3A, %dma_start3A_5] : memref<2500x2x128xi32, #tpu.memory_space<hbm>> -> memref<1x2x128xi32, #tpu.memory_space<hbm>>
    %dma_start3A_7 = tpu.memref_squeeze %dma_start3A_6 : memref<1x2x128xi32, #tpu.memory_space<hbm>> -> memref<2x128xi32, #tpu.memory_space<hbm>>
    %dma_start3A_8 = arith.constant 0 : i32
    %dma_start3A_9 = arith.constant 0 : i32
    %dma_start3A_10 = tpu.memref_slice %arg3[%add3A_4, %dma_start3A_8, %dma_start3A_9] : memref<2500x2x128xi32, #tpu.memory_space<hbm>> -> memref<1x2x128xi32, #tpu.memory_space<hbm>>
    %dma_start3A_11 = tpu.memref_squeeze %dma_start3A_10 : memref<1x2x128xi32, #tpu.memory_space<hbm>> -> memref<2x128xi32, #tpu.memory_space<hbm>>
    tpu.enqueue_dma source(%dma_start3A_11 : memref<2x128xi32, #tpu.memory_space<hbm>>) target(%arg9 : memref<2x128xi32, #tpu.memory_space<vmem>>) target_semaphore(%arg16 : memref<!tpu.dma_semaphore, #tpu.memory_space<semaphore_mem>>)
    %add3A_12 = arith.constant 32 : i32
    %add3A_13 = arith.addi %add3A, %add3A_12 : i32
    %dma_start3A_14 = arith.constant 0 : i32
    %dma_start3A_15 = arith.constant 0 : i32
    %dma_start3A_16 = tpu.memref_slice %arg3[%add3A_13, %dma_start3A_14, %dma_start3A_15] : memref<2500x2x128xi32, #tpu.memory_space<hbm>> -> memref<1x2x128xi32, #tpu.memory_space<hbm>>
    %dma_start3A_17 = tpu.memref_squeeze %dma_start3A_16 : memref<1x2x128xi32, #tpu.memory_space<hbm>> -> memref<2x128xi32, #tpu.memory_space<hbm>>
    %dma_start3A_18 = arith.constant 0 : i32
    %dma_start3A_19 = arith.constant 0 : i32
    %dma_start3A_20 = tpu.memref_slice %arg3[%add3A_13, %dma_start3A_18, %dma_start3A_19] : memref<2500x2x128xi32, #tpu.memory_space<hbm>> -> memref<1x2x128xi32, #tpu.memory_space<hbm>>
    %dma_start3A_21 = tpu.memref_squeeze %dma_start3A_20 : memref<1x2x128xi32, #tpu.memory_space<hbm>> -> memref<2x128xi32, #tpu.memory_space<hbm>>
    tpu.enqueue_dma source(%dma_start3A_21 : memref<2x128xi32, #tpu.memory_space<hbm>>) target(%arg10 : memref<2x128xi32, #tpu.memory_space<vmem>>) target_semaphore(%arg17 : memref<!tpu.dma_semaphore, #tpu.memory_space<semaphore_mem>>)
    %add3A_22 = arith.constant 64 : i32
    %add3A_23 = arith.addi %add3A, %add3A_22 : i32
    %dma_start3A_24 = arith.constant 0 : i32
    %dma_start3A_25 = arith.constant 0 : i32
    %dma_start3A_26 = tpu.memref_slice %arg3[%add3A_23, %dma_start3A_24, %dma_start3A_25] : memref<2500x2x128xi32, #tpu.memory_space<hbm>> -> memref<1x2x128xi32, #tpu.memory_space<hbm>>
    %dma_start3A_27 = tpu.memref_squeeze %dma_start3A_26 : memref<1x2x128xi32, #tpu.memory_space<hbm>> -> memref<2x128xi32, #tpu.memory_space<hbm>>
    %dma_start3A_28 = arith.constant 0 : i32
    %dma_start3A_29 = arith.constant 0 : i32
    %dma_start3A_30 = tpu.memref_slice %arg3[%add3A_23, %dma_start3A_28, %dma_start3A_29] : memref<2500x2x128xi32, #tpu.memory_space<hbm>> -> memref<1x2x128xi32, #tpu.memory_space<hbm>>
    %dma_start3A_31 = tpu.memref_squeeze %dma_start3A_30 : memref<1x2x128xi32, #tpu.memory_space<hbm>> -> memref<2x128xi32, #tpu.memory_space<hbm>>
    tpu.enqueue_dma source(%dma_start3A_31 : memref<2x128xi32, #tpu.memory_space<hbm>>) target(%arg11 : memref<2x128xi32, #tpu.memory_space<vmem>>) target_semaphore(%arg18 : memref<!tpu.dma_semaphore, #tpu.memory_space<semaphore_mem>>)
    %add3A_32 = arith.constant 96 : i32
    %add3A_33 = arith.addi %add3A, %add3A_32 : i32
    %dma_start3A_34 = arith.constant 0 : i32
    %dma_start3A_35 = arith.constant 0 : i32
    %dma_start3A_36 = tpu.memref_slice %arg3[%add3A_33, %dma_start3A_34, %dma_start3A_35] : memref<2500x2x128xi32, #tpu.memory_space<hbm>> -> memref<1x2x128xi32, #tpu.memory_space<hbm>>
    %dma_start3A_37 = tpu.memref_squeeze %dma_start3A_36 : memref<1x2x128xi32, #tpu.memory_space<hbm>> -> memref<2x128xi32, #tpu.memory_space<hbm>>
    %dma_start3A_38 = arith.constant 0 : i32
    %dma_start3A_39 = arith.constant 0 : i32
    %dma_start3A_40 = tpu.memref_slice %arg3[%add3A_33, %dma_start3A_38, %dma_start3A_39] : memref<2500x2x128xi32, #tpu.memory_space<hbm>> -> memref<1x2x128xi32, #tpu.memory_space<hbm>>
    %dma_start3A_41 = tpu.memref_squeeze %dma_start3A_40 : memref<1x2x128xi32, #tpu.memory_space<hbm>> -> memref<2x128xi32, #tpu.memory_space<hbm>>
    tpu.enqueue_dma source(%dma_start3A_41 : memref<2x128xi32, #tpu.memory_space<hbm>>) target(%arg12 : memref<2x128xi32, #tpu.memory_space<vmem>>) target_semaphore(%arg19 : memref<!tpu.dma_semaphore, #tpu.memory_space<semaphore_mem>>)
    %barrier3A = arith.constant 0 : index
    tpu.barrier barrier_id(%barrier3A)
    %scan3A = arith.constant 0 : i32
    %scan3A_42 = arith.constant 0 : i32
    %scan3A_43 = arith.constant 19 : i32
    %scan3A_44 = arith.addi %scan3A_42, %scan3A_43 : i32
    %scan3A_45 = arith.constant 1 : i32
    scf.for %scan3A_125 = %scan3A_42 to %scan3A_44 step %scan3A_45  : i32 {
      %mul3A_126 = arith.constant 4 : i32
      %mul3A_127 = arith.muli %scan3A_125, %mul3A_126 : i32
      %add3A_128 = arith.constant 0 : i32
      %add3A_129 = arith.addi %mul3A_127, %add3A_128 : i32
      %mul3A_130 = arith.constant 32 : i32
      %mul3A_131 = arith.muli %add3A_129, %mul3A_130 : i32
      %add3A_132 = arith.addi %add3A, %mul3A_131 : i32
      %dma_wait3A_133 = arith.constant 0 : i32
      %dma_wait3A_134 = arith.constant 0 : i32
      %dma_wait3A_135 = tpu.memref_slice %arg3[%add3A_132, %dma_wait3A_133, %dma_wait3A_134] : memref<2500x2x128xi32, #tpu.memory_space<hbm>> -> memref<1x2x128xi32, #tpu.memory_space<hbm>>
      %dma_wait3A_136 = tpu.memref_squeeze %dma_wait3A_135 : memref<1x2x128xi32, #tpu.memory_space<hbm>> -> memref<2x128xi32, #tpu.memory_space<hbm>>
      %dma_wait3A_137 = arith.constant 0 : i32
      %dma_wait3A_138 = arith.constant 0 : i32
      %dma_wait3A_139 = tpu.memref_slice %arg3[%add3A_132, %dma_wait3A_137, %dma_wait3A_138] : memref<2500x2x128xi32, #tpu.memory_space<hbm>> -> memref<1x2x128xi32, #tpu.memory_space<hbm>>
      %dma_wait3A_140 = tpu.memref_squeeze %dma_wait3A_139 : memref<1x2x128xi32, #tpu.memory_space<hbm>> -> memref<2x128xi32, #tpu.memory_space<hbm>>
      tpu.wait_dma2 semaphore(%arg16 : memref<!tpu.dma_semaphore, #tpu.memory_space<semaphore_mem>>) src(%dma_wait3A_140 : memref<2x128xi32, #tpu.memory_space<hbm>>) dst(%arg9 : memref<2x128xi32, #tpu.memory_space<vmem>>)
      %add3A_141 = arith.constant 1 : i32
      %add3A_142 = arith.addi %mul3A_127, %add3A_141 : i32
      %mul3A_143 = arith.constant 32 : i32
      %mul3A_144 = arith.muli %add3A_142, %mul3A_143 : i32
      %add3A_145 = arith.addi %add3A, %mul3A_144 : i32
      %dma_wait3A_146 = arith.constant 0 : i32
      %dma_wait3A_147 = arith.constant 0 : i32
      %dma_wait3A_148 = tpu.memref_slice %arg3[%add3A_145, %dma_wait3A_146, %dma_wait3A_147] : memref<2500x2x128xi32, #tpu.memory_space<hbm>> -> memref<1x2x128xi32, #tpu.memory_space<hbm>>
      %dma_wait3A_149 = tpu.memref_squeeze %dma_wait3A_148 : memref<1x2x128xi32, #tpu.memory_space<hbm>> -> memref<2x128xi32, #tpu.memory_space<hbm>>
      %dma_wait3A_150 = arith.constant 0 : i32
      %dma_wait3A_151 = arith.constant 0 : i32
      %dma_wait3A_152 = tpu.memref_slice %arg3[%add3A_145, %dma_wait3A_150, %dma_wait3A_151] : memref<2500x2x128xi32, #tpu.memory_space<hbm>> -> memref<1x2x128xi32, #tpu.memory_space<hbm>>
      %dma_wait3A_153 = tpu.memref_squeeze %dma_wait3A_152 : memref<1x2x128xi32, #tpu.memory_space<hbm>> -> memref<2x128xi32, #tpu.memory_space<hbm>>
      tpu.wait_dma2 semaphore(%arg17 : memref<!tpu.dma_semaphore, #tpu.memory_space<semaphore_mem>>) src(%dma_wait3A_153 : memref<2x128xi32, #tpu.memory_space<hbm>>) dst(%arg10 : memref<2x128xi32, #tpu.memory_space<vmem>>)
      %add3A_154 = arith.constant 2 : i32
      %add3A_155 = arith.addi %mul3A_127, %add3A_154 : i32
      %mul3A_156 = arith.constant 32 : i32
      %mul3A_157 = arith.muli %add3A_155, %mul3A_156 : i32
      %add3A_158 = arith.addi %add3A, %mul3A_157 : i32
      %dma_wait3A_159 = arith.constant 0 : i32
      %dma_wait3A_160 = arith.constant 0 : i32
      %dma_wait3A_161 = tpu.memref_slice %arg3[%add3A_158, %dma_wait3A_159, %dma_wait3A_160] : memref<2500x2x128xi32, #tpu.memory_space<hbm>> -> memref<1x2x128xi32, #tpu.memory_space<hbm>>
      %dma_wait3A_162 = tpu.memref_squeeze %dma_wait3A_161 : memref<1x2x128xi32, #tpu.memory_space<hbm>> -> memref<2x128xi32, #tpu.memory_space<hbm>>
      %dma_wait3A_163 = arith.constant 0 : i32
      %dma_wait3A_164 = arith.constant 0 : i32
      %dma_wait3A_165 = tpu.memref_slice %arg3[%add3A_158, %dma_wait3A_163, %dma_wait3A_164] : memref<2500x2x128xi32, #tpu.memory_space<hbm>> -> memref<1x2x128xi32, #tpu.memory_space<hbm>>
      %dma_wait3A_166 = tpu.memref_squeeze %dma_wait3A_165 : memref<1x2x128xi32, #tpu.memory_space<hbm>> -> memref<2x128xi32, #tpu.memory_space<hbm>>
      tpu.wait_dma2 semaphore(%arg18 : memref<!tpu.dma_semaphore, #tpu.memory_space<semaphore_mem>>) src(%dma_wait3A_166 : memref<2x128xi32, #tpu.memory_space<hbm>>) dst(%arg11 : memref<2x128xi32, #tpu.memory_space<vmem>>)
      %add3A_167 = arith.constant 3 : i32
      %add3A_168 = arith.addi %mul3A_127, %add3A_167 : i32
      %mul3A_169 = arith.constant 32 : i32
      %mul3A_170 = arith.muli %add3A_168, %mul3A_169 : i32
      %add3A_171 = arith.addi %add3A, %mul3A_170 : i32
      %dma_wait3A_172 = arith.constant 0 : i32
      %dma_wait3A_173 = arith.constant 0 : i32
      %dma_wait3A_174 = tpu.memref_slice %arg3[%add3A_171, %dma_wait3A_172, %dma_wait3A_173] : memref<2500x2x128xi32, #tpu.memory_space<hbm>> -> memref<1x2x128xi32, #tpu.memory_space<hbm>>
      %dma_wait3A_175 = tpu.memref_squeeze %dma_wait3A_174 : memref<1x2x128xi32, #tpu.memory_space<hbm>> -> memref<2x128xi32, #tpu.memory_space<hbm>>
      %dma_wait3A_176 = arith.constant 0 : i32
      %dma_wait3A_177 = arith.constant 0 : i32
      %dma_wait3A_178 = tpu.memref_slice %arg3[%add3A_171, %dma_wait3A_176, %dma_wait3A_177] : memref<2500x2x128xi32, #tpu.memory_space<hbm>> -> memref<1x2x128xi32, #tpu.memory_space<hbm>>
      %dma_wait3A_179 = tpu.memref_squeeze %dma_wait3A_178 : memref<1x2x128xi32, #tpu.memory_space<hbm>> -> memref<2x128xi32, #tpu.memory_space<hbm>>
      tpu.wait_dma2 semaphore(%arg19 : memref<!tpu.dma_semaphore, #tpu.memory_space<semaphore_mem>>) src(%dma_wait3A_179 : memref<2x128xi32, #tpu.memory_space<hbm>>) dst(%arg12 : memref<2x128xi32, #tpu.memory_space<vmem>>)
      %dma_start3A_180 = arith.constant 0 : i32
      %dma_start3A_181 = arith.constant 0 : i32
      %dma_start3A_182 = tpu.memref_slice %arg9[%dma_start3A_180, %dma_start3A_181] : memref<2x128xi32, #tpu.memory_space<vmem>> -> memref<1x128xi32, #tpu.memory_space<vmem>>
      %dma_start3A_183 = tpu.memref_squeeze %dma_start3A_182 : memref<1x128xi32, #tpu.memory_space<vmem>> -> memref<128xi32, #tpu.memory_space<vmem>>
      %dma_start3A_184 = arith.constant 0 : i32
      %dma_start3A_185 = arith.constant 0 : i32
      %dma_start3A_186 = tpu.memref_slice %arg2[%dma_start3A_184, %dma_start3A_185] : memref<10000x128xf32, #tpu.memory_space<hbm>> -> memref<10000x128xf32, #tpu.memory_space<hbm>>
      tpu.enqueue_indirect_dma source(%dma_start3A_186 : memref<10000x128xf32, #tpu.memory_space<hbm>>) target(%arg7 : memref<128x128xf32, #tpu.memory_space<vmem>>) offsets(%dma_start3A_183 : memref<128xi32, #tpu.memory_space<vmem>>) semaphore(%arg13 : memref<!tpu.dma_semaphore, #tpu.memory_space<semaphore_mem>>)
      %dma_start3A_187 = arith.constant 0 : i32
      %dma_start3A_188 = arith.constant 0 : i32
      %dma_start3A_189 = tpu.memref_slice %arg10[%dma_start3A_187, %dma_start3A_188] : memref<2x128xi32, #tpu.memory_space<vmem>> -> memref<1x128xi32, #tpu.memory_space<vmem>>
      %dma_start3A_190 = tpu.memref_squeeze %dma_start3A_189 : memref<1x128xi32, #tpu.memory_space<vmem>> -> memref<128xi32, #tpu.memory_space<vmem>>
      %dma_start3A_191 = arith.constant 0 : i32
      %dma_start3A_192 = arith.constant 0 : i32
      %dma_start3A_193 = tpu.memref_slice %arg2[%dma_start3A_191, %dma_start3A_192] : memref<10000x128xf32, #tpu.memory_space<hbm>> -> memref<10000x128xf32, #tpu.memory_space<hbm>>
      tpu.enqueue_indirect_dma source(%dma_start3A_193 : memref<10000x128xf32, #tpu.memory_space<hbm>>) target(%arg8 : memref<128x128xf32, #tpu.memory_space<vmem>>) offsets(%dma_start3A_190 : memref<128xi32, #tpu.memory_space<vmem>>) semaphore(%arg14 : memref<!tpu.dma_semaphore, #tpu.memory_space<semaphore_mem>>)
      %dma_wait3A_194 = arith.constant 0 : i32
      %dma_wait3A_195 = arith.constant 0 : i32
      %dma_wait3A_196 = tpu.memref_slice %arg9[%dma_wait3A_194, %dma_wait3A_195] : memref<2x128xi32, #tpu.memory_space<vmem>> -> memref<1x128xi32, #tpu.memory_space<vmem>>
      %dma_wait3A_197 = tpu.memref_squeeze %dma_wait3A_196 : memref<1x128xi32, #tpu.memory_space<vmem>> -> memref<128xi32, #tpu.memory_space<vmem>>
      %dma_wait3A_198 = arith.constant 0 : i32
      %dma_wait3A_199 = arith.constant 0 : i32
      %dma_wait3A_200 = tpu.memref_slice %arg2[%dma_wait3A_198, %dma_wait3A_199] : memref<10000x128xf32, #tpu.memory_space<hbm>> -> memref<10000x128xf32, #tpu.memory_space<hbm>>
      tpu.wait_indirect_dma semaphore(%arg13 : memref<!tpu.dma_semaphore, #tpu.memory_space<semaphore_mem>>) src(%dma_wait3A_200 : memref<10000x128xf32, #tpu.memory_space<hbm>>) dst(%arg7 : memref<128x128xf32, #tpu.memory_space<vmem>>)
      %dma_start3A_201 = arith.constant 1 : i32
      %dma_start3A_202 = arith.constant 0 : i32
      %dma_start3A_203 = tpu.memref_slice %arg9[%dma_start3A_201, %dma_start3A_202] : memref<2x128xi32, #tpu.memory_space<vmem>> -> memref<1x128xi32, #tpu.memory_space<vmem>>
      %dma_start3A_204 = tpu.memref_squeeze %dma_start3A_203 : memref<1x128xi32, #tpu.memory_space<vmem>> -> memref<128xi32, #tpu.memory_space<vmem>>
      %dma_start3A_205 = arith.constant 0 : i32
      %dma_start3A_206 = arith.constant 0 : i32
      %dma_start3A_207 = tpu.memref_slice %arg6[%dma_start3A_205, %dma_start3A_206] : memref<10240x128xf32, #tpu.memory_space<vmem_shared>> -> memref<10240x128xf32, #tpu.memory_space<vmem_shared>>
      tpu.enqueue_indirect_dma source(%arg7 : memref<128x128xf32, #tpu.memory_space<vmem>>) target(%dma_start3A_207 : memref<10240x128xf32, #tpu.memory_space<vmem_shared>>) offsets(%dma_start3A_204 : memref<128xi32, #tpu.memory_space<vmem>>) semaphore(%arg15 : memref<!tpu.dma_semaphore, #tpu.memory_space<semaphore_mem>>) {add = true}
      %dma_wait3A_208 = arith.constant 1 : i32
      %dma_wait3A_209 = arith.constant 0 : i32
      %dma_wait3A_210 = tpu.memref_slice %arg9[%dma_wait3A_208, %dma_wait3A_209] : memref<2x128xi32, #tpu.memory_space<vmem>> -> memref<1x128xi32, #tpu.memory_space<vmem>>
      %dma_wait3A_211 = tpu.memref_squeeze %dma_wait3A_210 : memref<1x128xi32, #tpu.memory_space<vmem>> -> memref<128xi32, #tpu.memory_space<vmem>>
      %dma_wait3A_212 = arith.constant 0 : i32
      %dma_wait3A_213 = arith.constant 0 : i32
      %dma_wait3A_214 = tpu.memref_slice %arg6[%dma_wait3A_212, %dma_wait3A_213] : memref<10240x128xf32, #tpu.memory_space<vmem_shared>> -> memref<10240x128xf32, #tpu.memory_space<vmem_shared>>
      tpu.wait_indirect_dma semaphore(%arg15 : memref<!tpu.dma_semaphore, #tpu.memory_space<semaphore_mem>>) src(%arg7 : memref<128x128xf32, #tpu.memory_space<vmem>>) dst(%dma_wait3A_214 : memref<10240x128xf32, #tpu.memory_space<vmem_shared>>)
      %dma_start3A_215 = arith.constant 0 : i32
      %dma_start3A_216 = arith.constant 0 : i32
      %dma_start3A_217 = tpu.memref_slice %arg11[%dma_start3A_215, %dma_start3A_216] : memref<2x128xi32, #tpu.memory_space<vmem>> -> memref<1x128xi32, #tpu.memory_space<vmem>>
      %dma_start3A_218 = tpu.memref_squeeze %dma_start3A_217 : memref<1x128xi32, #tpu.memory_space<vmem>> -> memref<128xi32, #tpu.memory_space<vmem>>
      %dma_start3A_219 = arith.constant 0 : i32
      %dma_start3A_220 = arith.constant 0 : i32
      %dma_start3A_221 = tpu.memref_slice %arg2[%dma_start3A_219, %dma_start3A_220] : memref<10000x128xf32, #tpu.memory_space<hbm>> -> memref<10000x128xf32, #tpu.memory_space<hbm>>
      tpu.enqueue_indirect_dma source(%dma_start3A_221 : memref<10000x128xf32, #tpu.memory_space<hbm>>) target(%arg7 : memref<128x128xf32, #tpu.memory_space<vmem>>) offsets(%dma_start3A_218 : memref<128xi32, #tpu.memory_space<vmem>>) semaphore(%arg13 : memref<!tpu.dma_semaphore, #tpu.memory_space<semaphore_mem>>)
      %dma_wait3A_222 = arith.constant 0 : i32
      %dma_wait3A_223 = arith.constant 0 : i32
      %dma_wait3A_224 = tpu.memref_slice %arg10[%dma_wait3A_222, %dma_wait3A_223] : memref<2x128xi32, #tpu.memory_space<vmem>> -> memref<1x128xi32, #tpu.memory_space<vmem>>
      %dma_wait3A_225 = tpu.memref_squeeze %dma_wait3A_224 : memref<1x128xi32, #tpu.memory_space<vmem>> -> memref<128xi32, #tpu.memory_space<vmem>>
      %dma_wait3A_226 = arith.constant 0 : i32
      %dma_wait3A_227 = arith.constant 0 : i32
      %dma_wait3A_228 = tpu.memref_slice %arg2[%dma_wait3A_226, %dma_wait3A_227] : memref<10000x128xf32, #tpu.memory_space<hbm>> -> memref<10000x128xf32, #tpu.memory_space<hbm>>
      tpu.wait_indirect_dma semaphore(%arg14 : memref<!tpu.dma_semaphore, #tpu.memory_space<semaphore_mem>>) src(%dma_wait3A_228 : memref<10000x128xf32, #tpu.memory_space<hbm>>) dst(%arg8 : memref<128x128xf32, #tpu.memory_space<vmem>>)
      %dma_start3A_229 = arith.constant 1 : i32
      %dma_start3A_230 = arith.constant 0 : i32
      %dma_start3A_231 = tpu.memref_slice %arg10[%dma_start3A_229, %dma_start3A_230] : memref<2x128xi32, #tpu.memory_space<vmem>> -> memref<1x128xi32, #tpu.memory_space<vmem>>
      %dma_start3A_232 = tpu.memref_squeeze %dma_start3A_231 : memref<1x128xi32, #tpu.memory_space<vmem>> -> memref<128xi32, #tpu.memory_space<vmem>>
      %dma_start3A_233 = arith.constant 0 : i32
      %dma_start3A_234 = arith.constant 0 : i32
      %dma_start3A_235 = tpu.memref_slice %arg6[%dma_start3A_233, %dma_start3A_234] : memref<10240x128xf32, #tpu.memory_space<vmem_shared>> -> memref<10240x128xf32, #tpu.memory_space<vmem_shared>>
      tpu.enqueue_indirect_dma source(%arg8 : memref<128x128xf32, #tpu.memory_space<vmem>>) target(%dma_start3A_235 : memref<10240x128xf32, #tpu.memory_space<vmem_shared>>) offsets(%dma_start3A_232 : memref<128xi32, #tpu.memory_space<vmem>>) semaphore(%arg15 : memref<!tpu.dma_semaphore, #tpu.memory_space<semaphore_mem>>) {add = true}
      %dma_wait3A_236 = arith.constant 1 : i32
      %dma_wait3A_237 = arith.constant 0 : i32
      %dma_wait3A_238 = tpu.memref_slice %arg10[%dma_wait3A_236, %dma_wait3A_237] : memref<2x128xi32, #tpu.memory_space<vmem>> -> memref<1x128xi32, #tpu.memory_space<vmem>>
      %dma_wait3A_239 = tpu.memref_squeeze %dma_wait3A_238 : memref<1x128xi32, #tpu.memory_space<vmem>> -> memref<128xi32, #tpu.memory_space<vmem>>
      %dma_wait3A_240 = arith.constant 0 : i32
      %dma_wait3A_241 = arith.constant 0 : i32
      %dma_wait3A_242 = tpu.memref_slice %arg6[%dma_wait3A_240, %dma_wait3A_241] : memref<10240x128xf32, #tpu.memory_space<vmem_shared>> -> memref<10240x128xf32, #tpu.memory_space<vmem_shared>>
      tpu.wait_indirect_dma semaphore(%arg15 : memref<!tpu.dma_semaphore, #tpu.memory_space<semaphore_mem>>) src(%arg8 : memref<128x128xf32, #tpu.memory_space<vmem>>) dst(%dma_wait3A_242 : memref<10240x128xf32, #tpu.memory_space<vmem_shared>>)
      %dma_start3A_243 = arith.constant 0 : i32
      %dma_start3A_244 = arith.constant 0 : i32
      %dma_start3A_245 = tpu.memref_slice %arg12[%dma_start3A_243, %dma_start3A_244] : memref<2x128xi32, #tpu.memory_space<vmem>> -> memref<1x128xi32, #tpu.memory_space<vmem>>
      %dma_start3A_246 = tpu.memref_squeeze %dma_start3A_245 : memref<1x128xi32, #tpu.memory_space<vmem>> -> memref<128xi32, #tpu.memory_space<vmem>>
      %dma_start3A_247 = arith.constant 0 : i32
      %dma_start3A_248 = arith.constant 0 : i32
      %dma_start3A_249 = tpu.memref_slice %arg2[%dma_start3A_247, %dma_start3A_248] : memref<10000x128xf32, #tpu.memory_space<hbm>> -> memref<10000x128xf32, #tpu.memory_space<hbm>>
      tpu.enqueue_indirect_dma source(%dma_start3A_249 : memref<10000x128xf32, #tpu.memory_space<hbm>>) target(%arg8 : memref<128x128xf32, #tpu.memory_space<vmem>>) offsets(%dma_start3A_246 : memref<128xi32, #tpu.memory_space<vmem>>) semaphore(%arg14 : memref<!tpu.dma_semaphore, #tpu.memory_space<semaphore_mem>>)
      %dma_wait3A_250 = arith.constant 0 : i32
      %dma_wait3A_251 = arith.constant 0 : i32
      %dma_wait3A_252 = tpu.memref_slice %arg11[%dma_wait3A_250, %dma_wait3A_251] : memref<2x128xi32, #tpu.memory_space<vmem>> -> memref<1x128xi32, #tpu.memory_space<vmem>>
      %dma_wait3A_253 = tpu.memref_squeeze %dma_wait3A_252 : memref<1x128xi32, #tpu.memory_space<vmem>> -> memref<128xi32, #tpu.memory_space<vmem>>
      %dma_wait3A_254 = arith.constant 0 : i32
      %dma_wait3A_255 = arith.constant 0 : i32
      %dma_wait3A_256 = tpu.memref_slice %arg2[%dma_wait3A_254, %dma_wait3A_255] : memref<10000x128xf32, #tpu.memory_space<hbm>> -> memref<10000x128xf32, #tpu.memory_space<hbm>>
      tpu.wait_indirect_dma semaphore(%arg13 : memref<!tpu.dma_semaphore, #tpu.memory_space<semaphore_mem>>) src(%dma_wait3A_256 : memref<10000x128xf32, #tpu.memory_space<hbm>>) dst(%arg7 : memref<128x128xf32, #tpu.memory_space<vmem>>)
      %dma_start3A_257 = arith.constant 1 : i32
      %dma_start3A_258 = arith.constant 0 : i32
      %dma_start3A_259 = tpu.memref_slice %arg11[%dma_start3A_257, %dma_start3A_258] : memref<2x128xi32, #tpu.memory_space<vmem>> -> memref<1x128xi32, #tpu.memory_space<vmem>>
      %dma_start3A_260 = tpu.memref_squeeze %dma_start3A_259 : memref<1x128xi32, #tpu.memory_space<vmem>> -> memref<128xi32, #tpu.memory_space<vmem>>
      %dma_start3A_261 = arith.constant 0 : i32
      %dma_start3A_262 = arith.constant 0 : i32
      %dma_start3A_263 = tpu.memref_slice %arg6[%dma_start3A_261, %dma_start3A_262] : memref<10240x128xf32, #tpu.memory_space<vmem_shared>> -> memref<10240x128xf32, #tpu.memory_space<vmem_shared>>
      tpu.enqueue_indirect_dma source(%arg7 : memref<128x128xf32, #tpu.memory_space<vmem>>) target(%dma_start3A_263 : memref<10240x128xf32, #tpu.memory_space<vmem_shared>>) offsets(%dma_start3A_260 : memref<128xi32, #tpu.memory_space<vmem>>) semaphore(%arg15 : memref<!tpu.dma_semaphore, #tpu.memory_space<semaphore_mem>>) {add = true}
      %dma_wait3A_264 = arith.constant 1 : i32
      %dma_wait3A_265 = arith.constant 0 : i32
      %dma_wait3A_266 = tpu.memref_slice %arg11[%dma_wait3A_264, %dma_wait3A_265] : memref<2x128xi32, #tpu.memory_space<vmem>> -> memref<1x128xi32, #tpu.memory_space<vmem>>
      %dma_wait3A_267 = tpu.memref_squeeze %dma_wait3A_266 : memref<1x128xi32, #tpu.memory_space<vmem>> -> memref<128xi32, #tpu.memory_space<vmem>>
      %dma_wait3A_268 = arith.constant 0 : i32
      %dma_wait3A_269 = arith.constant 0 : i32
      %dma_wait3A_270 = tpu.memref_slice %arg6[%dma_wait3A_268, %dma_wait3A_269] : memref<10240x128xf32, #tpu.memory_space<vmem_shared>> -> memref<10240x128xf32, #tpu.memory_space<vmem_shared>>
      tpu.wait_indirect_dma semaphore(%arg15 : memref<!tpu.dma_semaphore, #tpu.memory_space<semaphore_mem>>) src(%arg7 : memref<128x128xf32, #tpu.memory_space<vmem>>) dst(%dma_wait3A_270 : memref<10240x128xf32, #tpu.memory_space<vmem_shared>>)
      %add3A_271 = arith.constant 4 : i32
      %add3A_272 = arith.addi %mul3A_127, %add3A_271 : i32
      %add3A_273 = arith.constant 0 : i32
      %add3A_274 = arith.addi %add3A_272, %add3A_273 : i32
      %lt3A_275 = arith.constant 78 : i32
      %lt3A_276 = arith.cmpi slt, %add3A_274, %lt3A_275 : i32
      %lt3A_277 = arith.constant 79 : i32
      %lt3A_278 = arith.cmpi slt, %add3A_274, %lt3A_277 : i32
      %lt3A_279 = arith.constant 4 : i32
      %lt3A_280 = arith.cmpi slt, %add3A, %lt3A_279 : i32
      %and3A = arith.andi %lt3A_278, %lt3A_280 : i1
      %or3A = arith.ori %lt3A_276, %and3A : i1
      %convert_element_type3A_281 = arith.extui %or3A : i1 to i32
      %cond3A_282 = arith.constant 0 : i32
      %cond3A_283 = arith.cmpi ne, %convert_element_type3A_281, %cond3A_282 : i32
      scf.if %cond3A_283 {
        %mul3A_342 = arith.constant 32 : i32
        %mul3A_343 = arith.muli %add3A_274, %mul3A_342 : i32
        %add3A_344 = arith.addi %add3A, %mul3A_343 : i32
        %dma_start3A_345 = arith.constant 0 : i32
        %dma_start3A_346 = arith.constant 0 : i32
        %dma_start3A_347 = tpu.memref_slice %arg3[%add3A_344, %dma_start3A_345, %dma_start3A_346] : memref<2500x2x128xi32, #tpu.memory_space<hbm>> -> memref<1x2x128xi32, #tpu.memory_space<hbm>>
        %dma_start3A_348 = tpu.memref_squeeze %dma_start3A_347 : memref<1x2x128xi32, #tpu.memory_space<hbm>> -> memref<2x128xi32, #tpu.memory_space<hbm>>
        %dma_start3A_349 = arith.constant 0 : i32
        %dma_start3A_350 = arith.constant 0 : i32
        %dma_start3A_351 = tpu.memref_slice %arg3[%add3A_344, %dma_start3A_349, %dma_start3A_350] : memref<2500x2x128xi32, #tpu.memory_space<hbm>> -> memref<1x2x128xi32, #tpu.memory_space<hbm>>
        %dma_start3A_352 = tpu.memref_squeeze %dma_start3A_351 : memref<1x2x128xi32, #tpu.memory_space<hbm>> -> memref<2x128xi32, #tpu.memory_space<hbm>>
        tpu.enqueue_dma source(%dma_start3A_352 : memref<2x128xi32, #tpu.memory_space<hbm>>) target(%arg9 : memref<2x128xi32, #tpu.memory_space<vmem>>) target_semaphore(%arg16 : memref<!tpu.dma_semaphore, #tpu.memory_space<semaphore_mem>>)
      } else {
      }
      %add3A_284 = arith.constant 4 : i32
      %add3A_285 = arith.addi %mul3A_127, %add3A_284 : i32
      %add3A_286 = arith.constant 1 : i32
      %add3A_287 = arith.addi %add3A_285, %add3A_286 : i32
      %lt3A_288 = arith.constant 78 : i32
      %lt3A_289 = arith.cmpi slt, %add3A_287, %lt3A_288 : i32
      %lt3A_290 = arith.constant 79 : i32
      %lt3A_291 = arith.cmpi slt, %add3A_287, %lt3A_290 : i32
      %lt3A_292 = arith.constant 4 : i32
      %lt3A_293 = arith.cmpi slt, %add3A, %lt3A_292 : i32
      %and3A_294 = arith.andi %lt3A_291, %lt3A_293 : i1
      %or3A_295 = arith.ori %lt3A_289, %and3A_294 : i1
      %convert_element_type3A_296 = arith.extui %or3A_295 : i1 to i32
      %cond3A_297 = arith.constant 0 : i32
      %cond3A_298 = arith.cmpi ne, %convert_element_type3A_296, %cond3A_297 : i32
      scf.if %cond3A_298 {
        %mul3A_342 = arith.constant 32 : i32
        %mul3A_343 = arith.muli %add3A_287, %mul3A_342 : i32
        %add3A_344 = arith.addi %add3A, %mul3A_343 : i32
        %dma_start3A_345 = arith.constant 0 : i32
        %dma_start3A_346 = arith.constant 0 : i32
        %dma_start3A_347 = tpu.memref_slice %arg3[%add3A_344, %dma_start3A_345, %dma_start3A_346] : memref<2500x2x128xi32, #tpu.memory_space<hbm>> -> memref<1x2x128xi32, #tpu.memory_space<hbm>>
        %dma_start3A_348 = tpu.memref_squeeze %dma_start3A_347 : memref<1x2x128xi32, #tpu.memory_space<hbm>> -> memref<2x128xi32, #tpu.memory_space<hbm>>
        %dma_start3A_349 = arith.constant 0 : i32
        %dma_start3A_350 = arith.constant 0 : i32
        %dma_start3A_351 = tpu.memref_slice %arg3[%add3A_344, %dma_start3A_349, %dma_start3A_350] : memref<2500x2x128xi32, #tpu.memory_space<hbm>> -> memref<1x2x128xi32, #tpu.memory_space<hbm>>
        %dma_start3A_352 = tpu.memref_squeeze %dma_start3A_351 : memref<1x2x128xi32, #tpu.memory_space<hbm>> -> memref<2x128xi32, #tpu.memory_space<hbm>>
        tpu.enqueue_dma source(%dma_start3A_352 : memref<2x128xi32, #tpu.memory_space<hbm>>) target(%arg10 : memref<2x128xi32, #tpu.memory_space<vmem>>) target_semaphore(%arg17 : memref<!tpu.dma_semaphore, #tpu.memory_space<semaphore_mem>>)
      } else {
      }
      %add3A_299 = arith.constant 4 : i32
      %add3A_300 = arith.addi %mul3A_127, %add3A_299 : i32
      %add3A_301 = arith.constant 2 : i32
      %add3A_302 = arith.addi %add3A_300, %add3A_301 : i32
      %lt3A_303 = arith.constant 78 : i32
      %lt3A_304 = arith.cmpi slt, %add3A_302, %lt3A_303 : i32
      %lt3A_305 = arith.constant 79 : i32
      %lt3A_306 = arith.cmpi slt, %add3A_302, %lt3A_305 : i32
      %lt3A_307 = arith.constant 4 : i32
      %lt3A_308 = arith.cmpi slt, %add3A, %lt3A_307 : i32
      %and3A_309 = arith.andi %lt3A_306, %lt3A_308 : i1
      %or3A_310 = arith.ori %lt3A_304, %and3A_309 : i1
      %convert_element_type3A_311 = arith.extui %or3A_310 : i1 to i32
      %cond3A_312 = arith.constant 0 : i32
      %cond3A_313 = arith.cmpi ne, %convert_element_type3A_311, %cond3A_312 : i32
      scf.if %cond3A_313 {
        %mul3A_342 = arith.constant 32 : i32
        %mul3A_343 = arith.muli %add3A_302, %mul3A_342 : i32
        %add3A_344 = arith.addi %add3A, %mul3A_343 : i32
        %dma_start3A_345 = arith.constant 0 : i32
        %dma_start3A_346 = arith.constant 0 : i32
        %dma_start3A_347 = tpu.memref_slice %arg3[%add3A_344, %dma_start3A_345, %dma_start3A_346] : memref<2500x2x128xi32, #tpu.memory_space<hbm>> -> memref<1x2x128xi32, #tpu.memory_space<hbm>>
        %dma_start3A_348 = tpu.memref_squeeze %dma_start3A_347 : memref<1x2x128xi32, #tpu.memory_space<hbm>> -> memref<2x128xi32, #tpu.memory_space<hbm>>
        %dma_start3A_349 = arith.constant 0 : i32
        %dma_start3A_350 = arith.constant 0 : i32
        %dma_start3A_351 = tpu.memref_slice %arg3[%add3A_344, %dma_start3A_349, %dma_start3A_350] : memref<2500x2x128xi32, #tpu.memory_space<hbm>> -> memref<1x2x128xi32, #tpu.memory_space<hbm>>
        %dma_start3A_352 = tpu.memref_squeeze %dma_start3A_351 : memref<1x2x128xi32, #tpu.memory_space<hbm>> -> memref<2x128xi32, #tpu.memory_space<hbm>>
        tpu.enqueue_dma source(%dma_start3A_352 : memref<2x128xi32, #tpu.memory_space<hbm>>) target(%arg11 : memref<2x128xi32, #tpu.memory_space<vmem>>) target_semaphore(%arg18 : memref<!tpu.dma_semaphore, #tpu.memory_space<semaphore_mem>>)
      } else {
      }
      %dma_wait3A_314 = arith.constant 0 : i32
      %dma_wait3A_315 = arith.constant 0 : i32
      %dma_wait3A_316 = tpu.memref_slice %arg12[%dma_wait3A_314, %dma_wait3A_315] : memref<2x128xi32, #tpu.memory_space<vmem>> -> memref<1x128xi32, #tpu.memory_space<vmem>>
      %dma_wait3A_317 = tpu.memref_squeeze %dma_wait3A_316 : memref<1x128xi32, #tpu.memory_space<vmem>> -> memref<128xi32, #tpu.memory_space<vmem>>
      %dma_wait3A_318 = arith.constant 0 : i32
      %dma_wait3A_319 = arith.constant 0 : i32
      %dma_wait3A_320 = tpu.memref_slice %arg2[%dma_wait3A_318, %dma_wait3A_319] : memref<10000x128xf32, #tpu.memory_space<hbm>> -> memref<10000x128xf32, #tpu.memory_space<hbm>>
      tpu.wait_indirect_dma semaphore(%arg14 : memref<!tpu.dma_semaphore, #tpu.memory_space<semaphore_mem>>) src(%dma_wait3A_320 : memref<10000x128xf32, #tpu.memory_space<hbm>>) dst(%arg8 : memref<128x128xf32, #tpu.memory_space<vmem>>)
      %dma_start3A_321 = arith.constant 1 : i32
      %dma_start3A_322 = arith.constant 0 : i32
      %dma_start3A_323 = tpu.memref_slice %arg12[%dma_start3A_321, %dma_start3A_322] : memref<2x128xi32, #tpu.memory_space<vmem>> -> memref<1x128xi32, #tpu.memory_space<vmem>>
      %dma_start3A_324 = tpu.memref_squeeze %dma_start3A_323 : memref<1x128xi32, #tpu.memory_space<vmem>> -> memref<128xi32, #tpu.memory_space<vmem>>
      %dma_start3A_325 = arith.constant 0 : i32
      %dma_start3A_326 = arith.constant 0 : i32
      %dma_start3A_327 = tpu.memref_slice %arg6[%dma_start3A_325, %dma_start3A_326] : memref<10240x128xf32, #tpu.memory_space<vmem_shared>> -> memref<10240x128xf32, #tpu.memory_space<vmem_shared>>
      tpu.enqueue_indirect_dma source(%arg8 : memref<128x128xf32, #tpu.memory_space<vmem>>) target(%dma_start3A_327 : memref<10240x128xf32, #tpu.memory_space<vmem_shared>>) offsets(%dma_start3A_324 : memref<128xi32, #tpu.memory_space<vmem>>) semaphore(%arg15 : memref<!tpu.dma_semaphore, #tpu.memory_space<semaphore_mem>>) {add = true}
      %dma_wait3A_328 = arith.constant 1 : i32
      %dma_wait3A_329 = arith.constant 0 : i32
      %dma_wait3A_330 = tpu.memref_slice %arg12[%dma_wait3A_328, %dma_wait3A_329] : memref<2x128xi32, #tpu.memory_space<vmem>> -> memref<1x128xi32, #tpu.memory_space<vmem>>
      %dma_wait3A_331 = tpu.memref_squeeze %dma_wait3A_330 : memref<1x128xi32, #tpu.memory_space<vmem>> -> memref<128xi32, #tpu.memory_space<vmem>>
      %dma_wait3A_332 = arith.constant 0 : i32
      %dma_wait3A_333 = arith.constant 0 : i32
      %dma_wait3A_334 = tpu.memref_slice %arg6[%dma_wait3A_332, %dma_wait3A_333] : memref<10240x128xf32, #tpu.memory_space<vmem_shared>> -> memref<10240x128xf32, #tpu.memory_space<vmem_shared>>
      tpu.wait_indirect_dma semaphore(%arg15 : memref<!tpu.dma_semaphore, #tpu.memory_space<semaphore_mem>>) src(%arg8 : memref<128x128xf32, #tpu.memory_space<vmem>>) dst(%dma_wait3A_334 : memref<10240x128xf32, #tpu.memory_space<vmem_shared>>)
      %add3A_335 = arith.constant 7 : i32
      %add3A_336 = arith.addi %mul3A_127, %add3A_335 : i32
      %lt3A_337 = arith.constant 78 : i32
      %lt3A_338 = arith.cmpi slt, %add3A_336, %lt3A_337 : i32
      %convert_element_type3A_339 = arith.extui %lt3A_338 : i1 to i32
      %cond3A_340 = arith.constant 0 : i32
      %cond3A_341 = arith.cmpi ne, %convert_element_type3A_339, %cond3A_340 : i32
      scf.if %cond3A_341 {
        %add3A_342 = arith.constant 7 : i32
        %add3A_343 = arith.addi %mul3A_127, %add3A_342 : i32
        %mul3A_344 = arith.constant 32 : i32
        %mul3A_345 = arith.muli %add3A_343, %mul3A_344 : i32
        %add3A_346 = arith.addi %add3A, %mul3A_345 : i32
        %dma_start3A_347 = arith.constant 0 : i32
        %dma_start3A_348 = arith.constant 0 : i32
        %dma_start3A_349 = tpu.memref_slice %arg3[%add3A_346, %dma_start3A_347, %dma_start3A_348] : memref<2500x2x128xi32, #tpu.memory_space<hbm>> -> memref<1x2x128xi32, #tpu.memory_space<hbm>>
        %dma_start3A_350 = tpu.memref_squeeze %dma_start3A_349 : memref<1x2x128xi32, #tpu.memory_space<hbm>> -> memref<2x128xi32, #tpu.memory_space<hbm>>
        %dma_start3A_351 = arith.constant 0 : i32
        %dma_start3A_352 = arith.constant 0 : i32
        %dma_start3A_353 = tpu.memref_slice %arg3[%add3A_346, %dma_start3A_351, %dma_start3A_352] : memref<2500x2x128xi32, #tpu.memory_space<hbm>> -> memref<1x2x128xi32, #tpu.memory_space<hbm>>
        %dma_start3A_354 = tpu.memref_squeeze %dma_start3A_353 : memref<1x2x128xi32, #tpu.memory_space<hbm>> -> memref<2x128xi32, #tpu.memory_space<hbm>>
        tpu.enqueue_dma source(%dma_start3A_354 : memref<2x128xi32, #tpu.memory_space<hbm>>) target(%arg12 : memref<2x128xi32, #tpu.memory_space<vmem>>) target_semaphore(%arg19 : memref<!tpu.dma_semaphore, #tpu.memory_space<semaphore_mem>>)
      } else {
      }
    }
    %scan3A_46 = arith.constant 19 : i32
    %add3A_47 = arith.constant 2432 : i32
    %add3A_48 = arith.addi %add3A, %add3A_47 : i32
    %dma_wait3A = arith.constant 0 : i32
    %dma_wait3A_49 = arith.constant 0 : i32
    %dma_wait3A_50 = tpu.memref_slice %arg3[%add3A_48, %dma_wait3A, %dma_wait3A_49] : memref<2500x2x128xi32, #tpu.memory_space<hbm>> -> memref<1x2x128xi32, #tpu.memory_space<hbm>>
    %dma_wait3A_51 = tpu.memref_squeeze %dma_wait3A_50 : memref<1x2x128xi32, #tpu.memory_space<hbm>> -> memref<2x128xi32, #tpu.memory_space<hbm>>
    %dma_wait3A_52 = arith.constant 0 : i32
    %dma_wait3A_53 = arith.constant 0 : i32
    %dma_wait3A_54 = tpu.memref_slice %arg3[%add3A_48, %dma_wait3A_52, %dma_wait3A_53] : memref<2500x2x128xi32, #tpu.memory_space<hbm>> -> memref<1x2x128xi32, #tpu.memory_space<hbm>>
    %dma_wait3A_55 = tpu.memref_squeeze %dma_wait3A_54 : memref<1x2x128xi32, #tpu.memory_space<hbm>> -> memref<2x128xi32, #tpu.memory_space<hbm>>
    tpu.wait_dma2 semaphore(%arg16 : memref<!tpu.dma_semaphore, #tpu.memory_space<semaphore_mem>>) src(%dma_wait3A_55 : memref<2x128xi32, #tpu.memory_space<hbm>>) dst(%arg9 : memref<2x128xi32, #tpu.memory_space<vmem>>)
    %add3A_56 = arith.constant 2464 : i32
    %add3A_57 = arith.addi %add3A, %add3A_56 : i32
    %dma_wait3A_58 = arith.constant 0 : i32
    %dma_wait3A_59 = arith.constant 0 : i32
    %dma_wait3A_60 = tpu.memref_slice %arg3[%add3A_57, %dma_wait3A_58, %dma_wait3A_59] : memref<2500x2x128xi32, #tpu.memory_space<hbm>> -> memref<1x2x128xi32, #tpu.memory_space<hbm>>
    %dma_wait3A_61 = tpu.memref_squeeze %dma_wait3A_60 : memref<1x2x128xi32, #tpu.memory_space<hbm>> -> memref<2x128xi32, #tpu.memory_space<hbm>>
    %dma_wait3A_62 = arith.constant 0 : i32
    %dma_wait3A_63 = arith.constant 0 : i32
    %dma_wait3A_64 = tpu.memref_slice %arg3[%add3A_57, %dma_wait3A_62, %dma_wait3A_63] : memref<2500x2x128xi32, #tpu.memory_space<hbm>> -> memref<1x2x128xi32, #tpu.memory_space<hbm>>
    %dma_wait3A_65 = tpu.memref_squeeze %dma_wait3A_64 : memref<1x2x128xi32, #tpu.memory_space<hbm>> -> memref<2x128xi32, #tpu.memory_space<hbm>>
    tpu.wait_dma2 semaphore(%arg17 : memref<!tpu.dma_semaphore, #tpu.memory_space<semaphore_mem>>) src(%dma_wait3A_65 : memref<2x128xi32, #tpu.memory_space<hbm>>) dst(%arg10 : memref<2x128xi32, #tpu.memory_space<vmem>>)
    %dma_start3A_66 = arith.constant 0 : i32
    %dma_start3A_67 = arith.constant 0 : i32
    %dma_start3A_68 = tpu.memref_slice %arg9[%dma_start3A_66, %dma_start3A_67] : memref<2x128xi32, #tpu.memory_space<vmem>> -> memref<1x128xi32, #tpu.memory_space<vmem>>
    %dma_start3A_69 = tpu.memref_squeeze %dma_start3A_68 : memref<1x128xi32, #tpu.memory_space<vmem>> -> memref<128xi32, #tpu.memory_space<vmem>>
    %dma_start3A_70 = arith.constant 0 : i32
    %dma_start3A_71 = arith.constant 0 : i32
    %dma_start3A_72 = tpu.memref_slice %arg2[%dma_start3A_70, %dma_start3A_71] : memref<10000x128xf32, #tpu.memory_space<hbm>> -> memref<10000x128xf32, #tpu.memory_space<hbm>>
    tpu.enqueue_indirect_dma source(%dma_start3A_72 : memref<10000x128xf32, #tpu.memory_space<hbm>>) target(%arg7 : memref<128x128xf32, #tpu.memory_space<vmem>>) offsets(%dma_start3A_69 : memref<128xi32, #tpu.memory_space<vmem>>) semaphore(%arg13 : memref<!tpu.dma_semaphore, #tpu.memory_space<semaphore_mem>>)
    %dma_start3A_73 = arith.constant 0 : i32
    %dma_start3A_74 = arith.constant 0 : i32
    %dma_start3A_75 = tpu.memref_slice %arg10[%dma_start3A_73, %dma_start3A_74] : memref<2x128xi32, #tpu.memory_space<vmem>> -> memref<1x128xi32, #tpu.memory_space<vmem>>
    %dma_start3A_76 = tpu.memref_squeeze %dma_start3A_75 : memref<1x128xi32, #tpu.memory_space<vmem>> -> memref<128xi32, #tpu.memory_space<vmem>>
    %dma_start3A_77 = arith.constant 0 : i32
    %dma_start3A_78 = arith.constant 0 : i32
    %dma_start3A_79 = tpu.memref_slice %arg2[%dma_start3A_77, %dma_start3A_78] : memref<10000x128xf32, #tpu.memory_space<hbm>> -> memref<10000x128xf32, #tpu.memory_space<hbm>>
    tpu.enqueue_indirect_dma source(%dma_start3A_79 : memref<10000x128xf32, #tpu.memory_space<hbm>>) target(%arg8 : memref<128x128xf32, #tpu.memory_space<vmem>>) offsets(%dma_start3A_76 : memref<128xi32, #tpu.memory_space<vmem>>) semaphore(%arg14 : memref<!tpu.dma_semaphore, #tpu.memory_space<semaphore_mem>>)
    %dma_wait3A_80 = arith.constant 0 : i32
    %dma_wait3A_81 = arith.constant 0 : i32
    %dma_wait3A_82 = tpu.memref_slice %arg9[%dma_wait3A_80, %dma_wait3A_81] : memref<2x128xi32, #tpu.memory_space<vmem>> -> memref<1x128xi32, #tpu.memory_space<vmem>>
    %dma_wait3A_83 = tpu.memref_squeeze %dma_wait3A_82 : memref<1x128xi32, #tpu.memory_space<vmem>> -> memref<128xi32, #tpu.memory_space<vmem>>
    %dma_wait3A_84 = arith.constant 0 : i32
    %dma_wait3A_85 = arith.constant 0 : i32
    %dma_wait3A_86 = tpu.memref_slice %arg2[%dma_wait3A_84, %dma_wait3A_85] : memref<10000x128xf32, #tpu.memory_space<hbm>> -> memref<10000x128xf32, #tpu.memory_space<hbm>>
    tpu.wait_indirect_dma semaphore(%arg13 : memref<!tpu.dma_semaphore, #tpu.memory_space<semaphore_mem>>) src(%dma_wait3A_86 : memref<10000x128xf32, #tpu.memory_space<hbm>>) dst(%arg7 : memref<128x128xf32, #tpu.memory_space<vmem>>)
    %dma_start3A_87 = arith.constant 1 : i32
    %dma_start3A_88 = arith.constant 0 : i32
    %dma_start3A_89 = tpu.memref_slice %arg9[%dma_start3A_87, %dma_start3A_88] : memref<2x128xi32, #tpu.memory_space<vmem>> -> memref<1x128xi32, #tpu.memory_space<vmem>>
    %dma_start3A_90 = tpu.memref_squeeze %dma_start3A_89 : memref<1x128xi32, #tpu.memory_space<vmem>> -> memref<128xi32, #tpu.memory_space<vmem>>
    %dma_start3A_91 = arith.constant 0 : i32
    %dma_start3A_92 = arith.constant 0 : i32
    %dma_start3A_93 = tpu.memref_slice %arg6[%dma_start3A_91, %dma_start3A_92] : memref<10240x128xf32, #tpu.memory_space<vmem_shared>> -> memref<10240x128xf32, #tpu.memory_space<vmem_shared>>
    tpu.enqueue_indirect_dma source(%arg7 : memref<128x128xf32, #tpu.memory_space<vmem>>) target(%dma_start3A_93 : memref<10240x128xf32, #tpu.memory_space<vmem_shared>>) offsets(%dma_start3A_90 : memref<128xi32, #tpu.memory_space<vmem>>) semaphore(%arg15 : memref<!tpu.dma_semaphore, #tpu.memory_space<semaphore_mem>>) {add = true}
    %dma_wait3A_94 = arith.constant 1 : i32
    %dma_wait3A_95 = arith.constant 0 : i32
    %dma_wait3A_96 = tpu.memref_slice %arg9[%dma_wait3A_94, %dma_wait3A_95] : memref<2x128xi32, #tpu.memory_space<vmem>> -> memref<1x128xi32, #tpu.memory_space<vmem>>
    %dma_wait3A_97 = tpu.memref_squeeze %dma_wait3A_96 : memref<1x128xi32, #tpu.memory_space<vmem>> -> memref<128xi32, #tpu.memory_space<vmem>>
    %dma_wait3A_98 = arith.constant 0 : i32
    %dma_wait3A_99 = arith.constant 0 : i32
    %dma_wait3A_100 = tpu.memref_slice %arg6[%dma_wait3A_98, %dma_wait3A_99] : memref<10240x128xf32, #tpu.memory_space<vmem_shared>> -> memref<10240x128xf32, #tpu.memory_space<vmem_shared>>
    tpu.wait_indirect_dma semaphore(%arg15 : memref<!tpu.dma_semaphore, #tpu.memory_space<semaphore_mem>>) src(%arg7 : memref<128x128xf32, #tpu.memory_space<vmem>>) dst(%dma_wait3A_100 : memref<10240x128xf32, #tpu.memory_space<vmem_shared>>)
    %dma_wait3A_101 = arith.constant 0 : i32
    %dma_wait3A_102 = arith.constant 0 : i32
    %dma_wait3A_103 = tpu.memref_slice %arg10[%dma_wait3A_101, %dma_wait3A_102] : memref<2x128xi32, #tpu.memory_space<vmem>> -> memref<1x128xi32, #tpu.memory_space<vmem>>
    %dma_wait3A_104 = tpu.memref_squeeze %dma_wait3A_103 : memref<1x128xi32, #tpu.memory_space<vmem>> -> memref<128xi32, #tpu.memory_space<vmem>>
    %dma_wait3A_105 = arith.constant 0 : i32
    %dma_wait3A_106 = arith.constant 0 : i32
    %dma_wait3A_107 = tpu.memref_slice %arg2[%dma_wait3A_105, %dma_wait3A_106] : memref<10000x128xf32, #tpu.memory_space<hbm>> -> memref<10000x128xf32, #tpu.memory_space<hbm>>
    tpu.wait_indirect_dma semaphore(%arg14 : memref<!tpu.dma_semaphore, #tpu.memory_space<semaphore_mem>>) src(%dma_wait3A_107 : memref<10000x128xf32, #tpu.memory_space<hbm>>) dst(%arg8 : memref<128x128xf32, #tpu.memory_space<vmem>>)
    %dma_start3A_108 = arith.constant 1 : i32
    %dma_start3A_109 = arith.constant 0 : i32
    %dma_start3A_110 = tpu.memref_slice %arg10[%dma_start3A_108, %dma_start3A_109] : memref<2x128xi32, #tpu.memory_space<vmem>> -> memref<1x128xi32, #tpu.memory_space<vmem>>
    %dma_start3A_111 = tpu.memref_squeeze %dma_start3A_110 : memref<1x128xi32, #tpu.memory_space<vmem>> -> memref<128xi32, #tpu.memory_space<vmem>>
    %dma_start3A_112 = arith.constant 0 : i32
    %dma_start3A_113 = arith.constant 0 : i32
    %dma_start3A_114 = tpu.memref_slice %arg6[%dma_start3A_112, %dma_start3A_113] : memref<10240x128xf32, #tpu.memory_space<vmem_shared>> -> memref<10240x128xf32, #tpu.memory_space<vmem_shared>>
    tpu.enqueue_indirect_dma source(%arg8 : memref<128x128xf32, #tpu.memory_space<vmem>>) target(%dma_start3A_114 : memref<10240x128xf32, #tpu.memory_space<vmem_shared>>) offsets(%dma_start3A_111 : memref<128xi32, #tpu.memory_space<vmem>>) semaphore(%arg15 : memref<!tpu.dma_semaphore, #tpu.memory_space<semaphore_mem>>) {add = true}
    %dma_wait3A_115 = arith.constant 1 : i32
    %dma_wait3A_116 = arith.constant 0 : i32
    %dma_wait3A_117 = tpu.memref_slice %arg10[%dma_wait3A_115, %dma_wait3A_116] : memref<2x128xi32, #tpu.memory_space<vmem>> -> memref<1x128xi32, #tpu.memory_space<vmem>>
    %dma_wait3A_118 = tpu.memref_squeeze %dma_wait3A_117 : memref<1x128xi32, #tpu.memory_space<vmem>> -> memref<128xi32, #tpu.memory_space<vmem>>
    %dma_wait3A_119 = arith.constant 0 : i32
    %dma_wait3A_120 = arith.constant 0 : i32
    %dma_wait3A_121 = tpu.memref_slice %arg6[%dma_wait3A_119, %dma_wait3A_120] : memref<10240x128xf32, #tpu.memory_space<vmem_shared>> -> memref<10240x128xf32, #tpu.memory_space<vmem_shared>>
    tpu.wait_indirect_dma semaphore(%arg15 : memref<!tpu.dma_semaphore, #tpu.memory_space<semaphore_mem>>) src(%arg8 : memref<128x128xf32, #tpu.memory_space<vmem>>) dst(%dma_wait3A_121 : memref<10240x128xf32, #tpu.memory_space<vmem_shared>>)
    %lt3A = arith.constant 4 : i32
    %lt3A_122 = arith.cmpi slt, %add3A, %lt3A : i32
    %convert_element_type3A = arith.extui %lt3A_122 : i1 to i32
    %cond3A = arith.constant 0 : i32
    %cond3A_123 = arith.cmpi ne, %convert_element_type3A, %cond3A : i32
    scf.if %cond3A_123 {
      %add3A_125 = arith.constant 2496 : i32
      %add3A_126 = arith.addi %add3A, %add3A_125 : i32
      %dma_wait3A_127 = arith.constant 0 : i32
      %dma_wait3A_128 = arith.constant 0 : i32
      %dma_wait3A_129 = tpu.memref_slice %arg3[%add3A_126, %dma_wait3A_127, %dma_wait3A_128] : memref<2500x2x128xi32, #tpu.memory_space<hbm>> -> memref<1x2x128xi32, #tpu.memory_space<hbm>>
      %dma_wait3A_130 = tpu.memref_squeeze %dma_wait3A_129 : memref<1x2x128xi32, #tpu.memory_space<hbm>> -> memref<2x128xi32, #tpu.memory_space<hbm>>
      %dma_wait3A_131 = arith.constant 0 : i32
      %dma_wait3A_132 = arith.constant 0 : i32
      %dma_wait3A_133 = tpu.memref_slice %arg3[%add3A_126, %dma_wait3A_131, %dma_wait3A_132] : memref<2500x2x128xi32, #tpu.memory_space<hbm>> -> memref<1x2x128xi32, #tpu.memory_space<hbm>>
      %dma_wait3A_134 = tpu.memref_squeeze %dma_wait3A_133 : memref<1x2x128xi32, #tpu.memory_space<hbm>> -> memref<2x128xi32, #tpu.memory_space<hbm>>
      tpu.wait_dma2 semaphore(%arg18 : memref<!tpu.dma_semaphore, #tpu.memory_space<semaphore_mem>>) src(%dma_wait3A_134 : memref<2x128xi32, #tpu.memory_space<hbm>>) dst(%arg11 : memref<2x128xi32, #tpu.memory_space<vmem>>)
      %dma_start3A_135 = arith.constant 0 : i32
      %dma_start3A_136 = arith.constant 0 : i32
      %dma_start3A_137 = tpu.memref_slice %arg11[%dma_start3A_135, %dma_start3A_136] : memref<2x128xi32, #tpu.memory_space<vmem>> -> memref<1x128xi32, #tpu.memory_space<vmem>>
      %dma_start3A_138 = tpu.memref_squeeze %dma_start3A_137 : memref<1x128xi32, #tpu.memory_space<vmem>> -> memref<128xi32, #tpu.memory_space<vmem>>
      %dma_start3A_139 = arith.constant 0 : i32
      %dma_start3A_140 = arith.constant 0 : i32
      %dma_start3A_141 = tpu.memref_slice %arg2[%dma_start3A_139, %dma_start3A_140] : memref<10000x128xf32, #tpu.memory_space<hbm>> -> memref<10000x128xf32, #tpu.memory_space<hbm>>
      tpu.enqueue_indirect_dma source(%dma_start3A_141 : memref<10000x128xf32, #tpu.memory_space<hbm>>) target(%arg7 : memref<128x128xf32, #tpu.memory_space<vmem>>) offsets(%dma_start3A_138 : memref<128xi32, #tpu.memory_space<vmem>>) semaphore(%arg13 : memref<!tpu.dma_semaphore, #tpu.memory_space<semaphore_mem>>)
      %dma_wait3A_142 = arith.constant 0 : i32
      %dma_wait3A_143 = arith.constant 0 : i32
      %dma_wait3A_144 = tpu.memref_slice %arg11[%dma_wait3A_142, %dma_wait3A_143] : memref<2x128xi32, #tpu.memory_space<vmem>> -> memref<1x128xi32, #tpu.memory_space<vmem>>
      %dma_wait3A_145 = tpu.memref_squeeze %dma_wait3A_144 : memref<1x128xi32, #tpu.memory_space<vmem>> -> memref<128xi32, #tpu.memory_space<vmem>>
      %dma_wait3A_146 = arith.constant 0 : i32
      %dma_wait3A_147 = arith.constant 0 : i32
      %dma_wait3A_148 = tpu.memref_slice %arg2[%dma_wait3A_146, %dma_wait3A_147] : memref<10000x128xf32, #tpu.memory_space<hbm>> -> memref<10000x128xf32, #tpu.memory_space<hbm>>
      tpu.wait_indirect_dma semaphore(%arg13 : memref<!tpu.dma_semaphore, #tpu.memory_space<semaphore_mem>>) src(%dma_wait3A_148 : memref<10000x128xf32, #tpu.memory_space<hbm>>) dst(%arg7 : memref<128x128xf32, #tpu.memory_space<vmem>>)
      %dma_start3A_149 = arith.constant 1 : i32
      %dma_start3A_150 = arith.constant 0 : i32
      %dma_start3A_151 = tpu.memref_slice %arg11[%dma_start3A_149, %dma_start3A_150] : memref<2x128xi32, #tpu.memory_space<vmem>> -> memref<1x128xi32, #tpu.memory_space<vmem>>
      %dma_start3A_152 = tpu.memref_squeeze %dma_start3A_151 : memref<1x128xi32, #tpu.memory_space<vmem>> -> memref<128xi32, #tpu.memory_space<vmem>>
      %dma_start3A_153 = arith.constant 0 : i32
      %dma_start3A_154 = arith.constant 0 : i32
      %dma_start3A_155 = tpu.memref_slice %arg6[%dma_start3A_153, %dma_start3A_154] : memref<10240x128xf32, #tpu.memory_space<vmem_shared>> -> memref<10240x128xf32, #tpu.memory_space<vmem_shared>>
      tpu.enqueue_indirect_dma source(%arg7 : memref<128x128xf32, #tpu.memory_space<vmem>>) target(%dma_start3A_155 : memref<10240x128xf32, #tpu.memory_space<vmem_shared>>) offsets(%dma_start3A_152 : memref<128xi32, #tpu.memory_space<vmem>>) semaphore(%arg15 : memref<!tpu.dma_semaphore, #tpu.memory_space<semaphore_mem>>) {add = true}
      %dma_wait3A_156 = arith.constant 1 : i32
      %dma_wait3A_157 = arith.constant 0 : i32
      %dma_wait3A_158 = tpu.memref_slice %arg11[%dma_wait3A_156, %dma_wait3A_157] : memref<2x128xi32, #tpu.memory_space<vmem>> -> memref<1x128xi32, #tpu.memory_space<vmem>>
      %dma_wait3A_159 = tpu.memref_squeeze %dma_wait3A_158 : memref<1x128xi32, #tpu.memory_space<vmem>> -> memref<128xi32, #tpu.memory_space<vmem>>
      %dma_wait3A_160 = arith.constant 0 : i32
      %dma_wait3A_161 = arith.constant 0 : i32
      %dma_wait3A_162 = tpu.memref_slice %arg6[%dma_wait3A_160, %dma_wait3A_161] : memref<10240x128xf32, #tpu.memory_space<vmem_shared>> -> memref<10240x128xf32, #tpu.memory_space<vmem_shared>>
      tpu.wait_indirect_dma semaphore(%arg15 : memref<!tpu.dma_semaphore, #tpu.memory_space<semaphore_mem>>) src(%arg7 : memref<128x128xf32, #tpu.memory_space<vmem>>) dst(%dma_wait3A_162 : memref<10240x128xf32, #tpu.memory_space<vmem_shared>>)
    } else {
    }
    %barrier3A_124 = arith.constant 0 : index
    tpu.barrier barrier_id(%barrier3A_124)
    "tpu.region"() ({
      %run_scoped3A = tpu.sem_alloc : memref<!tpu.dma_semaphore, #tpu.memory_space<semaphore_mem>>
      %dma_start3A_125 = arith.constant 0 : i32
      %dma_start3A_126 = tpu.memref_slice %arg5[%arg0, %mul3A_0, %dma_start3A_125] : memref<2x10240x128xf32, #tpu.memory_space<hbm>> -> memref<1x640x128xf32, #tpu.memory_space<hbm>>
      %dma_start3A_127 = tpu.memref_squeeze %dma_start3A_126 : memref<1x640x128xf32, #tpu.memory_space<hbm>> -> memref<640x128xf32, #tpu.memory_space<hbm>>
      %dma_start3A_128 = arith.constant 0 : i32
      %dma_start3A_129 = tpu.memref_slice %arg6[%mul3A_0, %dma_start3A_128] : memref<10240x128xf32, #tpu.memory_space<vmem_shared>> -> memref<640x128xf32, #tpu.memory_space<vmem_shared>>
      tpu.enqueue_dma source(%dma_start3A_129 : memref<640x128xf32, #tpu.memory_space<vmem_shared>>) target(%dma_start3A_127 : memref<640x128xf32, #tpu.memory_space<hbm>>) target_semaphore(%run_scoped3A : memref<!tpu.dma_semaphore, #tpu.memory_space<semaphore_mem>>)
      %dma_wait3A_130 = arith.constant 0 : i32
      %dma_wait3A_131 = tpu.memref_slice %arg5[%arg0, %mul3A_0, %dma_wait3A_130] : memref<2x10240x128xf32, #tpu.memory_space<hbm>> -> memref<1x640x128xf32, #tpu.memory_space<hbm>>
      %dma_wait3A_132 = tpu.memref_squeeze %dma_wait3A_131 : memref<1x640x128xf32, #tpu.memory_space<hbm>> -> memref<640x128xf32, #tpu.memory_space<hbm>>
      %dma_wait3A_133 = arith.constant 0 : i32
      %dma_wait3A_134 = tpu.memref_slice %arg6[%mul3A_0, %dma_wait3A_133] : memref<10240x128xf32, #tpu.memory_space<vmem_shared>> -> memref<640x128xf32, #tpu.memory_space<vmem_shared>>
      tpu.wait_dma2 semaphore(%run_scoped3A : memref<!tpu.dma_semaphore, #tpu.memory_space<semaphore_mem>>) src(%dma_wait3A_134 : memref<640x128xf32, #tpu.memory_space<vmem_shared>>) dst(%dma_wait3A_132 : memref<640x128xf32, #tpu.memory_space<hbm>>)
      tpu.yield
    }) : () -> ()
    return
  }
}

module attributes {stable_mosaic.version = 14 : i64} {
  func.func @_tc_pre_body(%arg0: i32, %arg1: memref<2x1000x16xf32, #tpu.memory_space<vmem>>, %arg2: memref<1000x128xf32, #tpu.memory_space<vmem>>, %arg3: memref<128x128xf32, #tpu.memory_space<vmem>>, %arg4: memref<1000x128xf32, #tpu.memory_space<vmem>>, %arg5: memref<1000x16xf32, #tpu.memory_space<vmem>>) attributes {dimension_semantics = [#tpu.dimension_semantics<arbitrary>], iteration_bounds = array<i64: 10>, scalar_prefetch = 0 : i64, scratch_operands = 0 : i64, tpu.core_type = #tpu.core_type<tc>, window_params = [{transform_indices = @transform_0, window_bounds = array<i64: 2, 1000, 16>}, {transform_indices = @transform_1, window_bounds = array<i64: 1000, 128>}, {pipeline_mode = #tpu.pipeline_mode<synchronous>, transform_indices = @transform_2, window_bounds = array<i64: 128, 128>}, {transform_indices = @transform_3, window_bounds = array<i64: 1000, 128>}, {transform_indices = @transform_4, window_bounds = array<i64: 1000, 16>}]} {
    %get3A = arith.constant 0 : index
    %get3A_0 = arith.constant 0 : index
    %get3A_1 = arith.constant 0 : index
    %get3A_2 = vector.load %arg1[%get3A, %get3A_0, %get3A_1] : memref<2x1000x16xf32, #tpu.memory_space<vmem>>, vector<1x1000x16xf32>
    %get3A_3 = vector.shape_cast %get3A_2 : vector<1x1000x16xf32> to vector<1000x16xf32>
    %get3A_4 = arith.constant 1 : index
    %get3A_5 = arith.constant 0 : index
    %get3A_6 = arith.constant 0 : index
    %get3A_7 = vector.load %arg1[%get3A_4, %get3A_5, %get3A_6] : memref<2x1000x16xf32, #tpu.memory_space<vmem>>, vector<1x1000x16xf32>
    %get3A_8 = vector.shape_cast %get3A_7 : vector<1x1000x16xf32> to vector<1000x16xf32>
    %add3A = arith.addf %get3A_3, %get3A_8 : vector<1000x16xf32>
    %add3A_9 = arith.constant 1.000000e+00 : f32
    %add3A_10 = vector.broadcast %add3A_9 : f32 to vector<1000x16xf32>
    %add3A_11 = arith.addf %add3A, %add3A_10 : vector<1000x16xf32>
    %rsqrt3A = math.rsqrt %add3A_11 : vector<1000x16xf32>
    %swap3A = arith.constant 0 : index
    %swap3A_12 = arith.constant 0 : index
    %swap3A_13 = vector.load %arg5[%swap3A, %swap3A_12] : memref<1000x16xf32, #tpu.memory_space<vmem>>, vector<1000x16xf32>
    tpu.vector_store %arg5[%swap3A, %swap3A_12], %rsqrt3A {strides = array<i32>} : memref<1000x16xf32, #tpu.memory_space<vmem>>, vector<1000x16xf32>,
    %get3A_14 = arith.constant 0 : index
    %get3A_15 = arith.constant 0 : index
    %get3A_16 = vector.load %arg2[%get3A_14, %get3A_15] : memref<1000x128xf32, #tpu.memory_space<vmem>>, vector<1000x128xf32>
    %get3A_17 = arith.constant 0 : index
    %get3A_18 = arith.constant 0 : index
    %get3A_19 = vector.load %arg3[%get3A_17, %get3A_18] : memref<128x128xf32, #tpu.memory_space<vmem>>, vector<128x128xf32>
    %dot_general3A = arith.constant dense<0.000000e+00> : vector<1000x128xf32>
    %dot_general3A_20 = tpu.matmul %get3A_16, %get3A_19, %dot_general3A {dimension_numbers = #tpu.dot_dimension_numbers<[1], [0], [0], [1], [0, 0, 1, 1], [], []>, transpose_lhs_hint = false} : vector<1000x128xf32>, vector<128x128xf32>, vector<1000x128xf32> -> vector<1000x128xf32>
    %slice3A = vector.extract_strided_slice %rsqrt3A {offsets = [0, 0], sizes = [1000, 1], strides = [1, 1]} : vector<1000x16xf32> to vector<1000x1xf32>
    %mul3A = vector.broadcast %slice3A : vector<1000x1xf32> to vector<1000x128xf32>
    %mul3A_21 = arith.mulf %dot_general3A_20, %mul3A : vector<1000x128xf32>
    %swap3A_22 = arith.constant 0 : index
    %swap3A_23 = arith.constant 0 : index
    %swap3A_24 = vector.load %arg4[%swap3A_22, %swap3A_23] : memref<1000x128xf32, #tpu.memory_space<vmem>>, vector<1000x128xf32>
    tpu.vector_store %arg4[%swap3A_22, %swap3A_23], %mul3A_21 {strides = array<i32>} : memref<1000x128xf32, #tpu.memory_space<vmem>>, vector<1000x128xf32>,
    return
  }
  func.func @transform_0(%arg0: i32) -> (i32, i32, i32) {
    %c0_i32 = arith.constant 0 : i32
    %c0_i32_0 = arith.constant 0 : i32
    %c0_i32_1 = arith.constant 0 : i32
    return %c0_i32, %arg0, %c0_i32_0 : i32, i32, i32
  }
  func.func @transform_1(%arg0: i32) -> (i32, i32) {
    %c0_i32 = arith.constant 0 : i32
    %c0_i32_0 = arith.constant 0 : i32
    return %arg0, %c0_i32 : i32, i32
  }
  func.func @transform_2(%arg0: i32) -> (i32, i32) {
    %c0_i32 = arith.constant 0 : i32
    %c0_i32_0 = arith.constant 0 : i32
    %c0_i32_1 = arith.constant 0 : i32
    return %c0_i32, %c0_i32_0 : i32, i32
  }
  func.func @transform_3(%arg0: i32) -> (i32, i32) {
    %c0_i32 = arith.constant 0 : i32
    %c0_i32_0 = arith.constant 0 : i32
    return %arg0, %c0_i32 : i32, i32
  }
  func.func @transform_4(%arg0: i32) -> (i32, i32) {
    %c0_i32 = arith.constant 0 : i32
    %c0_i32_0 = arith.constant 0 : i32
    return %arg0, %c0_i32 : i32, i32
  }
}

module attributes {stable_mosaic.version = 14 : i64} {
  func.func @_tc_mid_body(%arg0: i32, %arg1: memref<2x1000x128xf32, #tpu.memory_space<vmem>>, %arg2: memref<1000x128xf32, #tpu.memory_space<vmem>>, %arg3: memref<1000x16xf32, #tpu.memory_space<vmem>>, %arg4: memref<1x128xf32, #tpu.memory_space<vmem>>, %arg5: memref<128x128xf32, #tpu.memory_space<vmem>>, %arg6: memref<1000x128xf32, #tpu.memory_space<vmem>>) attributes {dimension_semantics = [#tpu.dimension_semantics<arbitrary>], iteration_bounds = array<i64: 10>, scalar_prefetch = 0 : i64, scratch_operands = 0 : i64, tpu.core_type = #tpu.core_type<tc>, window_params = [{transform_indices = @transform_0, window_bounds = array<i64: 2, 1000, 128>}, {transform_indices = @transform_1, window_bounds = array<i64: 1000, 128>}, {transform_indices = @transform_2, window_bounds = array<i64: 1000, 16>}, {pipeline_mode = #tpu.pipeline_mode<synchronous>, transform_indices = @transform_3, window_bounds = array<i64: 1, 128>}, {pipeline_mode = #tpu.pipeline_mode<synchronous>, transform_indices = @transform_4, window_bounds = array<i64: 128, 128>}, {transform_indices = @transform_5, window_bounds = array<i64: 1000, 128>}]} {
    %get3A = arith.constant 0 : index
    %get3A_0 = arith.constant 0 : index
    %get3A_1 = vector.load %arg3[%get3A, %get3A_0] : memref<1000x16xf32, #tpu.memory_space<vmem>>, vector<1000x1xf32>
    %get3A_2 = arith.constant 0 : index
    %get3A_3 = arith.constant 0 : index
    %get3A_4 = arith.constant 0 : index
    %get3A_5 = vector.load %arg1[%get3A_2, %get3A_3, %get3A_4] : memref<2x1000x128xf32, #tpu.memory_space<vmem>>, vector<1x1000x128xf32>
    %get3A_6 = vector.shape_cast %get3A_5 : vector<1x1000x128xf32> to vector<1000x128xf32>
    %get3A_7 = arith.constant 1 : index
    %get3A_8 = arith.constant 0 : index
    %get3A_9 = arith.constant 0 : index
    %get3A_10 = vector.load %arg1[%get3A_7, %get3A_8, %get3A_9] : memref<2x1000x128xf32, #tpu.memory_space<vmem>>, vector<1x1000x128xf32>
    %get3A_11 = vector.shape_cast %get3A_10 : vector<1x1000x128xf32> to vector<1000x128xf32>
    %add3A = arith.addf %get3A_6, %get3A_11 : vector<1000x128xf32>
    %get3A_12 = arith.constant 0 : index
    %get3A_13 = arith.constant 0 : index
    %get3A_14 = vector.load %arg2[%get3A_12, %get3A_13] : memref<1000x128xf32, #tpu.memory_space<vmem>>, vector<1000x128xf32>
    %add3A_15 = arith.addf %add3A, %get3A_14 : vector<1000x128xf32>
    %mul3A = vector.broadcast %get3A_1 : vector<1000x1xf32> to vector<1000x128xf32>
    %mul3A_16 = arith.mulf %add3A_15, %mul3A : vector<1000x128xf32>
    %get3A_17 = arith.constant 0 : index
    %get3A_18 = arith.constant 0 : index
    %get3A_19 = vector.load %arg4[%get3A_17, %get3A_18] : memref<1x128xf32, #tpu.memory_space<vmem>>, vector<1x128xf32>
    %add3A_20 = vector.broadcast %get3A_19 : vector<1x128xf32> to vector<1000x128xf32>
    %add3A_21 = arith.addf %mul3A_16, %add3A_20 : vector<1000x128xf32>
    %max3A = arith.constant 0.000000e+00 : f32
    %max3A_22 = vector.broadcast %max3A : f32 to vector<1000x128xf32>
    %max3A_23 = arith.maximumf %add3A_21, %max3A_22 : vector<1000x128xf32>
    %get3A_24 = arith.constant 0 : index
    %get3A_25 = arith.constant 0 : index
    %get3A_26 = vector.load %arg5[%get3A_24, %get3A_25] : memref<128x128xf32, #tpu.memory_space<vmem>>, vector<128x128xf32>
    %dot_general3A = arith.constant dense<0.000000e+00> : vector<1000x128xf32>
    %dot_general3A_27 = tpu.matmul %max3A_23, %get3A_26, %dot_general3A {dimension_numbers = #tpu.dot_dimension_numbers<[1], [0], [0], [1], [0, 0, 1, 1], [], []>, transpose_lhs_hint = false} : vector<1000x128xf32>, vector<128x128xf32>, vector<1000x128xf32> -> vector<1000x128xf32>
    %mul3A_28 = vector.broadcast %get3A_1 : vector<1000x1xf32> to vector<1000x128xf32>
    %mul3A_29 = arith.mulf %dot_general3A_27, %mul3A_28 : vector<1000x128xf32>
    %swap3A = arith.constant 0 : index
    %swap3A_30 = arith.constant 0 : index
    %swap3A_31 = vector.load %arg6[%swap3A, %swap3A_30] : memref<1000x128xf32, #tpu.memory_space<vmem>>, vector<1000x128xf32>
    tpu.vector_store %arg6[%swap3A, %swap3A_30], %mul3A_29 {strides = array<i32>} : memref<1000x128xf32, #tpu.memory_space<vmem>>, vector<1000x128xf32>,
    return
  }
  func.func @transform_0(%arg0: i32) -> (i32, i32, i32) {
    %c0_i32 = arith.constant 0 : i32
    %c0_i32_0 = arith.constant 0 : i32
    %c0_i32_1 = arith.constant 0 : i32
    return %c0_i32, %arg0, %c0_i32_0 : i32, i32, i32
  }
  func.func @transform_1(%arg0: i32) -> (i32, i32) {
    %c0_i32 = arith.constant 0 : i32
    %c0_i32_0 = arith.constant 0 : i32
    return %arg0, %c0_i32 : i32, i32
  }
  func.func @transform_2(%arg0: i32) -> (i32, i32) {
    %c0_i32 = arith.constant 0 : i32
    %c0_i32_0 = arith.constant 0 : i32
    return %arg0, %c0_i32 : i32, i32
  }
  func.func @transform_3(%arg0: i32) -> (i32, i32) {
    %c0_i32 = arith.constant 0 : i32
    %c0_i32_0 = arith.constant 0 : i32
    %c0_i32_1 = arith.constant 0 : i32
    return %c0_i32, %c0_i32_0 : i32, i32
  }
  func.func @transform_4(%arg0: i32) -> (i32, i32) {
    %c0_i32 = arith.constant 0 : i32
    %c0_i32_0 = arith.constant 0 : i32
    %c0_i32_1 = arith.constant 0 : i32
    return %c0_i32, %c0_i32_0 : i32, i32
  }
  func.func @transform_5(%arg0: i32) -> (i32, i32) {
    %c0_i32 = arith.constant 0 : i32
    %c0_i32_0 = arith.constant 0 : i32
    return %arg0, %c0_i32 : i32, i32
  }
}

module attributes {stable_mosaic.version = 14 : i64} {
  func.func @_tc_fin_body(%arg0: i32, %arg1: memref<2x1000x128xf32, #tpu.memory_space<vmem>>, %arg2: memref<1000x128xf32, #tpu.memory_space<vmem>>, %arg3: memref<1000x16xf32, #tpu.memory_space<vmem>>, %arg4: memref<1x128xf32, #tpu.memory_space<vmem>>, %arg5: memref<1000x128xf32, #tpu.memory_space<vmem>>) attributes {dimension_semantics = [#tpu.dimension_semantics<arbitrary>], iteration_bounds = array<i64: 10>, scalar_prefetch = 0 : i64, scratch_operands = 0 : i64, tpu.core_type = #tpu.core_type<tc>, window_params = [{transform_indices = @transform_0, window_bounds = array<i64: 2, 1000, 128>}, {transform_indices = @transform_1, window_bounds = array<i64: 1000, 128>}, {transform_indices = @transform_2, window_bounds = array<i64: 1000, 16>}, {pipeline_mode = #tpu.pipeline_mode<synchronous>, transform_indices = @transform_3, window_bounds = array<i64: 1, 128>}, {transform_indices = @transform_4, window_bounds = array<i64: 1000, 128>}]} {
    %get3A = arith.constant 0 : index
    %get3A_0 = arith.constant 0 : index
    %get3A_1 = vector.load %arg3[%get3A, %get3A_0] : memref<1000x16xf32, #tpu.memory_space<vmem>>, vector<1000x1xf32>
    %get3A_2 = arith.constant 0 : index
    %get3A_3 = arith.constant 0 : index
    %get3A_4 = arith.constant 0 : index
    %get3A_5 = vector.load %arg1[%get3A_2, %get3A_3, %get3A_4] : memref<2x1000x128xf32, #tpu.memory_space<vmem>>, vector<1x1000x128xf32>
    %get3A_6 = vector.shape_cast %get3A_5 : vector<1x1000x128xf32> to vector<1000x128xf32>
    %get3A_7 = arith.constant 1 : index
    %get3A_8 = arith.constant 0 : index
    %get3A_9 = arith.constant 0 : index
    %get3A_10 = vector.load %arg1[%get3A_7, %get3A_8, %get3A_9] : memref<2x1000x128xf32, #tpu.memory_space<vmem>>, vector<1x1000x128xf32>
    %get3A_11 = vector.shape_cast %get3A_10 : vector<1x1000x128xf32> to vector<1000x128xf32>
    %add3A = arith.addf %get3A_6, %get3A_11 : vector<1000x128xf32>
    %get3A_12 = arith.constant 0 : index
    %get3A_13 = arith.constant 0 : index
    %get3A_14 = vector.load %arg2[%get3A_12, %get3A_13] : memref<1000x128xf32, #tpu.memory_space<vmem>>, vector<1000x128xf32>
    %add3A_15 = arith.addf %add3A, %get3A_14 : vector<1000x128xf32>
    %mul3A = vector.broadcast %get3A_1 : vector<1000x1xf32> to vector<1000x128xf32>
    %mul3A_16 = arith.mulf %add3A_15, %mul3A : vector<1000x128xf32>
    %get3A_17 = arith.constant 0 : index
    %get3A_18 = arith.constant 0 : index
    %get3A_19 = vector.load %arg4[%get3A_17, %get3A_18] : memref<1x128xf32, #tpu.memory_space<vmem>>, vector<1x128xf32>
    %add3A_20 = vector.broadcast %get3A_19 : vector<1x128xf32> to vector<1000x128xf32>
    %add3A_21 = arith.addf %mul3A_16, %add3A_20 : vector<1000x128xf32>
    %reduce_max3A = arith.constant dense<0xFF800000> : vector<1000xf32>
    %reduce_max3A_22 = vector.multi_reduction <maximumf>, %add3A_21, %reduce_max3A [1] : vector<1000x128xf32> to vector<1000xf32>
    %broadcast_in_dim3A = vector.shape_cast %reduce_max3A_22 : vector<1000xf32> to vector<1000x1xf32>
    %sub3A = vector.broadcast %broadcast_in_dim3A : vector<1000x1xf32> to vector<1000x128xf32>
    %sub3A_23 = arith.subf %add3A_21, %sub3A : vector<1000x128xf32>
    %exp3A = math.exp %sub3A_23 : vector<1000x128xf32>
    %reduce_sum3A = arith.constant dense<0.000000e+00> : vector<1000xf32>
    %reduce_sum3A_24 = vector.multi_reduction <add>, %exp3A, %reduce_sum3A [1] : vector<1000x128xf32> to vector<1000xf32>
    %broadcast_in_dim3A_25 = vector.shape_cast %reduce_sum3A_24 : vector<1000xf32> to vector<1000x1xf32>
    %log3A = math.log %broadcast_in_dim3A_25 : vector<1000x1xf32>
    %sub3A_26 = vector.broadcast %log3A : vector<1000x1xf32> to vector<1000x128xf32>
    %sub3A_27 = arith.subf %sub3A_23, %sub3A_26 : vector<1000x128xf32>
    %swap3A = arith.constant 0 : index
    %swap3A_28 = arith.constant 0 : index
    %swap3A_29 = vector.load %arg5[%swap3A, %swap3A_28] : memref<1000x128xf32, #tpu.memory_space<vmem>>, vector<1000x128xf32>
    tpu.vector_store %arg5[%swap3A, %swap3A_28], %sub3A_27 {strides = array<i32>} : memref<1000x128xf32, #tpu.memory_space<vmem>>, vector<1000x128xf32>,
    return
  }
  func.func @transform_0(%arg0: i32) -> (i32, i32, i32) {
    %c0_i32 = arith.constant 0 : i32
    %c0_i32_0 = arith.constant 0 : i32
    %c0_i32_1 = arith.constant 0 : i32
    return %c0_i32, %arg0, %c0_i32_0 : i32, i32, i32
  }
  func.func @transform_1(%arg0: i32) -> (i32, i32) {
    %c0_i32 = arith.constant 0 : i32
    %c0_i32_0 = arith.constant 0 : i32
    return %arg0, %c0_i32 : i32, i32
  }
  func.func @transform_2(%arg0: i32) -> (i32, i32) {
    %c0_i32 = arith.constant 0 : i32
    %c0_i32_0 = arith.constant 0 : i32
    return %arg0, %c0_i32 : i32, i32
  }
  func.func @transform_3(%arg0: i32) -> (i32, i32) {
    %c0_i32 = arith.constant 0 : i32
    %c0_i32_0 = arith.constant 0 : i32
    %c0_i32_1 = arith.constant 0 : i32
    return %c0_i32, %c0_i32_0 : i32, i32
  }
  func.func @transform_4(%arg0: i32) -> (i32, i32) {
    %c0_i32 = arith.constant 0 : i32
    %c0_i32_0 = arith.constant 0 : i32
    return %arg0, %c0_i32 : i32, i32
  }
}

</mosaic_0001>

<sc_bundles>
// kernel: kernel.10.cloned.1.call-start
scs
__scs_entry_jumppad:
0x0: {  	(pc) =	sbr.rel $0x88, $3  }
0x1: {  	(tag) =	ssettag $0x0;
	lr =	simm.s32 $0x1  }
0x2: {  	[smem:$0x3F99] =	sst lr;
	_ =	strace $0xD0000000  }
0x3: {  	_ = 	snop  }
0x4: {  	_ = 	snop  }
0x5: {  	_ = 	snop  }
0x6: {  	_ = 	snop  }
0x7: {  	_ = 	snop  }
__scs_overlays_trampoline_lowered:
0x8: {  	[smem:$0x3FA8] =	sst s0  }
0x9: {  	[smem:$0x3FA9] =	sst s1  }
0xa: {  	[smem:$0x3FAA] =	sst s2  }
0xb: {  	[smem:$0x3FAB] =	sst s3  }
0xc: {  	[smem:$0x3FAC] =	sst s4  }
0xd: {  	[smem:$0x3FAD] =	sst s5  }
0xe: {  	[smem:$0x3FAE] =	sst s6  }
0xf: {  	[smem:$0x3FAF] =	sst s7  }
0x10: {  	[smem:$0x3FB0] =	sst s8  }
0x11: {  	[smem:$0x3FB1] =	sst s9;
	s0 =	simm.s32 @!p0 $0x0  }
0x12: {  	s1 =	sld [smem:$0x3F97];
	s0 =	simm.s32 @p0 $0x1  }
0x13: {  	[smem:$0x3FB2] =	sst s0;
	s0 =	simm.s32 @!p1 $0x0  }
0x14: {  	s2 =	sld [smem:$0x3F96];
	s0 =	simm.s32 @p1 $0x1  }
0x15: {  	[smem:$0x3FB3] =	sst s0;
	s0 =	simm.s32 @!p2 $0x0  }
0x16: {  	s3 =	sld [smem:$0x3FDB];
	s0 =	simm.s32 @p2 $0x1  }
0x17: {  	s4 =	simm.s32 $0x1BF5;
	[smem:$0x3FB5] =	sst s0  }
0x18: {  	s0 =	sld [smem:$0x3F98];
	_ =	swait.ge [sflag:s4], $0x0  }
0x19: {  	s7 =	sld [smem:$0x3F99]  }
0x1a: {  	s8 =	sadd.s32 $0xFFFFE003, lr  }
0x1b: {  	s9 =	sadd.s32 $0xFFFFFEF7, lr;
	s5 =	simm.s32 $0xFFFFFFFF;
	p2 =	slt.u32 s8, $0xFFFFF086  }
0x1c: {  	p1 =	slt.u32 s9, $0xF7A;
	s5 =	simm.s32 @!p2 $0x0  }
0x1d: {  	s5 =	simm.s32 @p1 $0x1;
	p0 =	seq.s32 s7, s2  }
0x1e: {  	s7 =	smul.u32 @!p0 $0xF7A, s2;
	p2 =	seq.s32 @!p0 s5, $0x0  }
0x1f: {  	s9 =	smul.u32 $0xF7A, s1;
	s8 =	simm.s32 @!p0 $0x1BF5;
	p2 =	por !p2, p0  }
0x20: {  	[sflag:s8] =	ssyncset.s32 @!p0 $0xFFFFF086;
	s6 =	sadd.s32 @!p0 s3, s7;
	s7 =	simm.s32 @!p0 $0x108  }
0x21: {  	s3 =	sadd.s32 s3, s9;
	s6 =	sadd.s32 @!p0 $0x88, s6;
	s7 =	simm.s32 @p2 $0x1082  }
0x22: {  	[simem:s7], [sflag:s8] =	dma.local @!p0 [hbm:s6], $0xF7A  }
0x23: {  	s9 =	sor.u32 $0xD0000000, s2;
	s6 =	simm.s32 $0x108;
	_ =	swait.ge @!p0 [sflag:s8], $0x0  }
0x24: {  	s3 =	sadd.s32 $0x88, s3;
	s6 =	simm.s32 @!p1 $0x1082;
	[sflag:s4] =	ssyncset.s32 $0xFFFFF086  }
0x25: {  	[simem:s6], [sflag:s4] =	dma.local [hbm:s3], $0xF7A  }
0x26: {  	[smem:$0x3F99] =	sst s1;
	(tag) =	ssettag s2;
	_ =	strace s9  }
0x27: {  	s1 =	sld [smem:$0x3FA9]  }
0x28: {  	s2 =	sld [smem:$0x3FAA]  }
0x29: {  	s4 =	sld [smem:$0x3FAC]  }
0x2a: {  	p0 =	seq.s32 s5, $0x0;
	s5 =	sld [smem:$0x3FAD]  }
0x2b: {  	s6 =	sld [smem:$0x3FAE]  }
0x2c: {  	s7 =	sld [smem:$0x3FAF]  }
0x2d: {  	s3 =	simm.s32 $0x108;
	s8 =	sld [smem:$0x3FB0]  }
0x2e: {  	s3 =	simm.s32 @!p0 $0x1082;
	s9 =	sld [smem:$0x3FB1]  }
0x2f: {  	lr =	sadd.s32 s0, s3;
	s0 =	sld [smem:$0x3FA8]  }
0x30: {  	s3 =	sld [smem:$0x3FAB]  }
0x31: {  	[smem:$0x3FB4] =	sst s10  }
0x32: {  	s10 =	sld [smem:$0x3FB2];
	_ =	sdelay $0x3  }
0x33: {  	p0 =	seq.s32 s10, $0x1;
	s10 =	sld [smem:$0x3FB4];
	_ =	sdelay $0x3  }
0x34: {  	[smem:$0x3FB4] =	sst s10  }
0x35: {  	s10 =	sld [smem:$0x3FB3];
	_ =	sdelay $0x3  }
0x36: {  	p1 =	seq.s32 s10, $0x1;
	s10 =	sld [smem:$0x3FB4];
	_ =	sdelay $0x3  }
0x37: {  	[smem:$0x3FB4] =	sst s10  }
0x38: {  	s10 =	sld [smem:$0x3FB5]  }
0x39: {  	_ = 	snop;
	(pc) =	sbr.ind lr, $3  }
0x3a: {  	_ = 	snop  }
0x3b: {  	_ = 	snop  }
0x3c: {  	p2 =	seq.s32 s10, $0x1;
	s10 =	sld [smem:$0x3FB4]  }
0x3d: {  	_ =	shalt  }
0x3e: {  	_ =	shalt  }
0x3f: {  	_ =	shalt  }
0x40: {  	_ =	shalt  }
0x41: {  	_ =	shalt  }
0x42: {  	_ =	shalt  }
0x43: {  	_ =	shalt  }
0x44: {  	_ =	shalt  }
0x45: {  	_ =	shalt  }
0x46: {  	_ =	shalt  }
0x47: {  	_ =	shalt  }
0x48: {  	_ =	shalt  }
0x49: {  	_ =	shalt  }
0x4a: {  	_ =	shalt  }
0x4b: {  	_ =	shalt  }
0x4c: {  	_ =	shalt  }
0x4d: {  	_ =	shalt  }
0x4e: {  	_ =	shalt  }
0x4f: {  	_ =	shalt  }
0x50: {  	_ =	shalt  }
0x51: {  	_ =	shalt  }
0x52: {  	_ =	shalt  }
0x53: {  	_ =	shalt  }
0x54: {  	_ =	shalt  }
0x55: {  	_ =	shalt  }
0x56: {  	_ =	shalt  }
0x57: {  	_ =	shalt  }
0x58: {  	_ =	shalt  }
0x59: {  	_ =	shalt  }
0x5a: {  	_ =	shalt  }
0x5b: {  	_ =	shalt  }
0x5c: {  	_ =	shalt  }
0x5d: {  	_ =	shalt  }
0x5e: {  	_ =	shalt  }
0x5f: {  	_ =	shalt  }
0x60: {  	_ =	shalt  }
0x61: {  	_ =	shalt  }
0x62: {  	_ =	shalt  }
0x63: {  	_ =	shalt  }
0x64: {  	_ =	shalt  }
0x65: {  	_ =	shalt  }
0x66: {  	_ =	shalt  }
0x67: {  	_ =	shalt  }
0x68: {  	_ =	shalt  }
0x69: {  	_ =	shalt  }
0x6a: {  	_ =	shalt  }
0x6b: {  	_ =	shalt  }
0x6c: {  	_ =	shalt  }
0x6d: {  	_ =	shalt  }
0x6e: {  	_ =	shalt  }
0x6f: {  	_ =	shalt  }
0x70: {  	_ =	shalt  }
0x71: {  	_ =	shalt  }
0x72: {  	_ =	shalt  }
0x73: {  	_ =	shalt  }
0x74: {  	_ =	shalt  }
0x75: {  	_ =	shalt  }
0x76: {  	_ =	shalt  }
0x77: {  	_ =	shalt  }
0x78: {  	_ =	shalt  }
0x79: {  	_ =	shalt  }
0x7a: {  	_ =	shalt  }
0x7b: {  	_ =	shalt  }
0x7c: {  	_ =	shalt  }
0x7d: {  	_ =	shalt  }
0x7e: {  	_ =	shalt  }
0x7f: {  	_ =	shalt  }
0x80: {  	_ =	shalt  }
0x81: {  	_ =	shalt  }
0x82: {  	_ =	shalt  }
0x83: {  	_ =	shalt  }
0x84: {  	_ =	shalt  }
0x85: {  	_ =	shalt  }
0x86: {  	_ =	shalt  }
0x87: {  	_ =	shalt  }
.Lfunc_end0:
.L_simem_size_0:
called_computation_lowered:
.L_overlay_start_0:
0x88: {  	s2 =	sld [smem:$0x3FD9]  }
0x89: {  	s3 =	sld [smem:$0x3FFE];
	_ =	sdelay $0x1  }
0x8a: {  	s1 =	srdreg.scid  }
0x8b: {  	s0 =	sand.u32 $0x1, s1  }
0x8c: {  	s17 =	sshll.u32 s0, $0xA;
	s2 =	sadd.s32 s3, s2  }
0x8d: {  	s2 =	sadd.s32 s2, s17  }
0x8e: {  	[smem:$0x3FC0] =	sst s2  }
0x8f: {  	_ = 	snop  }
0x90: {  	s2 =	sld [smem:$0x3FD0];
	(tm) =	ssettm $0x1  }
0x91: {  	s18 =	sld [smem:$0x3FFB];
	_ =	sdelay $0x3  }
0x92: {  	_ =	strace s18  }
0x93: {  	s3 =	sld [smem:$0x3FFC];
	_ =	sdelay $0x3  }
0x94: {  	_ =	strace s3  }
0x95: {  	s3 =	sld [smem:$0x3FFD];
	_ =	sdelay $0x3  }
0x96: {  	_ =	strace s3  }
0x97: {  	_ =	strace $0x8FFFFFFF  }
0x98: {  	s19 =	sld [smem:$0x3FDB];
	_ =	sdelay $0x1  }
0x99: {  	s4 =	simm.s32 $_scs_section_size  }
0x9a: {  	s5 =	simm.s32 $_size__tile_overlayer_lowered;
	s6 =	simm.s32 $_tile_overlayer_lowered  }
0x9b: {  	s22 =	simm.s32 $0x1BFF;
	s21 =	sshll.u32 s6, $0x1;
	s3 =	sadd.s32 s4, s19  }
0x9c: {  	s7 =	simm.s32 $0x0;
	s20 =	sshll.u32 s5, $0x1;
	s5 =	sadd.s32 s21, s3  }
0x9d: {  	[timem:s7], [sflag:s22] =	dma.local [hbm:s5], s20  }
0x9e: {  	_ =	swait.ge [sflag:s22], s20  }
0x9f: {  	s4 =	ssub.s32 $0x0, s20;
	[sflag:s22] =	ssyncset.done $0x0  }
0xa0: {  	[sflag:s22] =	ssyncadd.s32 s4;
	_ =	sdelay $0x1  }
0xa1: {  	s23 =	simm.s32 $0x1B8B  }
0xa2: {  	_ =	swait.ge [sflag:s23], $0x1  }
0xa3: {  	[sflag:s23] =	ssyncset.done $0x0  }
0xa4: {  	s25 =	simm.s32 $0x1B8E;
	s24 =	sld [smem:$0x3FFE];
	[sflag:s23] =	ssyncadd.s32 $0xFFFFFFFF  }
0xa5: {  	s26 =	simm.s32 $execute0_lowered;
	[smem:$0x3FD2] =	sst s25  }
0xa6: {  	s5 =	sshll.u32 s26, $0x1;
	_ =	strace $0x80000046;
	[dreg:$0x1] =	wrdreg $0xFFFFFFFF  }
0xa7: {  	s28 =	simm.s32 $_size_execute0_lowered;
	s3 =	sadd.s32 s3, s5;
	[dreg:$0x0] =	wrdreg $0x0  }
0xa8: {  	s5 =	sshll.u32 s28, $0x1;
	[dreg:$0x2] =	wrdreg s3  }
0xa9: {  	[dreg:$0x3] =	wrdreg s5  }
0xaa: {  	[dreg:$0x4] =	wrdreg $0xC0  }
0xab: {  	_ =	task [dreg:s7], $0x5FFFF  }
0xac: {  	[dreg:$0x1] =	wrdreg $0xFFFFFFFF  }
0xad: {  	[dreg:$0x0] =	wrdreg $0x60  }
0xae: {  	[dreg:$0x2] =	wrdreg s24  }
0xaf: {  	[dreg:$0x3] =	wrdreg s2  }
0xb0: {  	[dreg:$0x4] =	wrdreg $0x0  }
0xb1: {  	[dreg:$0x5] =	wrdreg $0x9  }
0xb2: {  	_ =	task.clear_ibuf [dreg:s7], $0x6FFFF;
	_ =	strace $0x90000046  }
0xb3: {  	s29 =	simm.s32 $0x9;
	_ =	strace $0x80000048  }
0xb4: {  	_ =	swait.ge [sflag:s29], $0x1  }
0xb5: {  	[sflag:s29] =	ssyncadd.s32 $0xFFFFFFFF  }
0xb6: {  	_ =	strace $0x90000048  }
0xb7: {  	_ =	sfence  }
0xb8: {  	s30 =	sld [smem:$0x0];
	_ =	sdelay $0x2  }
0xb9: {  	s31 =	sshll.u32 s1, $0xD;
	s1 =	sshrl.u32 s1, $0x2  }
0xba: {  	s3 =	sand.u32 $0x4000, s31;
	s1 =	sadd.s32 s1, s30  }
0xbb: {  	s0 =	sor.u32 s3, s0;
	s1 =	sshll.u32 s1, $0x11  }
0xbc: {  	s0 =	sor.u32 s1, s0  }
0xbd: {  	s0 =	sadd.s32 $0x8F2B, s0  }
0xbe: {  	[sflag:s0] =	ssyncadd.remote.s32 $0x1  }
0xbf: {  	_ =	sfence.sel $0xFFFF  }
0xc0: {  	[dreg:$0x0] =	wrdreg $0xFFFFFFFF;
	(pc) =	sbr.abs _section_cstart, $3  }
0xc1: {  	[dreg:$0x1] =	wrdreg $0xFFFFFFFF  }
0xc2: {  	_ =	task.clear_ibuf [dreg:s7], $0x2FFFF;
	_ =	strace $0x9FFFFFFF  }
0xc3: {  	(tm) =	ssettm $0x7FFFFFFF  }
tec
execute0_lowered:
.L_overlay_start_1:
0x0: {  	(tag) =	ssettag $0x1  }
0x1: {  	s6 =	rddreg [dreg:$0x0]  }
0x2: {  	s8 =	rddreg [dreg:$0x1]  }
0x3: {  	s1 =	rddreg [dreg:$0x2]  }
0x4: {  	s0 =	rddreg [dreg:$0x3];
	s3 =	simm.s32 $0x0;
	s4 =	srdreg.scid  }
0x5: {  	s2 =	stileid.u32;
	s15 =	simm.s32 $0x3000;
	s16 =	simm.s32 $0x80  }
0x6: {  	s17 =	simm.s32 $0x1;
	s18 =	simm.s32 $0x0;
	[smem:$0x7FF] =	sst s3  }
0x7: {  	s10 =	sand.u32 $0x1, s4;
	s9 =	smul.u32 $0x2800, s2;
	s4 =	sadd.s32 $0x3800, s6  }
0x8: {  	s5 =	sadd.s32 $0xD800, s6;
	s6 =	sadd.s32 $0xD600, s6;
	s28 =	sshll.u32 s2, $0x6  }
0x9: {  	s29 =	sshll.u32 s2, $0x1;
	s31 =	sshll.u32 s2, $0x8;
	_ =	strace $0x80000047  }
0xa: {  	s7 =	ssub.s32 $0x2, s10;
	s12 =	smul.u32 $0x28000, s10;
	s30 =	sor.u32 s29, s10  }
0xb: {  	s14 =	sshll.u32 s10, $0x7;
	s11 =	sshrl.u32 s7, $0x1;
	s13 =	sadd.s32 s9, s1  }
0xc: {  	s11 =	ssub.s32 s7, s11;
	s9 =	sadd.s32 s9, s12;
	s7 =	sor.u32 $0x1C02, s28  }
0xd: {  	s12 =	sshrl.u32 s13, $0x3;
	s13 =	simm.s32 $0x2;
	s9 =	sshrl.u32 s9, $0x3  }
0xe: {  	s8 =	sadd.s32 s8, s9;
	s9 =	smax.u32 s11, $0x1;
	s11 =	ssub.s32 $0x9E3, s30  }
0xf: {  	s10 =	sshrl.u32 s11, $0x5;
	s11 =	sor.u32 s14, s31;
	s14 =	simm.s32 $0x2800  }
.LBB2_1:
0x10: {  	[spmem:s12], [sflag:s7] =	dma.local [hbm:s5], $0x500  }
0x11: {  	_ =	swait.ge [sflag:s13], $0x500  }
0x12: {  	[sflag:s13] =	ssyncset.done $0x0  }
0x13: {  	p1 =	sne.s32 s10, $0x1;
	[sflag:s13] =	ssyncadd.s32 $0xFFFFFB00  }
0x14: {  	[tilespmem:s14], [sflag:$0x2] =	stream.linear.gather [hbm4b:s6+s3], $0x800, $0x38;
	[tilespmem:$0x3080] =	vst v63  }
.Ltmp0:
0x15: {  	_ =	swait.ge [sflag:s13], $0x800;
	(pc) =	sbr.rel @!p1 .LBB2_4-.Ltmp0, $4  }
0x16: {  	[sflag:s13] =	ssyncset.done $0x0  }
0x17: {  	[sflag:s13] =	ssyncadd.s32 $0xFFFFF800  }
0x18: {  	[bflag:$0x0] =	sbarrier.arrive $0xFFFF  }
0x19: {  	s19 =	sadd.s32 $0xFFFFFFFF, s10;
	s21 =	sshrl.u32 s11, $0x3;
	p0 =	por $0x0, $0x0  }
0x1a: {  	s20 =	sadd.s32 s4, s21  }
0x1b: {  	[tilespmem:s15], [sflag:$0x2] =	stream.linear.gather [hbm4b:s20+s3], $0x80, $0x38;
	[tilespmem:$0x3080] =	vst v63  }
0x1c: {  	p1 =	sne.s32 s19, $0x1;
	_ =	swait.ge [sflag:s13], $0x80  }
.Ltmp1:
0x1d: {  	[sflag:s13] =	ssyncset.done $0x0;
	(pc) =	sbr.rel @!p1 .LBB2_4-.Ltmp1, $4  }
0x1e: {  	[sflag:s13] =	ssyncadd.s32 $0xFFFFFF80  }
0x1f: {  	[spmem:s1] =	stream.indirect.scatter.add.f32 [tilespmem:s14], [sflag:$0x1], $0x10, s15, s16, $0xb8;
	[tilespmem:$0x3080] =	vst v63  }
0x20: {  	s19 =	sadd.s32 $0xFFFFFFFF, s19;
	s20 =	sadd.s32 $0x1000, s11;
	_ =	swait.ge [sflag:s17], $0x800  }
0x21: {  	p0 =	por $0x1, $0x1;
	s21 =	sshrl.u32 s20, $0x3;
	[sflag:s17] =	ssyncset.done $0x0  }
.LBB2_3:
0x22: {  	p1 =	sne.s32 s19, $0x1;
	s21 =	sadd.s32 s4, s21;
	[sflag:s17] =	ssyncadd.s32 $0xFFFFF800  }
0x23: {  	[tilespmem:s15], [sflag:$0x2] =	stream.linear.gather [hbm4b:s21+s3], $0x80, $0x38;
	[tilespmem:$0x3080] =	vst v63  }
0x24: {  	s19 =	sadd.s32 $0xFFFFFFFF, s19;
	_ =	swait.ge [sflag:s13], $0x80  }
.Ltmp2:
0x25: {  	[sflag:s13] =	ssyncset.done $0x0;
	(pc) =	sbr.rel @p1 .LBB2_3-.Ltmp2, $4  }
0x26: {  	[sflag:s13] =	ssyncadd.s32 $0xFFFFFF80  }
0x27: {  	[spmem:s1] =	stream.indirect.scatter.add.f32 [tilespmem:s14], [sflag:$0x1], $0x10, s15, s16, $0xb8;
	[tilespmem:$0x3080] =	vst v63  }
0x28: {  	s20 =	sadd.s32 $0x1000, s20;
	_ =	swait.ge [sflag:s17], $0x800  }
0x29: {  	s21 =	sshrl.u32 s20, $0x3;
	[sflag:s17] =	ssyncset.done $0x0  }
.LBB2_4:
0x2a: {  	s19 =	sadd.s32 s4, s21;
	[sflag:s17] =	ssyncadd.s32 @p0 $0xFFFFF800  }
0x2b: {  	[tilespmem:s15], [sflag:$0x2] =	stream.linear.gather [hbm4b:s19+s3], $0x80, $0x38;
	[tilespmem:$0x3080] =	vst v63  }
0x2c: {  	_ =	swait.ge [sflag:s13], $0x80  }
0x2d: {  	[sflag:s13] =	ssyncset.done $0x0  }
0x2e: {  	[sflag:s13] =	ssyncadd.s32 $0xFFFFFF80  }
0x2f: {  	[spmem:s1] =	stream.indirect.scatter.add.f32 [tilespmem:s14], [sflag:$0x1], $0x10, s15, s16, $0xb8;
	[tilespmem:$0x3080] =	vst v63  }
0x30: {  	_ =	swait.ge [sflag:s17], $0x800  }
0x31: {  	s18 =	sadd.s32 $0x1, s18;
	[sflag:s17] =	ssyncset.done $0x0  }
0x32: {  	p0 =	sne.s32 s18, s9;
	[sflag:s17] =	ssyncadd.s32 $0xFFFFF800  }
.Ltmp3:
0x33: {  	[bflag:$0x0] =	sbarrier.arrive $0xFFFF;
	(pc) =	sbr.rel @p0 .LBB2_1-.Ltmp3, $4  }
0x34: {  	[hbm:s8], [sflag:s7] =	dma.local [spmem:s12], $0x500  }
0x35: {  	_ =	swait.ge [sflag:s13], $0x500  }
0x36: {  	[sflag:s13] =	ssyncset.done $0x0  }
0x37: {  	[sflag:s13] =	ssyncadd.s32 $0xFFFFFB00  }
0x38: {  	_ =	sfence.sel $0x180000  }
0x39: {  	[bflag:$0x0] =	sbarrier.arrive $0xFFFF  }
0x3a: {  	p0 =	sne.s32 s2, $0x0;
	_ =	strace $0x90000047  }
0x3b: {  	s0 =	sadd.s32 @!p0 $0x100000, s0;
	[bflag:$0x2] =	sbarrier.arrive $0xFFFF  }
0x3c: {  	[sflag:s0] =	ssyncadd.tile.s32 @!p0 $0x1;
	_ =	shalt  }
.Lfunc_end2:
_tile_overlayer_lowered:
.L_overlay_start_2:
0x3d: {  	(tag) =	ssettag $0x2  }
0x3e: {  	s0 =	rddreg [dreg:$0x0];
	s2 =	stileid.u32  }
0x3f: {  	s1 =	rddreg [dreg:$0x1];
	p0 =	sne.s32 s2, $0x0  }
0x40: {  	s3 =	rddreg [dreg:$0x2];
	[bflag:$0x3] =	sbarrier.arrive $0xFFFF;
	s2 =	simm.s32 @!p0 $0x1C02  }
0x41: {  	[timem:s3], [sflag:s2] =	dma.local @!p0 [hbm:s0], s1  }
0x42: {  	s0 =	simm.s32 @!p0 $0x2  }
0x43: {  	_ =	swait.ge @!p0 [sflag:s0], s1  }
0x44: {  	s1 =	ssub.s32 @!p0 $0x0, s1;
	[sflag:s0] =	ssyncset.done @!p0 $0x0  }
0x45: {  	[sflag:s0] =	ssyncadd.s32 @!p0 s1  }
0x46: {  	[bflag:$0x3] =	sbarrier.arrive $0xFFFF  }
0x47: {  	_ =	shalt  }

// kernel: kernel.13.cloned.1.call-start
scs
__scs_entry_jumppad:
0x0: {  	(pc) =	sbr.rel $0x88, $3  }
0x1: {  	(tag) =	ssettag $0x0;
	lr =	simm.s32 $0x1  }
0x2: {  	[smem:$0x3F99] =	sst lr;
	_ =	strace $0xD0000000  }
0x3: {  	_ = 	snop  }
0x4: {  	_ = 	snop  }
0x5: {  	_ = 	snop  }
0x6: {  	_ = 	snop  }
0x7: {  	_ = 	snop  }
__scs_overlays_trampoline_lowered:
0x8: {  	[smem:$0x3FA8] =	sst s0  }
0x9: {  	[smem:$0x3FA9] =	sst s1  }
0xa: {  	[smem:$0x3FAA] =	sst s2  }
0xb: {  	[smem:$0x3FAB] =	sst s3  }
0xc: {  	[smem:$0x3FAC] =	sst s4  }
0xd: {  	[smem:$0x3FAD] =	sst s5  }
0xe: {  	[smem:$0x3FAE] =	sst s6  }
0xf: {  	[smem:$0x3FAF] =	sst s7  }
0x10: {  	[smem:$0x3FB0] =	sst s8  }
0x11: {  	[smem:$0x3FB1] =	sst s9;
	s0 =	simm.s32 @!p0 $0x0  }
0x12: {  	s1 =	sld [smem:$0x3F97];
	s0 =	simm.s32 @p0 $0x1  }
0x13: {  	[smem:$0x3FB2] =	sst s0;
	s0 =	simm.s32 @!p1 $0x0  }
0x14: {  	s2 =	sld [smem:$0x3F96];
	s0 =	simm.s32 @p1 $0x1  }
0x15: {  	[smem:$0x3FB3] =	sst s0;
	s0 =	simm.s32 @!p2 $0x0  }
0x16: {  	s3 =	sld [smem:$0x3FDB];
	s0 =	simm.s32 @p2 $0x1  }
0x17: {  	s4 =	simm.s32 $0x1BF5;
	[smem:$0x3FB5] =	sst s0  }
0x18: {  	s0 =	sld [smem:$0x3F98];
	_ =	swait.ge [sflag:s4], $0x0  }
0x19: {  	s7 =	sld [smem:$0x3F99]  }
0x1a: {  	s8 =	sadd.s32 $0xFFFFE003, lr  }
0x1b: {  	s9 =	sadd.s32 $0xFFFFFEF7, lr;
	s5 =	simm.s32 $0xFFFFFFFF;
	p2 =	slt.u32 s8, $0xFFFFF086  }
0x1c: {  	p1 =	slt.u32 s9, $0xF7A;
	s5 =	simm.s32 @!p2 $0x0  }
0x1d: {  	s5 =	simm.s32 @p1 $0x1;
	p0 =	seq.s32 s7, s2  }
0x1e: {  	s7 =	smul.u32 @!p0 $0xF7A, s2;
	p2 =	seq.s32 @!p0 s5, $0x0  }
0x1f: {  	s9 =	smul.u32 $0xF7A, s1;
	s8 =	simm.s32 @!p0 $0x1BF5;
	p2 =	por !p2, p0  }
0x20: {  	[sflag:s8] =	ssyncset.s32 @!p0 $0xFFFFF086;
	s6 =	sadd.s32 @!p0 s3, s7;
	s7 =	simm.s32 @!p0 $0x108  }
0x21: {  	s3 =	sadd.s32 s3, s9;
	s6 =	sadd.s32 @!p0 $0x88, s6;
	s7 =	simm.s32 @p2 $0x1082  }
0x22: {  	[simem:s7], [sflag:s8] =	dma.local @!p0 [hbm:s6], $0xF7A  }
0x23: {  	s9 =	sor.u32 $0xD0000000, s2;
	s6 =	simm.s32 $0x108;
	_ =	swait.ge @!p0 [sflag:s8], $0x0  }
0x24: {  	s3 =	sadd.s32 $0x88, s3;
	s6 =	simm.s32 @!p1 $0x1082;
	[sflag:s4] =	ssyncset.s32 $0xFFFFF086  }
0x25: {  	[simem:s6], [sflag:s4] =	dma.local [hbm:s3], $0xF7A  }
0x26: {  	[smem:$0x3F99] =	sst s1;
	(tag) =	ssettag s2;
	_ =	strace s9  }
0x27: {  	s1 =	sld [smem:$0x3FA9]  }
0x28: {  	s2 =	sld [smem:$0x3FAA]  }
0x29: {  	s4 =	sld [smem:$0x3FAC]  }
0x2a: {  	p0 =	seq.s32 s5, $0x0;
	s5 =	sld [smem:$0x3FAD]  }
0x2b: {  	s6 =	sld [smem:$0x3FAE]  }
0x2c: {  	s7 =	sld [smem:$0x3FAF]  }
0x2d: {  	s3 =	simm.s32 $0x108;
	s8 =	sld [smem:$0x3FB0]  }
0x2e: {  	s3 =	simm.s32 @!p0 $0x1082;
	s9 =	sld [smem:$0x3FB1]  }
0x2f: {  	lr =	sadd.s32 s0, s3;
	s0 =	sld [smem:$0x3FA8]  }
0x30: {  	s3 =	sld [smem:$0x3FAB]  }
0x31: {  	[smem:$0x3FB4] =	sst s10  }
0x32: {  	s10 =	sld [smem:$0x3FB2];
	_ =	sdelay $0x3  }
0x33: {  	p0 =	seq.s32 s10, $0x1;
	s10 =	sld [smem:$0x3FB4];
	_ =	sdelay $0x3  }
0x34: {  	[smem:$0x3FB4] =	sst s10  }
0x35: {  	s10 =	sld [smem:$0x3FB3];
	_ =	sdelay $0x3  }
0x36: {  	p1 =	seq.s32 s10, $0x1;
	s10 =	sld [smem:$0x3FB4];
	_ =	sdelay $0x3  }
0x37: {  	[smem:$0x3FB4] =	sst s10  }
0x38: {  	s10 =	sld [smem:$0x3FB5]  }
0x39: {  	_ = 	snop;
	(pc) =	sbr.ind lr, $3  }
0x3a: {  	_ = 	snop  }
0x3b: {  	_ = 	snop  }
0x3c: {  	p2 =	seq.s32 s10, $0x1;
	s10 =	sld [smem:$0x3FB4]  }
0x3d: {  	_ =	shalt  }
0x3e: {  	_ =	shalt  }
0x3f: {  	_ =	shalt  }
0x40: {  	_ =	shalt  }
0x41: {  	_ =	shalt  }
0x42: {  	_ =	shalt  }
0x43: {  	_ =	shalt  }
0x44: {  	_ =	shalt  }
0x45: {  	_ =	shalt  }
0x46: {  	_ =	shalt  }
0x47: {  	_ =	shalt  }
0x48: {  	_ =	shalt  }
0x49: {  	_ =	shalt  }
0x4a: {  	_ =	shalt  }
0x4b: {  	_ =	shalt  }
0x4c: {  	_ =	shalt  }
0x4d: {  	_ =	shalt  }
0x4e: {  	_ =	shalt  }
0x4f: {  	_ =	shalt  }
0x50: {  	_ =	shalt  }
0x51: {  	_ =	shalt  }
0x52: {  	_ =	shalt  }
0x53: {  	_ =	shalt  }
0x54: {  	_ =	shalt  }
0x55: {  	_ =	shalt  }
0x56: {  	_ =	shalt  }
0x57: {  	_ =	shalt  }
0x58: {  	_ =	shalt  }
0x59: {  	_ =	shalt  }
0x5a: {  	_ =	shalt  }
0x5b: {  	_ =	shalt  }
0x5c: {  	_ =	shalt  }
0x5d: {  	_ =	shalt  }
0x5e: {  	_ =	shalt  }
0x5f: {  	_ =	shalt  }
0x60: {  	_ =	shalt  }
0x61: {  	_ =	shalt  }
0x62: {  	_ =	shalt  }
0x63: {  	_ =	shalt  }
0x64: {  	_ =	shalt  }
0x65: {  	_ =	shalt  }
0x66: {  	_ =	shalt  }
0x67: {  	_ =	shalt  }
0x68: {  	_ =	shalt  }
0x69: {  	_ =	shalt  }
0x6a: {  	_ =	shalt  }
0x6b: {  	_ =	shalt  }
0x6c: {  	_ =	shalt  }
0x6d: {  	_ =	shalt  }
0x6e: {  	_ =	shalt  }
0x6f: {  	_ =	shalt  }
0x70: {  	_ =	shalt  }
0x71: {  	_ =	shalt  }
0x72: {  	_ =	shalt  }
0x73: {  	_ =	shalt  }
0x74: {  	_ =	shalt  }
0x75: {  	_ =	shalt  }
0x76: {  	_ =	shalt  }
0x77: {  	_ =	shalt  }
0x78: {  	_ =	shalt  }
0x79: {  	_ =	shalt  }
0x7a: {  	_ =	shalt  }
0x7b: {  	_ =	shalt  }
0x7c: {  	_ =	shalt  }
0x7d: {  	_ =	shalt  }
0x7e: {  	_ =	shalt  }
0x7f: {  	_ =	shalt  }
0x80: {  	_ =	shalt  }
0x81: {  	_ =	shalt  }
0x82: {  	_ =	shalt  }
0x83: {  	_ =	shalt  }
0x84: {  	_ =	shalt  }
0x85: {  	_ =	shalt  }
0x86: {  	_ =	shalt  }
0x87: {  	_ =	shalt  }
.Lfunc_end0:
.L_simem_size_0:
called_computation.1_lowered:
.L_overlay_start_0:
0x88: {  	s2 =	sld [smem:$0x3FD9]  }
0x89: {  	s3 =	sld [smem:$0x3FFE];
	_ =	sdelay $0x1  }
0x8a: {  	s1 =	srdreg.scid  }
0x8b: {  	s0 =	sand.u32 $0x1, s1  }
0x8c: {  	s17 =	sshll.u32 s0, $0xA;
	s2 =	sadd.s32 s3, s2  }
0x8d: {  	s2 =	sadd.s32 s2, s17  }
0x8e: {  	[smem:$0x3FC0] =	sst s2  }
0x8f: {  	_ = 	snop  }
0x90: {  	s2 =	sld [smem:$0x3FD0];
	(tm) =	ssettm $0x1  }
0x91: {  	s18 =	sld [smem:$0x3FFB];
	_ =	sdelay $0x3  }
0x92: {  	_ =	strace s18  }
0x93: {  	s3 =	sld [smem:$0x3FFC];
	_ =	sdelay $0x3  }
0x94: {  	_ =	strace s3  }
0x95: {  	s3 =	sld [smem:$0x3FFD];
	_ =	sdelay $0x3  }
0x96: {  	_ =	strace s3  }
0x97: {  	_ =	strace $0x8FFFFFFF  }
0x98: {  	s19 =	sld [smem:$0x3FDB];
	_ =	sdelay $0x1  }
0x99: {  	s4 =	simm.s32 $_scs_section_size  }
0x9a: {  	s5 =	simm.s32 $_size__tile_overlayer_lowered;
	s6 =	simm.s32 $_tile_overlayer_lowered  }
0x9b: {  	s22 =	simm.s32 $0x1BFF;
	s21 =	sshll.u32 s6, $0x1;
	s3 =	sadd.s32 s4, s19  }
0x9c: {  	s7 =	simm.s32 $0x0;
	s20 =	sshll.u32 s5, $0x1;
	s5 =	sadd.s32 s21, s3  }
0x9d: {  	[timem:s7], [sflag:s22] =	dma.local [hbm:s5], s20  }
0x9e: {  	_ =	swait.ge [sflag:s22], s20  }
0x9f: {  	s4 =	ssub.s32 $0x0, s20;
	[sflag:s22] =	ssyncset.done $0x0  }
0xa0: {  	[sflag:s22] =	ssyncadd.s32 s4;
	_ =	sdelay $0x1  }
0xa1: {  	s23 =	simm.s32 $0x1B8B  }
0xa2: {  	_ =	swait.ge [sflag:s23], $0x1  }
0xa3: {  	[sflag:s23] =	ssyncset.done $0x0  }
0xa4: {  	s25 =	simm.s32 $0x1B8E;
	s24 =	sld [smem:$0x3FFE];
	[sflag:s23] =	ssyncadd.s32 $0xFFFFFFFF  }
0xa5: {  	s26 =	simm.s32 $execute0_lowered;
	[smem:$0x3FD2] =	sst s25  }
0xa6: {  	s5 =	sshll.u32 s26, $0x1;
	_ =	strace $0x80000049;
	[dreg:$0x1] =	wrdreg $0xFFFFFFFF  }
0xa7: {  	s28 =	simm.s32 $_size_execute0_lowered;
	s3 =	sadd.s32 s3, s5;
	[dreg:$0x0] =	wrdreg $0x0  }
0xa8: {  	s5 =	sshll.u32 s28, $0x1;
	[dreg:$0x2] =	wrdreg s3  }
0xa9: {  	[dreg:$0x3] =	wrdreg s5  }
0xaa: {  	[dreg:$0x4] =	wrdreg $0xC0  }
0xab: {  	_ =	task [dreg:s7], $0x5FFFF  }
0xac: {  	[dreg:$0x1] =	wrdreg $0xFFFFFFFF  }
0xad: {  	[dreg:$0x0] =	wrdreg $0x60  }
0xae: {  	[dreg:$0x2] =	wrdreg s2  }
0xaf: {  	[dreg:$0x3] =	wrdreg s24  }
0xb0: {  	[dreg:$0x4] =	wrdreg $0x0  }
0xb1: {  	[dreg:$0x5] =	wrdreg $0x9  }
0xb2: {  	_ =	task.clear_ibuf [dreg:s7], $0x6FFFF;
	_ =	strace $0x90000049  }
0xb3: {  	s29 =	simm.s32 $0x9;
	_ =	strace $0x8000004B  }
0xb4: {  	_ =	swait.ge [sflag:s29], $0x1  }
0xb5: {  	[sflag:s29] =	ssyncadd.s32 $0xFFFFFFFF  }
0xb6: {  	_ =	strace $0x9000004B  }
0xb7: {  	_ =	sfence  }
0xb8: {  	s30 =	sld [smem:$0x0];
	_ =	sdelay $0x2  }
0xb9: {  	s31 =	sshll.u32 s1, $0xD;
	s1 =	sshrl.u32 s1, $0x2  }
0xba: {  	s3 =	sand.u32 $0x4000, s31;
	s1 =	sadd.s32 s1, s30  }
0xbb: {  	s0 =	sor.u32 s3, s0;
	s1 =	sshll.u32 s1, $0x11  }
0xbc: {  	s0 =	sor.u32 s1, s0  }
0xbd: {  	s0 =	sadd.s32 $0x8F2B, s0  }
0xbe: {  	[sflag:s0] =	ssyncadd.remote.s32 $0x1  }
0xbf: {  	_ =	sfence.sel $0xFFFF  }
0xc0: {  	[dreg:$0x0] =	wrdreg $0xFFFFFFFF;
	(pc) =	sbr.abs _section_cstart, $3  }
0xc1: {  	[dreg:$0x1] =	wrdreg $0xFFFFFFFF  }
0xc2: {  	_ =	task.clear_ibuf [dreg:s7], $0x2FFFF;
	_ =	strace $0x9FFFFFFF  }
0xc3: {  	(tm) =	ssettm $0x7FFFFFFF  }
tec
execute0_lowered:
.L_overlay_start_1:
0x0: {  	(tag) =	ssettag $0x1  }
0x1: {  	s1 =	rddreg [dreg:$0x0];
	s0 =	srdreg.scid  }
0x2: {  	s2 =	rddreg [dreg:$0x1];
	s12 =	stileid.u32  }
0x3: {  	s3 =	rddreg [dreg:$0x2];
	s4 =	simm.s32 $0x0;
	s28 =	simm.s32 $0x80  }
0x4: {  	s29 =	simm.s32 $0x14000;
	s30 =	simm.s32 $0x18000;
	s31 =	simm.s32 $0x1  }
0x5: {  	s0 =	sand.u32 $0x1, s0;
	s6 =	smul.u32 $0x14000, s12;
	[smem:$0x7FF] =	sst s4  }
0x6: {  	s8 =	sadd.s32 $0xDE00, s2;
	s18 =	sadd.s32 $0x3800, s2;
	s19 =	smul.u32 $0x50000, s12  }
0x7: {  	s9 =	sshll.u32 s12, $0x6;
	p0 =	sgt.u32 s12, $0x1;
	s5 =	smul.u32 $0x140000, s0  }
0x8: {  	_ =	strace $0x8000004A;
	[dreg:$0x4] =	wrdreg s18;
	s20 =	ssub.s32 $0x2, s0  }
0x9: {  	s0 =	sshll.u32 s0, $0x5;
	s26 =	sadd.s32 s9, s8;
	s18 =	simm.s32 $0x8  }
0xa: {  	s7 =	sshrl.u32 s20, $0x1;
	s10 =	sor.u32 s0, s9;
	s16 =	sadd.s32 s0, s26  }
0xb: {  	s26 =	simm.s32 $0x7;
	s0 =	simm.s32 $0x3;
	s5 =	sadd.s32 s6, s5  }
0xc: {  	s11 =	ssub.s32 s20, s7;
	s6 =	sadd.s32 s8, s10;
	s7 =	sor.u32 $0x1C08, s9  }
0xd: {  	s20 =	simm.s32 $0x1C100;
	s8 =	simm.s32 $0x1C180;
	s10 =	sadd.s32 $0x400, s6  }
0xe: {  	s9 =	simm.s32 $0x1C280;
	s21 =	sadd.s32 $0x800, s6;
	[dreg:$0x5] =	wrdreg s10  }
0xf: {  	s5 =	sshrl.u32 s5, $0x3;
	s22 =	sadd.s32 $0xC00, s6;
	[dreg:$0x6] =	wrdreg s21  }
0x10: {  	s23 =	smax.u32 s11, $0x1;
	s24 =	sadd.s32 $0x13000, s6;
	[dreg:$0x7] =	wrdreg s22  }
0x11: {  	s25 =	sadd.s32 $0x13400, s6;
	s15 =	sadd.s32 $0x13800, s6;
	[dreg:$0x9] =	wrdreg s23  }
0x12: {  	s11 =	simm.s32 $0x0;
	s2 =	sadd.s32 s5, s2;
	[dreg:$0xa] =	wrdreg s24  }
0x13: {  	s5 =	sshrl.u32 s19, $0x2;
	[dreg:$0xb] =	wrdreg s25;
	s19 =	simm.s32 $0x1C000  }
0x14: {  	s21 =	simm.s32 $0x1C200;
	s22 =	simm.s32 $0x1C300;
	s23 =	simm.s32 $0x4  }
0x15: {  	s24 =	simm.s32 $0x5;
	s25 =	simm.s32 $0x6;
	s2 =	sadd.s32 $0x21800, s2  }
0x16: {  	s10 =	simm.s32 $0x1C380;
	s5 =	sadd.s32 s5, s3;
	[dreg:$0x8] =	wrdreg s2  }
0x17: {  	s17 =	sshrl.u32 s5, $0x3;
	s2 =	simm.s32 $0x1C080;
	s5 =	simm.s32 $0x2  }
.LBB2_1:
0x18: {  	s12 =	rddreg [dreg:$0x4]  }
0x19: {  	[spmem:s17], [sflag:s7] =	dma.local [hbm:s12], $0x2800  }
0x1a: {  	_ =	swait.ge [sflag:s18], $0x2800  }
0x1b: {  	[sflag:s18] =	ssyncset.done $0x0  }
0x1c: {  	[sflag:s18] =	ssyncadd.s32 $0xFFFFD800  }
0x1d: {  	[tilespmem:s19], [sflag:$0x4] =	stream.linear.gather [hbm4b:s6+s4], $0x100, $0x38;
	[tilespmem:$0x1C400] =	vst v63  }
0x1e: {  	s13 =	rddreg [dreg:$0x5]  }
0x1f: {  	[tilespmem:s20], [sflag:$0x5] =	stream.linear.gather [hbm4b:s13+s4], $0x100, $0x38;
	[tilespmem:$0x1C400] =	vst v63  }
0x20: {  	s14 =	rddreg [dreg:$0x6]  }
0x21: {  	[tilespmem:s21], [sflag:$0x6] =	stream.linear.gather [hbm4b:s14+s4], $0x100, $0x38;
	[tilespmem:$0x1C400] =	vst v63  }
0x22: {  	s13 =	rddreg [dreg:$0x7]  }
0x23: {  	[tilespmem:s22], [sflag:$0x7] =	stream.linear.gather [hbm4b:s13+s4], $0x100, $0x38;
	[tilespmem:$0x1C400] =	vst v63  }
0x24: {  	[bflag:$0x0] =	sbarrier.arrive $0xFFFF  }
0x25: {  	_ =	swait.ge [sflag:s23], $0x100  }
0x26: {  	[sflag:s23] =	ssyncset.done $0x0  }
0x27: {  	[sflag:s23] =	ssyncadd.s32 $0xFFFFFF00  }
0x28: {  	_ =	swait.ge [sflag:s24], $0x100  }
0x29: {  	[sflag:s24] =	ssyncset.done $0x0  }
0x2a: {  	[sflag:s24] =	ssyncadd.s32 $0xFFFFFF00  }
0x2b: {  	_ =	swait.ge [sflag:s25], $0x100  }
0x2c: {  	[sflag:s25] =	ssyncset.done $0x0  }
0x2d: {  	[sflag:s25] =	ssyncadd.s32 $0xFFFFFF00  }
0x2e: {  	_ =	swait.ge [sflag:s26], $0x100  }
0x2f: {  	[sflag:s26] =	ssyncset.done $0x0  }
0x30: {  	[sflag:s26] =	ssyncadd.s32 $0xFFFFFF00  }
0x31: {  	[tilespmem:s29], [sflag:$0x1] =	stream.indirect.gather [hbm4b:s1+s28], $0x80, s19, s28, $0xb8;
	[tilespmem:$0x1C400] =	vst v63  }
0x32: {  	_ = 	snop  }
0x33: {  	[tilespmem:s30], [sflag:$0x2] =	stream.indirect.gather [hbm4b:s1+s28], $0x80, s20, s28, $0xb8;
	[tilespmem:$0x1C400] =	vst v63  }
0x34: {  	_ =	swait.ge [sflag:s31], $0x4000  }
0x35: {  	[sflag:s31] =	ssyncset.done $0x0  }
0x36: {  	[sflag:s31] =	ssyncadd.s32 $0xFFFFC000  }
0x37: {  	[spmem:s3] =	stream.indirect.scatter.add.f32 [tilespmem:s29], [sflag:$0x3], $0x80, s2, s28, $0xb8;
	[tilespmem:$0x1C400] =	vst v63  }
0x38: {  	_ =	swait.ge [sflag:s0], $0x4000  }
0x39: {  	[sflag:s0] =	ssyncset.done $0x0  }
0x3a: {  	[sflag:s0] =	ssyncadd.s32 $0xFFFFC000  }
0x3b: {  	[tilespmem:s29], [sflag:$0x1] =	stream.indirect.gather [hbm4b:s1+s28], $0x80, s21, s28, $0xb8;
	[tilespmem:$0x1C400] =	vst v63  }
0x3c: {  	_ =	swait.ge [sflag:s5], $0x4000  }
0x3d: {  	[sflag:s5] =	ssyncset.done $0x0  }
0x3e: {  	[sflag:s5] =	ssyncadd.s32 $0xFFFFC000  }
0x3f: {  	[spmem:s3] =	stream.indirect.scatter.add.f32 [tilespmem:s30], [sflag:$0x3], $0x80, s8, s28, $0xb8;
	[tilespmem:$0x1C400] =	vst v63  }
0x40: {  	_ =	swait.ge [sflag:s0], $0x4000  }
0x41: {  	[sflag:s0] =	ssyncset.done $0x0  }
0x42: {  	[sflag:s0] =	ssyncadd.s32 $0xFFFFC000  }
0x43: {  	[tilespmem:s30], [sflag:$0x2] =	stream.indirect.gather [hbm4b:s1+s28], $0x80, s22, s28, $0xb8;
	[tilespmem:$0x1C400] =	vst v63  }
0x44: {  	_ =	swait.ge [sflag:s31], $0x4000  }
0x45: {  	[sflag:s31] =	ssyncset.done $0x0  }
0x46: {  	[sflag:s31] =	ssyncadd.s32 $0xFFFFC000  }
0x47: {  	[spmem:s3] =	stream.indirect.scatter.add.f32 [tilespmem:s29], [sflag:$0x3], $0x80, s9, s28, $0xb8;
	[tilespmem:$0x1C400] =	vst v63  }
0x48: {  	_ =	swait.ge [sflag:s0], $0x4000  }
0x49: {  	s13 =	sadd.s32 $0x0, s16;
	[sflag:s0] =	ssyncset.done $0x0  }
0x4a: {  	s14 =	sadd.s32 $0x1000, s13;
	[sflag:s0] =	ssyncadd.s32 $0xFFFFC000  }
0x4b: {  	[tilespmem:s19], [sflag:$0x4] =	stream.linear.gather [hbm4b:s14+s4], $0x100, $0x38;
	[tilespmem:$0x1C400] =	vst v63  }
0x4c: {  	s14 =	sadd.s32 $0x1400, s13  }
0x4d: {  	[tilespmem:s20], [sflag:$0x5] =	stream.linear.gather [hbm4b:s14+s4], $0x100, $0x38;
	[tilespmem:$0x1C400] =	vst v63  }
0x4e: {  	s14 =	sadd.s32 $0x1800, s13  }
0x4f: {  	[tilespmem:s21], [sflag:$0x6] =	stream.linear.gather [hbm4b:s14+s4], $0x100, $0x38;
	[tilespmem:$0x1C400] =	vst v63  }
0x50: {  	_ =	swait.ge [sflag:s5], $0x4000  }
0x51: {  	[sflag:s5] =	ssyncset.done $0x0  }
0x52: {  	[sflag:s5] =	ssyncadd.s32 $0xFFFFC000  }
0x53: {  	[spmem:s3] =	stream.indirect.scatter.add.f32 [tilespmem:s30], [sflag:$0x3], $0x80, s10, s28, $0xb8;
	[tilespmem:$0x1C400] =	vst v63  }
0x54: {  	_ =	swait.ge [sflag:s0], $0x4000  }
0x55: {  	[sflag:s0] =	ssyncset.done $0x0  }
0x56: {  	s12 =	simm.s32 $0x1000;
	s13 =	sadd.s32 $0x1C00, s13;
	[sflag:s0] =	ssyncadd.s32 $0xFFFFC000  }
.LBB2_2:
0x57: {  	[tilespmem:s22], [sflag:$0x7] =	stream.linear.gather [hbm4b:s13+s4], $0x100, $0x38;
	[tilespmem:$0x1C400] =	vst v63  }
0x58: {  	s13 =	smov.u32 s12  }
0x59: {  	p1 =	sne.s32 s12, $0x11000;
	s12 =	sadd.s32 $0x1000, s12;
	_ =	swait.ge [sflag:s23], $0x100  }
0x5a: {  	[sflag:s23] =	ssyncset.done $0x0  }
0x5b: {  	[sflag:s23] =	ssyncadd.s32 $0xFFFFFF00  }
0x5c: {  	_ =	swait.ge [sflag:s24], $0x100  }
0x5d: {  	[sflag:s24] =	ssyncset.done $0x0  }
0x5e: {  	[sflag:s24] =	ssyncadd.s32 $0xFFFFFF00  }
0x5f: {  	_ =	swait.ge [sflag:s25], $0x100  }
0x60: {  	[sflag:s25] =	ssyncset.done $0x0  }
0x61: {  	[sflag:s25] =	ssyncadd.s32 $0xFFFFFF00  }
0x62: {  	_ =	swait.ge [sflag:s26], $0x100  }
0x63: {  	[sflag:s26] =	ssyncset.done $0x0  }
0x64: {  	[sflag:s26] =	ssyncadd.s32 $0xFFFFFF00  }
0x65: {  	[tilespmem:s29], [sflag:$0x1] =	stream.indirect.gather [hbm4b:s1+s28], $0x80, s19, s28, $0xb8;
	[tilespmem:$0x1C400] =	vst v63  }
0x66: {  	_ = 	snop  }
0x67: {  	[tilespmem:s30], [sflag:$0x2] =	stream.indirect.gather [hbm4b:s1+s28], $0x80, s20, s28, $0xb8;
	[tilespmem:$0x1C400] =	vst v63  }
0x68: {  	_ =	swait.ge [sflag:s31], $0x4000  }
0x69: {  	[sflag:s31] =	ssyncset.done $0x0  }
0x6a: {  	[sflag:s31] =	ssyncadd.s32 $0xFFFFC000  }
0x6b: {  	[spmem:s3] =	stream.indirect.scatter.add.f32 [tilespmem:s29], [sflag:$0x3], $0x80, s2, s28, $0xb8;
	[tilespmem:$0x1C400] =	vst v63  }
0x6c: {  	_ =	swait.ge [sflag:s0], $0x4000  }
0x6d: {  	[sflag:s0] =	ssyncset.done $0x0  }
0x6e: {  	[sflag:s0] =	ssyncadd.s32 $0xFFFFC000  }
0x6f: {  	[tilespmem:s29], [sflag:$0x1] =	stream.indirect.gather [hbm4b:s1+s28], $0x80, s21, s28, $0xb8;
	[tilespmem:$0x1C400] =	vst v63  }
0x70: {  	_ =	swait.ge [sflag:s5], $0x4000  }
0x71: {  	[sflag:s5] =	ssyncset.done $0x0  }
0x72: {  	[sflag:s5] =	ssyncadd.s32 $0xFFFFC000  }
0x73: {  	[spmem:s3] =	stream.indirect.scatter.add.f32 [tilespmem:s30], [sflag:$0x3], $0x80, s8, s28, $0xb8;
	[tilespmem:$0x1C400] =	vst v63  }
0x74: {  	_ =	swait.ge [sflag:s0], $0x4000  }
0x75: {  	[sflag:s0] =	ssyncset.done $0x0  }
0x76: {  	[sflag:s0] =	ssyncadd.s32 $0xFFFFC000  }
0x77: {  	[tilespmem:s30], [sflag:$0x2] =	stream.indirect.gather [hbm4b:s1+s28], $0x80, s22, s28, $0xb8;
	[tilespmem:$0x1C400] =	vst v63  }
0x78: {  	_ =	swait.ge [sflag:s31], $0x4000  }
0x79: {  	[sflag:s31] =	ssyncset.done $0x0  }
0x7a: {  	[sflag:s31] =	ssyncadd.s32 $0xFFFFC000  }
0x7b: {  	[spmem:s3] =	stream.indirect.scatter.add.f32 [tilespmem:s29], [sflag:$0x3], $0x80, s9, s28, $0xb8;
	[tilespmem:$0x1C400] =	vst v63  }
0x7c: {  	_ =	swait.ge [sflag:s0], $0x4000  }
0x7d: {  	s13 =	sadd.s32 s13, s16;
	[sflag:s0] =	ssyncset.done $0x0  }
0x7e: {  	s14 =	sadd.s32 $0x1000, s13;
	[sflag:s0] =	ssyncadd.s32 $0xFFFFC000  }
0x7f: {  	[tilespmem:s19], [sflag:$0x4] =	stream.linear.gather [hbm4b:s14+s4], $0x100, $0x38;
	[tilespmem:$0x1C400] =	vst v63  }
0x80: {  	s14 =	sadd.s32 $0x1400, s13  }
0x81: {  	[tilespmem:s20], [sflag:$0x5] =	stream.linear.gather [hbm4b:s14+s4], $0x100, $0x38;
	[tilespmem:$0x1C400] =	vst v63  }
0x82: {  	s14 =	sadd.s32 $0x1800, s13  }
0x83: {  	[tilespmem:s21], [sflag:$0x6] =	stream.linear.gather [hbm4b:s14+s4], $0x100, $0x38;
	[tilespmem:$0x1C400] =	vst v63  }
0x84: {  	_ =	swait.ge [sflag:s5], $0x4000  }
0x85: {  	[sflag:s5] =	ssyncset.done $0x0  }
.Ltmp0:
0x86: {  	[sflag:s5] =	ssyncadd.s32 $0xFFFFC000;
	(pc) =	sbr.rel @p1 .LBB2_2-.Ltmp0, $4  }
0x87: {  	[spmem:s3] =	stream.indirect.scatter.add.f32 [tilespmem:s30], [sflag:$0x3], $0x80, s10, s28, $0xb8;
	[tilespmem:$0x1C400] =	vst v63  }
0x88: {  	_ =	swait.ge [sflag:s0], $0x4000  }
0x89: {  	[sflag:s0] =	ssyncset.done $0x0  }
0x8a: {  	s13 =	sadd.s32 $0x1C00, s13;
	[sflag:s0] =	ssyncadd.s32 $0xFFFFC000  }
0x8b: {  	[tilespmem:s22], [sflag:$0x7] =	stream.linear.gather [hbm4b:s13+s4], $0x100, $0x38;
	[tilespmem:$0x1C400] =	vst v63  }
0x8c: {  	_ =	swait.ge [sflag:s23], $0x100  }
0x8d: {  	[sflag:s23] =	ssyncset.done $0x0  }
0x8e: {  	[sflag:s23] =	ssyncadd.s32 $0xFFFFFF00  }
0x8f: {  	_ =	swait.ge [sflag:s24], $0x100  }
0x90: {  	[sflag:s24] =	ssyncset.done $0x0  }
0x91: {  	[sflag:s24] =	ssyncadd.s32 $0xFFFFFF00  }
0x92: {  	_ =	swait.ge [sflag:s25], $0x100  }
0x93: {  	[sflag:s25] =	ssyncset.done $0x0  }
0x94: {  	[sflag:s25] =	ssyncadd.s32 $0xFFFFFF00  }
0x95: {  	_ =	swait.ge [sflag:s26], $0x100  }
0x96: {  	[sflag:s26] =	ssyncset.done $0x0  }
0x97: {  	[sflag:s26] =	ssyncadd.s32 $0xFFFFFF00  }
0x98: {  	[tilespmem:s29], [sflag:$0x1] =	stream.indirect.gather [hbm4b:s1+s28], $0x80, s19, s28, $0xb8;
	[tilespmem:$0x1C400] =	vst v63  }
0x99: {  	_ = 	snop  }
0x9a: {  	[tilespmem:s30], [sflag:$0x2] =	stream.indirect.gather [hbm4b:s1+s28], $0x80, s20, s28, $0xb8;
	[tilespmem:$0x1C400] =	vst v63  }
0x9b: {  	_ =	swait.ge [sflag:s31], $0x4000  }
0x9c: {  	[sflag:s31] =	ssyncset.done $0x0  }
0x9d: {  	[sflag:s31] =	ssyncadd.s32 $0xFFFFC000  }
0x9e: {  	[spmem:s3] =	stream.indirect.scatter.add.f32 [tilespmem:s29], [sflag:$0x3], $0x80, s2, s28, $0xb8;
	[tilespmem:$0x1C400] =	vst v63  }
0x9f: {  	_ =	swait.ge [sflag:s0], $0x4000  }
0xa0: {  	[sflag:s0] =	ssyncset.done $0x0  }
0xa1: {  	[sflag:s0] =	ssyncadd.s32 $0xFFFFC000  }
0xa2: {  	[tilespmem:s29], [sflag:$0x1] =	stream.indirect.gather [hbm4b:s1+s28], $0x80, s21, s28, $0xb8;
	[tilespmem:$0x1C400] =	vst v63  }
0xa3: {  	_ =	swait.ge [sflag:s5], $0x4000  }
0xa4: {  	[sflag:s5] =	ssyncset.done $0x0  }
0xa5: {  	[sflag:s5] =	ssyncadd.s32 $0xFFFFC000  }
0xa6: {  	[spmem:s3] =	stream.indirect.scatter.add.f32 [tilespmem:s30], [sflag:$0x3], $0x80, s8, s28, $0xb8;
	[tilespmem:$0x1C400] =	vst v63  }
0xa7: {  	_ =	swait.ge [sflag:s0], $0x4000  }
0xa8: {  	[sflag:s0] =	ssyncset.done $0x0  }
0xa9: {  	[sflag:s0] =	ssyncadd.s32 $0xFFFFC000  }
0xaa: {  	[tilespmem:s30], [sflag:$0x2] =	stream.indirect.gather [hbm4b:s1+s28], $0x80, s22, s28, $0xb8;
	[tilespmem:$0x1C400] =	vst v63  }
0xab: {  	_ =	swait.ge [sflag:s31], $0x4000  }
0xac: {  	[sflag:s31] =	ssyncset.done $0x0  }
0xad: {  	[sflag:s31] =	ssyncadd.s32 $0xFFFFC000  }
0xae: {  	[spmem:s3] =	stream.indirect.scatter.add.f32 [tilespmem:s29], [sflag:$0x3], $0x80, s9, s28, $0xb8;
	[tilespmem:$0x1C400] =	vst v63  }
0xaf: {  	_ =	swait.ge [sflag:s0], $0x4000  }
0xb0: {  	[sflag:s0] =	ssyncset.done $0x0  }
0xb1: {  	s12 =	rddreg [dreg:$0xa];
	[sflag:s0] =	ssyncadd.s32 $0xFFFFC000  }
0xb2: {  	[tilespmem:s19], [sflag:$0x4] =	stream.linear.gather [hbm4b:s12+s4], $0x100, $0x38;
	[tilespmem:$0x1C400] =	vst v63  }
0xb3: {  	s14 =	rddreg [dreg:$0xb]  }
0xb4: {  	[tilespmem:s20], [sflag:$0x5] =	stream.linear.gather [hbm4b:s14+s4], $0x100, $0x38;
	[tilespmem:$0x1C400] =	vst v63  }
0xb5: {  	s13 =	simm.s32 @!p0 $0x1C200;
	s12 =	simm.s32 @!p0 $0x0  }
0xb6: {  	[tilespmem:s13], [sflag:$0x6] =	stream.linear.gather @!p0 [hbm4b:s15+s12], $0x100, $0x38;
	[tilespmem:$0x1C400] =	vst v63  }
0xb7: {  	_ =	swait.ge [sflag:s5], $0x4000  }
0xb8: {  	[sflag:s5] =	ssyncset.done $0x0  }
0xb9: {  	[sflag:s5] =	ssyncadd.s32 $0xFFFFC000  }
0xba: {  	[spmem:s3] =	stream.indirect.scatter.add.f32 [tilespmem:s30], [sflag:$0x3], $0x80, s10, s28, $0xb8;
	[tilespmem:$0x1C400] =	vst v63  }
0xbb: {  	_ =	swait.ge [sflag:s0], $0x4000  }
0xbc: {  	[sflag:s0] =	ssyncset.done $0x0  }
0xbd: {  	[sflag:s0] =	ssyncadd.s32 $0xFFFFC000  }
0xbe: {  	_ =	swait.ge [sflag:s23], $0x100  }
0xbf: {  	[sflag:s23] =	ssyncset.done $0x0  }
0xc0: {  	[sflag:s23] =	ssyncadd.s32 $0xFFFFFF00  }
0xc1: {  	_ =	swait.ge [sflag:s24], $0x100  }
0xc2: {  	[sflag:s24] =	ssyncset.done $0x0  }
0xc3: {  	[sflag:s24] =	ssyncadd.s32 $0xFFFFFF00  }
0xc4: {  	[tilespmem:s29], [sflag:$0x1] =	stream.indirect.gather [hbm4b:s1+s28], $0x80, s19, s28, $0xb8;
	[tilespmem:$0x1C400] =	vst v63  }
0xc5: {  	_ = 	snop  }
0xc6: {  	[tilespmem:s30], [sflag:$0x2] =	stream.indirect.gather [hbm4b:s1+s28], $0x80, s20, s28, $0xb8;
	[tilespmem:$0x1C400] =	vst v63  }
0xc7: {  	_ =	swait.ge [sflag:s31], $0x4000  }
0xc8: {  	[sflag:s31] =	ssyncset.done $0x0  }
0xc9: {  	[sflag:s31] =	ssyncadd.s32 $0xFFFFC000  }
0xca: {  	[spmem:s3] =	stream.indirect.scatter.add.f32 [tilespmem:s29], [sflag:$0x3], $0x80, s2, s28, $0xb8;
	[tilespmem:$0x1C400] =	vst v63  }
0xcb: {  	_ =	swait.ge [sflag:s0], $0x4000  }
0xcc: {  	[sflag:s0] =	ssyncset.done $0x0  }
0xcd: {  	[sflag:s0] =	ssyncadd.s32 $0xFFFFC000  }
0xce: {  	_ =	swait.ge [sflag:s5], $0x4000  }
0xcf: {  	[sflag:s5] =	ssyncset.done $0x0  }
0xd0: {  	[sflag:s5] =	ssyncadd.s32 $0xFFFFC000  }
0xd1: {  	[spmem:s3] =	stream.indirect.scatter.add.f32 [tilespmem:s30], [sflag:$0x3], $0x80, s8, s28, $0xb8;
	[tilespmem:$0x1C400] =	vst v63  }
0xd2: {  	_ =	swait.ge [sflag:s0], $0x4000  }
0xd3: {  	[sflag:s0] =	ssyncset.done $0x0  }
0xd4: {  	s12 =	simm.s32 @!p0 $0x6;
	[sflag:s0] =	ssyncadd.s32 $0xFFFFC000  }
0xd5: {  	_ =	swait.ge @!p0 [sflag:s12], $0x100  }
0xd6: {  	[sflag:s12] =	ssyncset.done @!p0 $0x0  }
0xd7: {  	s14 =	simm.s32 @!p0 $0x14000;
	[sflag:s12] =	ssyncadd.s32 @!p0 $0xFFFFFF00;
	s12 =	simm.s32 @!p0 $0x80  }
0xd8: {  	[tilespmem:s14], [sflag:$0x1] =	stream.indirect.gather @!p0 [hbm4b:s1+s12], $0x80, s13, s12, $0xb8;
	[tilespmem:$0x1C400] =	vst v63  }
0xd9: {  	s13 =	simm.s32 @!p0 $0x1  }
0xda: {  	_ =	swait.ge @!p0 [sflag:s13], $0x4000  }
0xdb: {  	[sflag:s13] =	ssyncset.done @!p0 $0x0  }
0xdc: {  	[sflag:s13] =	ssyncadd.s32 @!p0 $0xFFFFC000;
	s13 =	simm.s32 @!p0 $0x1C280  }
0xdd: {  	[spmem:s3] =	stream.indirect.scatter.add.f32 @!p0 [tilespmem:s14], [sflag:$0x3], $0x80, s13, s12, $0xb8;
	[tilespmem:$0x1C400] =	vst v63  }
0xde: {  	s12 =	simm.s32 @!p0 $0x3  }
0xdf: {  	_ =	swait.ge @!p0 [sflag:s12], $0x4000  }
0xe0: {  	[sflag:s12] =	ssyncset.done @!p0 $0x0  }
0xe1: {  	[sflag:s12] =	ssyncadd.s32 @!p0 $0xFFFFC000  }
0xe2: {  	[bflag:$0x0] =	sbarrier.arrive $0xFFFF  }
0xe3: {  	s13 =	rddreg [dreg:$0x8]  }
0xe4: {  	[hbm:s13], [sflag:s7] =	dma.local [spmem:s17], $0x2800  }
0xe5: {  	_ =	swait.ge [sflag:s18], $0x2800  }
0xe6: {  	s11 =	sadd.s32 $0x1, s11;
	s14 =	rddreg [dreg:$0x9]  }
0xe7: {  	p1 =	sne.s32 s11, s14  }
.Ltmp1:
0xe8: {  	_ = 	snop;
	(pc) =	sbr.rel @p1 .LBB2_1-.Ltmp1, $3  }
0xe9: {  	_ =	sdelay $0x1  }
0xea: {  	[sflag:s18] =	ssyncset.done $0x0  }
0xeb: {  	[sflag:s18] =	ssyncadd.s32 $0xFFFFD800  }
0xec: {  	_ =	sfence.sel $0x180000  }
0xed: {  	[bflag:$0x0] =	sbarrier.arrive $0xFFFF  }
0xee: {  	_ =	strace $0x9000004A  }
0xef: {  	s0 =	stileid.u32;
	[bflag:$0x2] =	sbarrier.arrive $0xFFFF  }
0xf0: {  	p0 =	sne.s32 s0, $0x0;
	s0 =	rddreg [dreg:$0x3]  }
0xf1: {  	s0 =	sadd.s32 @!p0 $0x100000, s0  }
0xf2: {  	[sflag:s0] =	ssyncadd.tile.s32 @!p0 $0x1;
	_ =	shalt  }
.Lfunc_end2:
_tile_overlayer_lowered:
.L_overlay_start_2:
0xf3: {  	(tag) =	ssettag $0x2  }
0xf4: {  	s0 =	rddreg [dreg:$0x0];
	s2 =	stileid.u32  }
0xf5: {  	s1 =	rddreg [dreg:$0x1];
	p0 =	sne.s32 s2, $0x0  }
0xf6: {  	s3 =	rddreg [dreg:$0x2];
	[bflag:$0x3] =	sbarrier.arrive $0xFFFF;
	s2 =	simm.s32 @!p0 $0x1C08  }
0xf7: {  	[timem:s3], [sflag:s2] =	dma.local @!p0 [hbm:s0], s1  }
0xf8: {  	s0 =	simm.s32 @!p0 $0x8  }
0xf9: {  	_ =	swait.ge @!p0 [sflag:s0], s1  }
0xfa: {  	s1 =	ssub.s32 @!p0 $0x0, s1;
	[sflag:s0] =	ssyncset.done @!p0 $0x0  }
0xfb: {  	[sflag:s0] =	ssyncadd.s32 @!p0 s1  }
0xfc: {  	[bflag:$0x3] =	sbarrier.arrive $0xFFFF  }
0xfd: {  	_ =	shalt  }

// kernel: kernel.16.cloned.1.call-start
scs
__scs_entry_jumppad:
0x0: {  	(pc) =	sbr.rel $0x88, $3  }
0x1: {  	(tag) =	ssettag $0x0;
	lr =	simm.s32 $0x1  }
0x2: {  	[smem:$0x3F99] =	sst lr;
	_ =	strace $0xD0000000  }
0x3: {  	_ = 	snop  }
0x4: {  	_ = 	snop  }
0x5: {  	_ = 	snop  }
0x6: {  	_ = 	snop  }
0x7: {  	_ = 	snop  }
__scs_overlays_trampoline_lowered:
0x8: {  	[smem:$0x3FA8] =	sst s0  }
0x9: {  	[smem:$0x3FA9] =	sst s1  }
0xa: {  	[smem:$0x3FAA] =	sst s2  }
0xb: {  	[smem:$0x3FAB] =	sst s3  }
0xc: {  	[smem:$0x3FAC] =	sst s4  }
0xd: {  	[smem:$0x3FAD] =	sst s5  }
0xe: {  	[smem:$0x3FAE] =	sst s6  }
0xf: {  	[smem:$0x3FAF] =	sst s7  }
0x10: {  	[smem:$0x3FB0] =	sst s8  }
0x11: {  	[smem:$0x3FB1] =	sst s9;
	s0 =	simm.s32 @!p0 $0x0  }
0x12: {  	s1 =	sld [smem:$0x3F97];
	s0 =	simm.s32 @p0 $0x1  }
0x13: {  	[smem:$0x3FB2] =	sst s0;
	s0 =	simm.s32 @!p1 $0x0  }
0x14: {  	s2 =	sld [smem:$0x3F96];
	s0 =	simm.s32 @p1 $0x1  }
0x15: {  	[smem:$0x3FB3] =	sst s0;
	s0 =	simm.s32 @!p2 $0x0  }
0x16: {  	s3 =	sld [smem:$0x3FDB];
	s0 =	simm.s32 @p2 $0x1  }
0x17: {  	s4 =	simm.s32 $0x1BF5;
	[smem:$0x3FB5] =	sst s0  }
0x18: {  	s0 =	sld [smem:$0x3F98];
	_ =	swait.ge [sflag:s4], $0x0  }
0x19: {  	s7 =	sld [smem:$0x3F99]  }
0x1a: {  	s8 =	sadd.s32 $0xFFFFE003, lr  }
0x1b: {  	s9 =	sadd.s32 $0xFFFFFEF7, lr;
	s5 =	simm.s32 $0xFFFFFFFF;
	p2 =	slt.u32 s8, $0xFFFFF086  }
0x1c: {  	p1 =	slt.u32 s9, $0xF7A;
	s5 =	simm.s32 @!p2 $0x0  }
0x1d: {  	s5 =	simm.s32 @p1 $0x1;
	p0 =	seq.s32 s7, s2  }
0x1e: {  	s7 =	smul.u32 @!p0 $0xF7A, s2;
	p2 =	seq.s32 @!p0 s5, $0x0  }
0x1f: {  	s9 =	smul.u32 $0xF7A, s1;
	s8 =	simm.s32 @!p0 $0x1BF5;
	p2 =	por !p2, p0  }
0x20: {  	[sflag:s8] =	ssyncset.s32 @!p0 $0xFFFFF086;
	s6 =	sadd.s32 @!p0 s3, s7;
	s7 =	simm.s32 @!p0 $0x108  }
0x21: {  	s3 =	sadd.s32 s3, s9;
	s6 =	sadd.s32 @!p0 $0x88, s6;
	s7 =	simm.s32 @p2 $0x1082  }
0x22: {  	[simem:s7], [sflag:s8] =	dma.local @!p0 [hbm:s6], $0xF7A  }
0x23: {  	s9 =	sor.u32 $0xD0000000, s2;
	s6 =	simm.s32 $0x108;
	_ =	swait.ge @!p0 [sflag:s8], $0x0  }
0x24: {  	s3 =	sadd.s32 $0x88, s3;
	s6 =	simm.s32 @!p1 $0x1082;
	[sflag:s4] =	ssyncset.s32 $0xFFFFF086  }
0x25: {  	[simem:s6], [sflag:s4] =	dma.local [hbm:s3], $0xF7A  }
0x26: {  	[smem:$0x3F99] =	sst s1;
	(tag) =	ssettag s2;
	_ =	strace s9  }
0x27: {  	s1 =	sld [smem:$0x3FA9]  }
0x28: {  	s2 =	sld [smem:$0x3FAA]  }
0x29: {  	s4 =	sld [smem:$0x3FAC]  }
0x2a: {  	p0 =	seq.s32 s5, $0x0;
	s5 =	sld [smem:$0x3FAD]  }
0x2b: {  	s6 =	sld [smem:$0x3FAE]  }
0x2c: {  	s7 =	sld [smem:$0x3FAF]  }
0x2d: {  	s3 =	simm.s32 $0x108;
	s8 =	sld [smem:$0x3FB0]  }
0x2e: {  	s3 =	simm.s32 @!p0 $0x1082;
	s9 =	sld [smem:$0x3FB1]  }
0x2f: {  	lr =	sadd.s32 s0, s3;
	s0 =	sld [smem:$0x3FA8]  }
0x30: {  	s3 =	sld [smem:$0x3FAB]  }
0x31: {  	[smem:$0x3FB4] =	sst s10  }
0x32: {  	s10 =	sld [smem:$0x3FB2];
	_ =	sdelay $0x3  }
0x33: {  	p0 =	seq.s32 s10, $0x1;
	s10 =	sld [smem:$0x3FB4];
	_ =	sdelay $0x3  }
0x34: {  	[smem:$0x3FB4] =	sst s10  }
0x35: {  	s10 =	sld [smem:$0x3FB3];
	_ =	sdelay $0x3  }
0x36: {  	p1 =	seq.s32 s10, $0x1;
	s10 =	sld [smem:$0x3FB4];
	_ =	sdelay $0x3  }
0x37: {  	[smem:$0x3FB4] =	sst s10  }
0x38: {  	s10 =	sld [smem:$0x3FB5]  }
0x39: {  	_ = 	snop;
	(pc) =	sbr.ind lr, $3  }
0x3a: {  	_ = 	snop  }
0x3b: {  	_ = 	snop  }
0x3c: {  	p2 =	seq.s32 s10, $0x1;
	s10 =	sld [smem:$0x3FB4]  }
0x3d: {  	_ =	shalt  }
0x3e: {  	_ =	shalt  }
0x3f: {  	_ =	shalt  }
0x40: {  	_ =	shalt  }
0x41: {  	_ =	shalt  }
0x42: {  	_ =	shalt  }
0x43: {  	_ =	shalt  }
0x44: {  	_ =	shalt  }
0x45: {  	_ =	shalt  }
0x46: {  	_ =	shalt  }
0x47: {  	_ =	shalt  }
0x48: {  	_ =	shalt  }
0x49: {  	_ =	shalt  }
0x4a: {  	_ =	shalt  }
0x4b: {  	_ =	shalt  }
0x4c: {  	_ =	shalt  }
0x4d: {  	_ =	shalt  }
0x4e: {  	_ =	shalt  }
0x4f: {  	_ =	shalt  }
0x50: {  	_ =	shalt  }
0x51: {  	_ =	shalt  }
0x52: {  	_ =	shalt  }
0x53: {  	_ =	shalt  }
0x54: {  	_ =	shalt  }
0x55: {  	_ =	shalt  }
0x56: {  	_ =	shalt  }
0x57: {  	_ =	shalt  }
0x58: {  	_ =	shalt  }
0x59: {  	_ =	shalt  }
0x5a: {  	_ =	shalt  }
0x5b: {  	_ =	shalt  }
0x5c: {  	_ =	shalt  }
0x5d: {  	_ =	shalt  }
0x5e: {  	_ =	shalt  }
0x5f: {  	_ =	shalt  }
0x60: {  	_ =	shalt  }
0x61: {  	_ =	shalt  }
0x62: {  	_ =	shalt  }
0x63: {  	_ =	shalt  }
0x64: {  	_ =	shalt  }
0x65: {  	_ =	shalt  }
0x66: {  	_ =	shalt  }
0x67: {  	_ =	shalt  }
0x68: {  	_ =	shalt  }
0x69: {  	_ =	shalt  }
0x6a: {  	_ =	shalt  }
0x6b: {  	_ =	shalt  }
0x6c: {  	_ =	shalt  }
0x6d: {  	_ =	shalt  }
0x6e: {  	_ =	shalt  }
0x6f: {  	_ =	shalt  }
0x70: {  	_ =	shalt  }
0x71: {  	_ =	shalt  }
0x72: {  	_ =	shalt  }
0x73: {  	_ =	shalt  }
0x74: {  	_ =	shalt  }
0x75: {  	_ =	shalt  }
0x76: {  	_ =	shalt  }
0x77: {  	_ =	shalt  }
0x78: {  	_ =	shalt  }
0x79: {  	_ =	shalt  }
0x7a: {  	_ =	shalt  }
0x7b: {  	_ =	shalt  }
0x7c: {  	_ =	shalt  }
0x7d: {  	_ =	shalt  }
0x7e: {  	_ =	shalt  }
0x7f: {  	_ =	shalt  }
0x80: {  	_ =	shalt  }
0x81: {  	_ =	shalt  }
0x82: {  	_ =	shalt  }
0x83: {  	_ =	shalt  }
0x84: {  	_ =	shalt  }
0x85: {  	_ =	shalt  }
0x86: {  	_ =	shalt  }
0x87: {  	_ =	shalt  }
.Lfunc_end0:
.L_simem_size_0:
called_computation.2_lowered:
.L_overlay_start_0:
0x88: {  	s2 =	sld [smem:$0x3FD9]  }
0x89: {  	s3 =	sld [smem:$0x3FFE];
	_ =	sdelay $0x1  }
0x8a: {  	s1 =	srdreg.scid  }
0x8b: {  	s0 =	sand.u32 $0x1, s1  }
0x8c: {  	s17 =	sshll.u32 s0, $0xA;
	s2 =	sadd.s32 s3, s2  }
0x8d: {  	s2 =	sadd.s32 s2, s17  }
0x8e: {  	[smem:$0x3FC0] =	sst s2  }
0x8f: {  	_ = 	snop  }
0x90: {  	s2 =	sld [smem:$0x3FD0];
	(tm) =	ssettm $0x1  }
0x91: {  	s18 =	sld [smem:$0x3FFB];
	_ =	sdelay $0x3  }
0x92: {  	_ =	strace s18  }
0x93: {  	s3 =	sld [smem:$0x3FFC];
	_ =	sdelay $0x3  }
0x94: {  	_ =	strace s3  }
0x95: {  	s3 =	sld [smem:$0x3FFD];
	_ =	sdelay $0x3  }
0x96: {  	_ =	strace s3  }
0x97: {  	_ =	strace $0x8FFFFFFF  }
0x98: {  	s19 =	sld [smem:$0x3FDB];
	_ =	sdelay $0x1  }
0x99: {  	s4 =	simm.s32 $_scs_section_size  }
0x9a: {  	s5 =	simm.s32 $_size__tile_overlayer_lowered;
	s6 =	simm.s32 $_tile_overlayer_lowered  }
0x9b: {  	s22 =	simm.s32 $0x1BFF;
	s21 =	sshll.u32 s6, $0x1;
	s3 =	sadd.s32 s4, s19  }
0x9c: {  	s7 =	simm.s32 $0x0;
	s20 =	sshll.u32 s5, $0x1;
	s5 =	sadd.s32 s21, s3  }
0x9d: {  	[timem:s7], [sflag:s22] =	dma.local [hbm:s5], s20  }
0x9e: {  	_ =	swait.ge [sflag:s22], s20  }
0x9f: {  	s4 =	ssub.s32 $0x0, s20;
	[sflag:s22] =	ssyncset.done $0x0  }
0xa0: {  	[sflag:s22] =	ssyncadd.s32 s4;
	_ =	sdelay $0x1  }
0xa1: {  	s23 =	simm.s32 $0x1B8B  }
0xa2: {  	_ =	swait.ge [sflag:s23], $0x1  }
0xa3: {  	[sflag:s23] =	ssyncset.done $0x0  }
0xa4: {  	s25 =	simm.s32 $0x1B8E;
	s24 =	sld [smem:$0x3FFE];
	[sflag:s23] =	ssyncadd.s32 $0xFFFFFFFF  }
0xa5: {  	s26 =	simm.s32 $execute0_lowered;
	[smem:$0x3FD2] =	sst s25  }
0xa6: {  	s5 =	sshll.u32 s26, $0x1;
	_ =	strace $0x8000004C;
	[dreg:$0x1] =	wrdreg $0xFFFFFFFF  }
0xa7: {  	s28 =	simm.s32 $_size_execute0_lowered;
	s3 =	sadd.s32 s3, s5;
	[dreg:$0x0] =	wrdreg $0x0  }
0xa8: {  	s5 =	sshll.u32 s28, $0x1;
	[dreg:$0x2] =	wrdreg s3  }
0xa9: {  	[dreg:$0x3] =	wrdreg s5  }
0xaa: {  	[dreg:$0x4] =	wrdreg $0xC0  }
0xab: {  	_ =	task [dreg:s7], $0x5FFFF  }
0xac: {  	[dreg:$0x1] =	wrdreg $0xFFFFFFFF  }
0xad: {  	[dreg:$0x0] =	wrdreg $0x60  }
0xae: {  	[dreg:$0x2] =	wrdreg s2  }
0xaf: {  	[dreg:$0x3] =	wrdreg s24  }
0xb0: {  	[dreg:$0x4] =	wrdreg $0x0  }
0xb1: {  	[dreg:$0x5] =	wrdreg $0x9  }
0xb2: {  	_ =	task.clear_ibuf [dreg:s7], $0x6FFFF;
	_ =	strace $0x9000004C  }
0xb3: {  	s29 =	simm.s32 $0x9;
	_ =	strace $0x8000004E  }
0xb4: {  	_ =	swait.ge [sflag:s29], $0x1  }
0xb5: {  	[sflag:s29] =	ssyncadd.s32 $0xFFFFFFFF  }
0xb6: {  	_ =	strace $0x9000004E  }
0xb7: {  	_ =	sfence  }
0xb8: {  	s30 =	sld [smem:$0x0];
	_ =	sdelay $0x2  }
0xb9: {  	s31 =	sshll.u32 s1, $0xD;
	s1 =	sshrl.u32 s1, $0x2  }
0xba: {  	s3 =	sand.u32 $0x4000, s31;
	s1 =	sadd.s32 s1, s30  }
0xbb: {  	s0 =	sor.u32 s3, s0;
	s1 =	sshll.u32 s1, $0x11  }
0xbc: {  	s0 =	sor.u32 s1, s0  }
0xbd: {  	s0 =	sadd.s32 $0x8F2B, s0  }
0xbe: {  	[sflag:s0] =	ssyncadd.remote.s32 $0x1  }
0xbf: {  	_ =	sfence.sel $0xFFFF  }
0xc0: {  	[dreg:$0x0] =	wrdreg $0xFFFFFFFF;
	(pc) =	sbr.abs _section_cstart, $3  }
0xc1: {  	[dreg:$0x1] =	wrdreg $0xFFFFFFFF  }
0xc2: {  	_ =	task.clear_ibuf [dreg:s7], $0x2FFFF;
	_ =	strace $0x9FFFFFFF  }
0xc3: {  	(tm) =	ssettm $0x7FFFFFFF  }
tec
execute0_lowered:
.L_overlay_start_1:
0x0: {  	(tag) =	ssettag $0x1  }
0x1: {  	s1 =	rddreg [dreg:$0x0];
	s0 =	srdreg.scid  }
0x2: {  	s2 =	rddreg [dreg:$0x1];
	s12 =	stileid.u32  }
0x3: {  	s3 =	rddreg [dreg:$0x2];
	s4 =	simm.s32 $0x0;
	s28 =	simm.s32 $0x80  }
0x4: {  	s29 =	simm.s32 $0x14000;
	s30 =	simm.s32 $0x18000;
	s31 =	simm.s32 $0x1  }
0x5: {  	s0 =	sand.u32 $0x1, s0;
	s6 =	smul.u32 $0x14000, s12;
	[smem:$0x7FF] =	sst s4  }
0x6: {  	s8 =	sadd.s32 $0xDE00, s2;
	s18 =	sadd.s32 $0x3800, s2;
	s19 =	smul.u32 $0x50000, s12  }
0x7: {  	s9 =	sshll.u32 s12, $0x6;
	p0 =	sgt.u32 s12, $0x1;
	s5 =	smul.u32 $0x140000, s0  }
0x8: {  	_ =	strace $0x8000004D;
	[dreg:$0x4] =	wrdreg s18;
	s20 =	ssub.s32 $0x2, s0  }
0x9: {  	s0 =	sshll.u32 s0, $0x5;
	s26 =	sadd.s32 s9, s8;
	s18 =	simm.s32 $0x8  }
0xa: {  	s7 =	sshrl.u32 s20, $0x1;
	s10 =	sor.u32 s0, s9;
	s16 =	sadd.s32 s0, s26  }
0xb: {  	s26 =	simm.s32 $0x7;
	s0 =	simm.s32 $0x3;
	s5 =	sadd.s32 s6, s5  }
0xc: {  	s11 =	ssub.s32 s20, s7;
	s6 =	sadd.s32 s8, s10;
	s7 =	sor.u32 $0x1C08, s9  }
0xd: {  	s20 =	simm.s32 $0x1C100;
	s8 =	simm.s32 $0x1C180;
	s10 =	sadd.s32 $0x400, s6  }
0xe: {  	s9 =	simm.s32 $0x1C280;
	s21 =	sadd.s32 $0x800, s6;
	[dreg:$0x5] =	wrdreg s10  }
0xf: {  	s5 =	sshrl.u32 s5, $0x3;
	s22 =	sadd.s32 $0xC00, s6;
	[dreg:$0x6] =	wrdreg s21  }
0x10: {  	s23 =	smax.u32 s11, $0x1;
	s24 =	sadd.s32 $0x13000, s6;
	[dreg:$0x7] =	wrdreg s22  }
0x11: {  	s25 =	sadd.s32 $0x13400, s6;
	s15 =	sadd.s32 $0x13800, s6;
	[dreg:$0x9] =	wrdreg s23  }
0x12: {  	s11 =	simm.s32 $0x0;
	s2 =	sadd.s32 s5, s2;
	[dreg:$0xa] =	wrdreg s24  }
0x13: {  	s5 =	sshrl.u32 s19, $0x2;
	[dreg:$0xb] =	wrdreg s25;
	s19 =	simm.s32 $0x1C000  }
0x14: {  	s21 =	simm.s32 $0x1C200;
	s22 =	simm.s32 $0x1C300;
	s23 =	simm.s32 $0x4  }
0x15: {  	s24 =	simm.s32 $0x5;
	s25 =	simm.s32 $0x6;
	s2 =	sadd.s32 $0x21800, s2  }
0x16: {  	s10 =	simm.s32 $0x1C380;
	s5 =	sadd.s32 s5, s3;
	[dreg:$0x8] =	wrdreg s2  }
0x17: {  	s17 =	sshrl.u32 s5, $0x3;
	s2 =	simm.s32 $0x1C080;
	s5 =	simm.s32 $0x2  }
.LBB2_1:
0x18: {  	s12 =	rddreg [dreg:$0x4]  }
0x19: {  	[spmem:s17], [sflag:s7] =	dma.local [hbm:s12], $0x2800  }
0x1a: {  	_ =	swait.ge [sflag:s18], $0x2800  }
0x1b: {  	[sflag:s18] =	ssyncset.done $0x0  }
0x1c: {  	[sflag:s18] =	ssyncadd.s32 $0xFFFFD800  }
0x1d: {  	[tilespmem:s19], [sflag:$0x4] =	stream.linear.gather [hbm4b:s6+s4], $0x100, $0x38;
	[tilespmem:$0x1C400] =	vst v63  }
0x1e: {  	s13 =	rddreg [dreg:$0x5]  }
0x1f: {  	[tilespmem:s20], [sflag:$0x5] =	stream.linear.gather [hbm4b:s13+s4], $0x100, $0x38;
	[tilespmem:$0x1C400] =	vst v63  }
0x20: {  	s14 =	rddreg [dreg:$0x6]  }
0x21: {  	[tilespmem:s21], [sflag:$0x6] =	stream.linear.gather [hbm4b:s14+s4], $0x100, $0x38;
	[tilespmem:$0x1C400] =	vst v63  }
0x22: {  	s13 =	rddreg [dreg:$0x7]  }
0x23: {  	[tilespmem:s22], [sflag:$0x7] =	stream.linear.gather [hbm4b:s13+s4], $0x100, $0x38;
	[tilespmem:$0x1C400] =	vst v63  }
0x24: {  	[bflag:$0x0] =	sbarrier.arrive $0xFFFF  }
0x25: {  	_ =	swait.ge [sflag:s23], $0x100  }
0x26: {  	[sflag:s23] =	ssyncset.done $0x0  }
0x27: {  	[sflag:s23] =	ssyncadd.s32 $0xFFFFFF00  }
0x28: {  	_ =	swait.ge [sflag:s24], $0x100  }
0x29: {  	[sflag:s24] =	ssyncset.done $0x0  }
0x2a: {  	[sflag:s24] =	ssyncadd.s32 $0xFFFFFF00  }
0x2b: {  	_ =	swait.ge [sflag:s25], $0x100  }
0x2c: {  	[sflag:s25] =	ssyncset.done $0x0  }
0x2d: {  	[sflag:s25] =	ssyncadd.s32 $0xFFFFFF00  }
0x2e: {  	_ =	swait.ge [sflag:s26], $0x100  }
0x2f: {  	[sflag:s26] =	ssyncset.done $0x0  }
0x30: {  	[sflag:s26] =	ssyncadd.s32 $0xFFFFFF00  }
0x31: {  	[tilespmem:s29], [sflag:$0x1] =	stream.indirect.gather [hbm4b:s1+s28], $0x80, s19, s28, $0xb8;
	[tilespmem:$0x1C400] =	vst v63  }
0x32: {  	_ = 	snop  }
0x33: {  	[tilespmem:s30], [sflag:$0x2] =	stream.indirect.gather [hbm4b:s1+s28], $0x80, s20, s28, $0xb8;
	[tilespmem:$0x1C400] =	vst v63  }
0x34: {  	_ =	swait.ge [sflag:s31], $0x4000  }
0x35: {  	[sflag:s31] =	ssyncset.done $0x0  }
0x36: {  	[sflag:s31] =	ssyncadd.s32 $0xFFFFC000  }
0x37: {  	[spmem:s3] =	stream.indirect.scatter.add.f32 [tilespmem:s29], [sflag:$0x3], $0x80, s2, s28, $0xb8;
	[tilespmem:$0x1C400] =	vst v63  }
0x38: {  	_ =	swait.ge [sflag:s0], $0x4000  }
0x39: {  	[sflag:s0] =	ssyncset.done $0x0  }
0x3a: {  	[sflag:s0] =	ssyncadd.s32 $0xFFFFC000  }
0x3b: {  	[tilespmem:s29], [sflag:$0x1] =	stream.indirect.gather [hbm4b:s1+s28], $0x80, s21, s28, $0xb8;
	[tilespmem:$0x1C400] =	vst v63  }
0x3c: {  	_ =	swait.ge [sflag:s5], $0x4000  }
0x3d: {  	[sflag:s5] =	ssyncset.done $0x0  }
0x3e: {  	[sflag:s5] =	ssyncadd.s32 $0xFFFFC000  }
0x3f: {  	[spmem:s3] =	stream.indirect.scatter.add.f32 [tilespmem:s30], [sflag:$0x3], $0x80, s8, s28, $0xb8;
	[tilespmem:$0x1C400] =	vst v63  }
0x40: {  	_ =	swait.ge [sflag:s0], $0x4000  }
0x41: {  	[sflag:s0] =	ssyncset.done $0x0  }
0x42: {  	[sflag:s0] =	ssyncadd.s32 $0xFFFFC000  }
0x43: {  	[tilespmem:s30], [sflag:$0x2] =	stream.indirect.gather [hbm4b:s1+s28], $0x80, s22, s28, $0xb8;
	[tilespmem:$0x1C400] =	vst v63  }
0x44: {  	_ =	swait.ge [sflag:s31], $0x4000  }
0x45: {  	[sflag:s31] =	ssyncset.done $0x0  }
0x46: {  	[sflag:s31] =	ssyncadd.s32 $0xFFFFC000  }
0x47: {  	[spmem:s3] =	stream.indirect.scatter.add.f32 [tilespmem:s29], [sflag:$0x3], $0x80, s9, s28, $0xb8;
	[tilespmem:$0x1C400] =	vst v63  }
0x48: {  	_ =	swait.ge [sflag:s0], $0x4000  }
0x49: {  	s13 =	sadd.s32 $0x0, s16;
	[sflag:s0] =	ssyncset.done $0x0  }
0x4a: {  	s14 =	sadd.s32 $0x1000, s13;
	[sflag:s0] =	ssyncadd.s32 $0xFFFFC000  }
0x4b: {  	[tilespmem:s19], [sflag:$0x4] =	stream.linear.gather [hbm4b:s14+s4], $0x100, $0x38;
	[tilespmem:$0x1C400] =	vst v63  }
0x4c: {  	s14 =	sadd.s32 $0x1400, s13  }
0x4d: {  	[tilespmem:s20], [sflag:$0x5] =	stream.linear.gather [hbm4b:s14+s4], $0x100, $0x38;
	[tilespmem:$0x1C400] =	vst v63  }
0x4e: {  	s14 =	sadd.s32 $0x1800, s13  }
0x4f: {  	[tilespmem:s21], [sflag:$0x6] =	stream.linear.gather [hbm4b:s14+s4], $0x100, $0x38;
	[tilespmem:$0x1C400] =	vst v63  }
0x50: {  	_ =	swait.ge [sflag:s5], $0x4000  }
0x51: {  	[sflag:s5] =	ssyncset.done $0x0  }
0x52: {  	[sflag:s5] =	ssyncadd.s32 $0xFFFFC000  }
0x53: {  	[spmem:s3] =	stream.indirect.scatter.add.f32 [tilespmem:s30], [sflag:$0x3], $0x80, s10, s28, $0xb8;
	[tilespmem:$0x1C400] =	vst v63  }
0x54: {  	_ =	swait.ge [sflag:s0], $0x4000  }
0x55: {  	[sflag:s0] =	ssyncset.done $0x0  }
0x56: {  	s12 =	simm.s32 $0x1000;
	s13 =	sadd.s32 $0x1C00, s13;
	[sflag:s0] =	ssyncadd.s32 $0xFFFFC000  }
.LBB2_2:
0x57: {  	[tilespmem:s22], [sflag:$0x7] =	stream.linear.gather [hbm4b:s13+s4], $0x100, $0x38;
	[tilespmem:$0x1C400] =	vst v63  }
0x58: {  	s13 =	smov.u32 s12  }
0x59: {  	p1 =	sne.s32 s12, $0x11000;
	s12 =	sadd.s32 $0x1000, s12;
	_ =	swait.ge [sflag:s23], $0x100  }
0x5a: {  	[sflag:s23] =	ssyncset.done $0x0  }
0x5b: {  	[sflag:s23] =	ssyncadd.s32 $0xFFFFFF00  }
0x5c: {  	_ =	swait.ge [sflag:s24], $0x100  }
0x5d: {  	[sflag:s24] =	ssyncset.done $0x0  }
0x5e: {  	[sflag:s24] =	ssyncadd.s32 $0xFFFFFF00  }
0x5f: {  	_ =	swait.ge [sflag:s25], $0x100  }
0x60: {  	[sflag:s25] =	ssyncset.done $0x0  }
0x61: {  	[sflag:s25] =	ssyncadd.s32 $0xFFFFFF00  }
0x62: {  	_ =	swait.ge [sflag:s26], $0x100  }
0x63: {  	[sflag:s26] =	ssyncset.done $0x0  }
0x64: {  	[sflag:s26] =	ssyncadd.s32 $0xFFFFFF00  }
0x65: {  	[tilespmem:s29], [sflag:$0x1] =	stream.indirect.gather [hbm4b:s1+s28], $0x80, s19, s28, $0xb8;
	[tilespmem:$0x1C400] =	vst v63  }
0x66: {  	_ = 	snop  }
0x67: {  	[tilespmem:s30], [sflag:$0x2] =	stream.indirect.gather [hbm4b:s1+s28], $0x80, s20, s28, $0xb8;
	[tilespmem:$0x1C400] =	vst v63  }
0x68: {  	_ =	swait.ge [sflag:s31], $0x4000  }
0x69: {  	[sflag:s31] =	ssyncset.done $0x0  }
0x6a: {  	[sflag:s31] =	ssyncadd.s32 $0xFFFFC000  }
0x6b: {  	[spmem:s3] =	stream.indirect.scatter.add.f32 [tilespmem:s29], [sflag:$0x3], $0x80, s2, s28, $0xb8;
	[tilespmem:$0x1C400] =	vst v63  }
0x6c: {  	_ =	swait.ge [sflag:s0], $0x4000  }
0x6d: {  	[sflag:s0] =	ssyncset.done $0x0  }
0x6e: {  	[sflag:s0] =	ssyncadd.s32 $0xFFFFC000  }
0x6f: {  	[tilespmem:s29], [sflag:$0x1] =	stream.indirect.gather [hbm4b:s1+s28], $0x80, s21, s28, $0xb8;
	[tilespmem:$0x1C400] =	vst v63  }
0x70: {  	_ =	swait.ge [sflag:s5], $0x4000  }
0x71: {  	[sflag:s5] =	ssyncset.done $0x0  }
0x72: {  	[sflag:s5] =	ssyncadd.s32 $0xFFFFC000  }
0x73: {  	[spmem:s3] =	stream.indirect.scatter.add.f32 [tilespmem:s30], [sflag:$0x3], $0x80, s8, s28, $0xb8;
	[tilespmem:$0x1C400] =	vst v63  }
0x74: {  	_ =	swait.ge [sflag:s0], $0x4000  }
0x75: {  	[sflag:s0] =	ssyncset.done $0x0  }
0x76: {  	[sflag:s0] =	ssyncadd.s32 $0xFFFFC000  }
0x77: {  	[tilespmem:s30], [sflag:$0x2] =	stream.indirect.gather [hbm4b:s1+s28], $0x80, s22, s28, $0xb8;
	[tilespmem:$0x1C400] =	vst v63  }
0x78: {  	_ =	swait.ge [sflag:s31], $0x4000  }
0x79: {  	[sflag:s31] =	ssyncset.done $0x0  }
0x7a: {  	[sflag:s31] =	ssyncadd.s32 $0xFFFFC000  }
0x7b: {  	[spmem:s3] =	stream.indirect.scatter.add.f32 [tilespmem:s29], [sflag:$0x3], $0x80, s9, s28, $0xb8;
	[tilespmem:$0x1C400] =	vst v63  }
0x7c: {  	_ =	swait.ge [sflag:s0], $0x4000  }
0x7d: {  	s13 =	sadd.s32 s13, s16;
	[sflag:s0] =	ssyncset.done $0x0  }
0x7e: {  	s14 =	sadd.s32 $0x1000, s13;
	[sflag:s0] =	ssyncadd.s32 $0xFFFFC000  }
0x7f: {  	[tilespmem:s19], [sflag:$0x4] =	stream.linear.gather [hbm4b:s14+s4], $0x100, $0x38;
	[tilespmem:$0x1C400] =	vst v63  }
0x80: {  	s14 =	sadd.s32 $0x1400, s13  }
0x81: {  	[tilespmem:s20], [sflag:$0x5] =	stream.linear.gather [hbm4b:s14+s4], $0x100, $0x38;
	[tilespmem:$0x1C400] =	vst v63  }
0x82: {  	s14 =	sadd.s32 $0x1800, s13  }
0x83: {  	[tilespmem:s21], [sflag:$0x6] =	stream.linear.gather [hbm4b:s14+s4], $0x100, $0x38;
	[tilespmem:$0x1C400] =	vst v63  }
0x84: {  	_ =	swait.ge [sflag:s5], $0x4000  }
0x85: {  	[sflag:s5] =	ssyncset.done $0x0  }
.Ltmp0:
0x86: {  	[sflag:s5] =	ssyncadd.s32 $0xFFFFC000;
	(pc) =	sbr.rel @p1 .LBB2_2-.Ltmp0, $4  }
0x87: {  	[spmem:s3] =	stream.indirect.scatter.add.f32 [tilespmem:s30], [sflag:$0x3], $0x80, s10, s28, $0xb8;
	[tilespmem:$0x1C400] =	vst v63  }
0x88: {  	_ =	swait.ge [sflag:s0], $0x4000  }
0x89: {  	[sflag:s0] =	ssyncset.done $0x0  }
0x8a: {  	s13 =	sadd.s32 $0x1C00, s13;
	[sflag:s0] =	ssyncadd.s32 $0xFFFFC000  }
0x8b: {  	[tilespmem:s22], [sflag:$0x7] =	stream.linear.gather [hbm4b:s13+s4], $0x100, $0x38;
	[tilespmem:$0x1C400] =	vst v63  }
0x8c: {  	_ =	swait.ge [sflag:s23], $0x100  }
0x8d: {  	[sflag:s23] =	ssyncset.done $0x0  }
0x8e: {  	[sflag:s23] =	ssyncadd.s32 $0xFFFFFF00  }
0x8f: {  	_ =	swait.ge [sflag:s24], $0x100  }
0x90: {  	[sflag:s24] =	ssyncset.done $0x0  }
0x91: {  	[sflag:s24] =	ssyncadd.s32 $0xFFFFFF00  }
0x92: {  	_ =	swait.ge [sflag:s25], $0x100  }
0x93: {  	[sflag:s25] =	ssyncset.done $0x0  }
0x94: {  	[sflag:s25] =	ssyncadd.s32 $0xFFFFFF00  }
0x95: {  	_ =	swait.ge [sflag:s26], $0x100  }
0x96: {  	[sflag:s26] =	ssyncset.done $0x0  }
0x97: {  	[sflag:s26] =	ssyncadd.s32 $0xFFFFFF00  }
0x98: {  	[tilespmem:s29], [sflag:$0x1] =	stream.indirect.gather [hbm4b:s1+s28], $0x80, s19, s28, $0xb8;
	[tilespmem:$0x1C400] =	vst v63  }
0x99: {  	_ = 	snop  }
0x9a: {  	[tilespmem:s30], [sflag:$0x2] =	stream.indirect.gather [hbm4b:s1+s28], $0x80, s20, s28, $0xb8;
	[tilespmem:$0x1C400] =	vst v63  }
0x9b: {  	_ =	swait.ge [sflag:s31], $0x4000  }
0x9c: {  	[sflag:s31] =	ssyncset.done $0x0  }
0x9d: {  	[sflag:s31] =	ssyncadd.s32 $0xFFFFC000  }
0x9e: {  	[spmem:s3] =	stream.indirect.scatter.add.f32 [tilespmem:s29], [sflag:$0x3], $0x80, s2, s28, $0xb8;
	[tilespmem:$0x1C400] =	vst v63  }
0x9f: {  	_ =	swait.ge [sflag:s0], $0x4000  }
0xa0: {  	[sflag:s0] =	ssyncset.done $0x0  }
0xa1: {  	[sflag:s0] =	ssyncadd.s32 $0xFFFFC000  }
0xa2: {  	[tilespmem:s29], [sflag:$0x1] =	stream.indirect.gather [hbm4b:s1+s28], $0x80, s21, s28, $0xb8;
	[tilespmem:$0x1C400] =	vst v63  }
0xa3: {  	_ =	swait.ge [sflag:s5], $0x4000  }
0xa4: {  	[sflag:s5] =	ssyncset.done $0x0  }
0xa5: {  	[sflag:s5] =	ssyncadd.s32 $0xFFFFC000  }
0xa6: {  	[spmem:s3] =	stream.indirect.scatter.add.f32 [tilespmem:s30], [sflag:$0x3], $0x80, s8, s28, $0xb8;
	[tilespmem:$0x1C400] =	vst v63  }
0xa7: {  	_ =	swait.ge [sflag:s0], $0x4000  }
0xa8: {  	[sflag:s0] =	ssyncset.done $0x0  }
0xa9: {  	[sflag:s0] =	ssyncadd.s32 $0xFFFFC000  }
0xaa: {  	[tilespmem:s30], [sflag:$0x2] =	stream.indirect.gather [hbm4b:s1+s28], $0x80, s22, s28, $0xb8;
	[tilespmem:$0x1C400] =	vst v63  }
0xab: {  	_ =	swait.ge [sflag:s31], $0x4000  }
0xac: {  	[sflag:s31] =	ssyncset.done $0x0  }
0xad: {  	[sflag:s31] =	ssyncadd.s32 $0xFFFFC000  }
0xae: {  	[spmem:s3] =	stream.indirect.scatter.add.f32 [tilespmem:s29], [sflag:$0x3], $0x80, s9, s28, $0xb8;
	[tilespmem:$0x1C400] =	vst v63  }
0xaf: {  	_ =	swait.ge [sflag:s0], $0x4000  }
0xb0: {  	[sflag:s0] =	ssyncset.done $0x0  }
0xb1: {  	s12 =	rddreg [dreg:$0xa];
	[sflag:s0] =	ssyncadd.s32 $0xFFFFC000  }
0xb2: {  	[tilespmem:s19], [sflag:$0x4] =	stream.linear.gather [hbm4b:s12+s4], $0x100, $0x38;
	[tilespmem:$0x1C400] =	vst v63  }
0xb3: {  	s14 =	rddreg [dreg:$0xb]  }
0xb4: {  	[tilespmem:s20], [sflag:$0x5] =	stream.linear.gather [hbm4b:s14+s4], $0x100, $0x38;
	[tilespmem:$0x1C400] =	vst v63  }
0xb5: {  	s13 =	simm.s32 @!p0 $0x1C200;
	s12 =	simm.s32 @!p0 $0x0  }
0xb6: {  	[tilespmem:s13], [sflag:$0x6] =	stream.linear.gather @!p0 [hbm4b:s15+s12], $0x100, $0x38;
	[tilespmem:$0x1C400] =	vst v63  }
0xb7: {  	_ =	swait.ge [sflag:s5], $0x4000  }
0xb8: {  	[sflag:s5] =	ssyncset.done $0x0  }
0xb9: {  	[sflag:s5] =	ssyncadd.s32 $0xFFFFC000  }
0xba: {  	[spmem:s3] =	stream.indirect.scatter.add.f32 [tilespmem:s30], [sflag:$0x3], $0x80, s10, s28, $0xb8;
	[tilespmem:$0x1C400] =	vst v63  }
0xbb: {  	_ =	swait.ge [sflag:s0], $0x4000  }
0xbc: {  	[sflag:s0] =	ssyncset.done $0x0  }
0xbd: {  	[sflag:s0] =	ssyncadd.s32 $0xFFFFC000  }
0xbe: {  	_ =	swait.ge [sflag:s23], $0x100  }
0xbf: {  	[sflag:s23] =	ssyncset.done $0x0  }
0xc0: {  	[sflag:s23] =	ssyncadd.s32 $0xFFFFFF00  }
0xc1: {  	_ =	swait.ge [sflag:s24], $0x100  }
0xc2: {  	[sflag:s24] =	ssyncset.done $0x0  }
0xc3: {  	[sflag:s24] =	ssyncadd.s32 $0xFFFFFF00  }
0xc4: {  	[tilespmem:s29], [sflag:$0x1] =	stream.indirect.gather [hbm4b:s1+s28], $0x80, s19, s28, $0xb8;
	[tilespmem:$0x1C400] =	vst v63  }
0xc5: {  	_ = 	snop  }
0xc6: {  	[tilespmem:s30], [sflag:$0x2] =	stream.indirect.gather [hbm4b:s1+s28], $0x80, s20, s28, $0xb8;
	[tilespmem:$0x1C400] =	vst v63  }
0xc7: {  	_ =	swait.ge [sflag:s31], $0x4000  }
0xc8: {  	[sflag:s31] =	ssyncset.done $0x0  }
0xc9: {  	[sflag:s31] =	ssyncadd.s32 $0xFFFFC000  }
0xca: {  	[spmem:s3] =	stream.indirect.scatter.add.f32 [tilespmem:s29], [sflag:$0x3], $0x80, s2, s28, $0xb8;
	[tilespmem:$0x1C400] =	vst v63  }
0xcb: {  	_ =	swait.ge [sflag:s0], $0x4000  }
0xcc: {  	[sflag:s0] =	ssyncset.done $0x0  }
0xcd: {  	[sflag:s0] =	ssyncadd.s32 $0xFFFFC000  }
0xce: {  	_ =	swait.ge [sflag:s5], $0x4000  }
0xcf: {  	[sflag:s5] =	ssyncset.done $0x0  }
0xd0: {  	[sflag:s5] =	ssyncadd.s32 $0xFFFFC000  }
0xd1: {  	[spmem:s3] =	stream.indirect.scatter.add.f32 [tilespmem:s30], [sflag:$0x3], $0x80, s8, s28, $0xb8;
	[tilespmem:$0x1C400] =	vst v63  }
0xd2: {  	_ =	swait.ge [sflag:s0], $0x4000  }
0xd3: {  	[sflag:s0] =	ssyncset.done $0x0  }
0xd4: {  	s12 =	simm.s32 @!p0 $0x6;
	[sflag:s0] =	ssyncadd.s32 $0xFFFFC000  }
0xd5: {  	_ =	swait.ge @!p0 [sflag:s12], $0x100  }
0xd6: {  	[sflag:s12] =	ssyncset.done @!p0 $0x0  }
0xd7: {  	s14 =	simm.s32 @!p0 $0x14000;
	[sflag:s12] =	ssyncadd.s32 @!p0 $0xFFFFFF00;
	s12 =	simm.s32 @!p0 $0x80  }
0xd8: {  	[tilespmem:s14], [sflag:$0x1] =	stream.indirect.gather @!p0 [hbm4b:s1+s12], $0x80, s13, s12, $0xb8;
	[tilespmem:$0x1C400] =	vst v63  }
0xd9: {  	s13 =	simm.s32 @!p0 $0x1  }
0xda: {  	_ =	swait.ge @!p0 [sflag:s13], $0x4000  }
0xdb: {  	[sflag:s13] =	ssyncset.done @!p0 $0x0  }
0xdc: {  	[sflag:s13] =	ssyncadd.s32 @!p0 $0xFFFFC000;
	s13 =	simm.s32 @!p0 $0x1C280  }
0xdd: {  	[spmem:s3] =	stream.indirect.scatter.add.f32 @!p0 [tilespmem:s14], [sflag:$0x3], $0x80, s13, s12, $0xb8;
	[tilespmem:$0x1C400] =	vst v63  }
0xde: {  	s12 =	simm.s32 @!p0 $0x3  }
0xdf: {  	_ =	swait.ge @!p0 [sflag:s12], $0x4000  }
0xe0: {  	[sflag:s12] =	ssyncset.done @!p0 $0x0  }
0xe1: {  	[sflag:s12] =	ssyncadd.s32 @!p0 $0xFFFFC000  }
0xe2: {  	[bflag:$0x0] =	sbarrier.arrive $0xFFFF  }
0xe3: {  	s13 =	rddreg [dreg:$0x8]  }
0xe4: {  	[hbm:s13], [sflag:s7] =	dma.local [spmem:s17], $0x2800  }
0xe5: {  	_ =	swait.ge [sflag:s18], $0x2800  }
0xe6: {  	s11 =	sadd.s32 $0x1, s11;
	s14 =	rddreg [dreg:$0x9]  }
0xe7: {  	p1 =	sne.s32 s11, s14  }
.Ltmp1:
0xe8: {  	_ = 	snop;
	(pc) =	sbr.rel @p1 .LBB2_1-.Ltmp1, $3  }
0xe9: {  	_ =	sdelay $0x1  }
0xea: {  	[sflag:s18] =	ssyncset.done $0x0  }
0xeb: {  	[sflag:s18] =	ssyncadd.s32 $0xFFFFD800  }
0xec: {  	_ =	sfence.sel $0x180000  }
0xed: {  	[bflag:$0x0] =	sbarrier.arrive $0xFFFF  }
0xee: {  	_ =	strace $0x9000004D  }
0xef: {  	s0 =	stileid.u32;
	[bflag:$0x2] =	sbarrier.arrive $0xFFFF  }
0xf0: {  	p0 =	sne.s32 s0, $0x0;
	s0 =	rddreg [dreg:$0x3]  }
0xf1: {  	s0 =	sadd.s32 @!p0 $0x100000, s0  }
0xf2: {  	[sflag:s0] =	ssyncadd.tile.s32 @!p0 $0x1;
	_ =	shalt  }
.Lfunc_end2:
_tile_overlayer_lowered:
.L_overlay_start_2:
0xf3: {  	(tag) =	ssettag $0x2  }
0xf4: {  	s0 =	rddreg [dreg:$0x0];
	s2 =	stileid.u32  }
0xf5: {  	s1 =	rddreg [dreg:$0x1];
	p0 =	sne.s32 s2, $0x0  }
0xf6: {  	s3 =	rddreg [dreg:$0x2];
	[bflag:$0x3] =	sbarrier.arrive $0xFFFF;
	s2 =	simm.s32 @!p0 $0x1C08  }
0xf7: {  	[timem:s3], [sflag:s2] =	dma.local @!p0 [hbm:s0], s1  }
0xf8: {  	s0 =	simm.s32 @!p0 $0x8  }
0xf9: {  	_ =	swait.ge @!p0 [sflag:s0], s1  }
0xfa: {  	s1 =	ssub.s32 @!p0 $0x0, s1;
	[sflag:s0] =	ssyncset.done @!p0 $0x0  }
0xfb: {  	[sflag:s0] =	ssyncadd.s32 @!p0 s1  }
0xfc: {  	[bflag:$0x3] =	sbarrier.arrive $0xFFFF  }
0xfd: {  	_ =	shalt  }

// kernel: kernel.19.cloned.1.call-start
scs
__scs_entry_jumppad:
0x0: {  	(pc) =	sbr.rel $0x88, $3  }
0x1: {  	(tag) =	ssettag $0x0;
	lr =	simm.s32 $0x1  }
0x2: {  	[smem:$0x3F99] =	sst lr;
	_ =	strace $0xD0000000  }
0x3: {  	_ = 	snop  }
0x4: {  	_ = 	snop  }
0x5: {  	_ = 	snop  }
0x6: {  	_ = 	snop  }
0x7: {  	_ = 	snop  }
__scs_overlays_trampoline_lowered:
0x8: {  	[smem:$0x3FA8] =	sst s0  }
0x9: {  	[smem:$0x3FA9] =	sst s1  }
0xa: {  	[smem:$0x3FAA] =	sst s2  }
0xb: {  	[smem:$0x3FAB] =	sst s3  }
0xc: {  	[smem:$0x3FAC] =	sst s4  }
0xd: {  	[smem:$0x3FAD] =	sst s5  }
0xe: {  	[smem:$0x3FAE] =	sst s6  }
0xf: {  	[smem:$0x3FAF] =	sst s7  }
0x10: {  	[smem:$0x3FB0] =	sst s8  }
0x11: {  	[smem:$0x3FB1] =	sst s9;
	s0 =	simm.s32 @!p0 $0x0  }
0x12: {  	s1 =	sld [smem:$0x3F97];
	s0 =	simm.s32 @p0 $0x1  }
0x13: {  	[smem:$0x3FB2] =	sst s0;
	s0 =	simm.s32 @!p1 $0x0  }
0x14: {  	s2 =	sld [smem:$0x3F96];
	s0 =	simm.s32 @p1 $0x1  }
0x15: {  	[smem:$0x3FB3] =	sst s0;
	s0 =	simm.s32 @!p2 $0x0  }
0x16: {  	s3 =	sld [smem:$0x3FDB];
	s0 =	simm.s32 @p2 $0x1  }
0x17: {  	s4 =	simm.s32 $0x1BF5;
	[smem:$0x3FB5] =	sst s0  }
0x18: {  	s0 =	sld [smem:$0x3F98];
	_ =	swait.ge [sflag:s4], $0x0  }
0x19: {  	s7 =	sld [smem:$0x3F99]  }
0x1a: {  	s8 =	sadd.s32 $0xFFFFE003, lr  }
0x1b: {  	s9 =	sadd.s32 $0xFFFFFEF7, lr;
	s5 =	simm.s32 $0xFFFFFFFF;
	p2 =	slt.u32 s8, $0xFFFFF086  }
0x1c: {  	p1 =	slt.u32 s9, $0xF7A;
	s5 =	simm.s32 @!p2 $0x0  }
0x1d: {  	s5 =	simm.s32 @p1 $0x1;
	p0 =	seq.s32 s7, s2  }
0x1e: {  	s7 =	smul.u32 @!p0 $0xF7A, s2;
	p2 =	seq.s32 @!p0 s5, $0x0  }
0x1f: {  	s9 =	smul.u32 $0xF7A, s1;
	s8 =	simm.s32 @!p0 $0x1BF5;
	p2 =	por !p2, p0  }
0x20: {  	[sflag:s8] =	ssyncset.s32 @!p0 $0xFFFFF086;
	s6 =	sadd.s32 @!p0 s3, s7;
	s7 =	simm.s32 @!p0 $0x108  }
0x21: {  	s3 =	sadd.s32 s3, s9;
	s6 =	sadd.s32 @!p0 $0x88, s6;
	s7 =	simm.s32 @p2 $0x1082  }
0x22: {  	[simem:s7], [sflag:s8] =	dma.local @!p0 [hbm:s6], $0xF7A  }
0x23: {  	s9 =	sor.u32 $0xD0000000, s2;
	s6 =	simm.s32 $0x108;
	_ =	swait.ge @!p0 [sflag:s8], $0x0  }
0x24: {  	s3 =	sadd.s32 $0x88, s3;
	s6 =	simm.s32 @!p1 $0x1082;
	[sflag:s4] =	ssyncset.s32 $0xFFFFF086  }
0x25: {  	[simem:s6], [sflag:s4] =	dma.local [hbm:s3], $0xF7A  }
0x26: {  	[smem:$0x3F99] =	sst s1;
	(tag) =	ssettag s2;
	_ =	strace s9  }
0x27: {  	s1 =	sld [smem:$0x3FA9]  }
0x28: {  	s2 =	sld [smem:$0x3FAA]  }
0x29: {  	s4 =	sld [smem:$0x3FAC]  }
0x2a: {  	p0 =	seq.s32 s5, $0x0;
	s5 =	sld [smem:$0x3FAD]  }
0x2b: {  	s6 =	sld [smem:$0x3FAE]  }
0x2c: {  	s7 =	sld [smem:$0x3FAF]  }
0x2d: {  	s3 =	simm.s32 $0x108;
	s8 =	sld [smem:$0x3FB0]  }
0x2e: {  	s3 =	simm.s32 @!p0 $0x1082;
	s9 =	sld [smem:$0x3FB1]  }
0x2f: {  	lr =	sadd.s32 s0, s3;
	s0 =	sld [smem:$0x3FA8]  }
0x30: {  	s3 =	sld [smem:$0x3FAB]  }
0x31: {  	[smem:$0x3FB4] =	sst s10  }
0x32: {  	s10 =	sld [smem:$0x3FB2];
	_ =	sdelay $0x3  }
0x33: {  	p0 =	seq.s32 s10, $0x1;
	s10 =	sld [smem:$0x3FB4];
	_ =	sdelay $0x3  }
0x34: {  	[smem:$0x3FB4] =	sst s10  }
0x35: {  	s10 =	sld [smem:$0x3FB3];
	_ =	sdelay $0x3  }
0x36: {  	p1 =	seq.s32 s10, $0x1;
	s10 =	sld [smem:$0x3FB4];
	_ =	sdelay $0x3  }
0x37: {  	[smem:$0x3FB4] =	sst s10  }
0x38: {  	s10 =	sld [smem:$0x3FB5]  }
0x39: {  	_ = 	snop;
	(pc) =	sbr.ind lr, $3  }
0x3a: {  	_ = 	snop  }
0x3b: {  	_ = 	snop  }
0x3c: {  	p2 =	seq.s32 s10, $0x1;
	s10 =	sld [smem:$0x3FB4]  }
0x3d: {  	_ =	shalt  }
0x3e: {  	_ =	shalt  }
0x3f: {  	_ =	shalt  }
0x40: {  	_ =	shalt  }
0x41: {  	_ =	shalt  }
0x42: {  	_ =	shalt  }
0x43: {  	_ =	shalt  }
0x44: {  	_ =	shalt  }
0x45: {  	_ =	shalt  }
0x46: {  	_ =	shalt  }
0x47: {  	_ =	shalt  }
0x48: {  	_ =	shalt  }
0x49: {  	_ =	shalt  }
0x4a: {  	_ =	shalt  }
0x4b: {  	_ =	shalt  }
0x4c: {  	_ =	shalt  }
0x4d: {  	_ =	shalt  }
0x4e: {  	_ =	shalt  }
0x4f: {  	_ =	shalt  }
0x50: {  	_ =	shalt  }
0x51: {  	_ =	shalt  }
0x52: {  	_ =	shalt  }
0x53: {  	_ =	shalt  }
0x54: {  	_ =	shalt  }
0x55: {  	_ =	shalt  }
0x56: {  	_ =	shalt  }
0x57: {  	_ =	shalt  }
0x58: {  	_ =	shalt  }
0x59: {  	_ =	shalt  }
0x5a: {  	_ =	shalt  }
0x5b: {  	_ =	shalt  }
0x5c: {  	_ =	shalt  }
0x5d: {  	_ =	shalt  }
0x5e: {  	_ =	shalt  }
0x5f: {  	_ =	shalt  }
0x60: {  	_ =	shalt  }
0x61: {  	_ =	shalt  }
0x62: {  	_ =	shalt  }
0x63: {  	_ =	shalt  }
0x64: {  	_ =	shalt  }
0x65: {  	_ =	shalt  }
0x66: {  	_ =	shalt  }
0x67: {  	_ =	shalt  }
0x68: {  	_ =	shalt  }
0x69: {  	_ =	shalt  }
0x6a: {  	_ =	shalt  }
0x6b: {  	_ =	shalt  }
0x6c: {  	_ =	shalt  }
0x6d: {  	_ =	shalt  }
0x6e: {  	_ =	shalt  }
0x6f: {  	_ =	shalt  }
0x70: {  	_ =	shalt  }
0x71: {  	_ =	shalt  }
0x72: {  	_ =	shalt  }
0x73: {  	_ =	shalt  }
0x74: {  	_ =	shalt  }
0x75: {  	_ =	shalt  }
0x76: {  	_ =	shalt  }
0x77: {  	_ =	shalt  }
0x78: {  	_ =	shalt  }
0x79: {  	_ =	shalt  }
0x7a: {  	_ =	shalt  }
0x7b: {  	_ =	shalt  }
0x7c: {  	_ =	shalt  }
0x7d: {  	_ =	shalt  }
0x7e: {  	_ =	shalt  }
0x7f: {  	_ =	shalt  }
0x80: {  	_ =	shalt  }
0x81: {  	_ =	shalt  }
0x82: {  	_ =	shalt  }
0x83: {  	_ =	shalt  }
0x84: {  	_ =	shalt  }
0x85: {  	_ =	shalt  }
0x86: {  	_ =	shalt  }
0x87: {  	_ =	shalt  }
.Lfunc_end0:
.L_simem_size_0:
called_computation.3_lowered:
.L_overlay_start_0:
0x88: {  	s2 =	sld [smem:$0x3FD9]  }
0x89: {  	s3 =	sld [smem:$0x3FFE];
	_ =	sdelay $0x1  }
0x8a: {  	s1 =	srdreg.scid  }
0x8b: {  	s0 =	sand.u32 $0x1, s1  }
0x8c: {  	s17 =	sshll.u32 s0, $0xA;
	s2 =	sadd.s32 s3, s2  }
0x8d: {  	s2 =	sadd.s32 s2, s17  }
0x8e: {  	[smem:$0x3FC0] =	sst s2  }
0x8f: {  	_ = 	snop  }
0x90: {  	s2 =	sld [smem:$0x3FD0];
	(tm) =	ssettm $0x1  }
0x91: {  	s18 =	sld [smem:$0x3FFB];
	_ =	sdelay $0x3  }
0x92: {  	_ =	strace s18  }
0x93: {  	s3 =	sld [smem:$0x3FFC];
	_ =	sdelay $0x3  }
0x94: {  	_ =	strace s3  }
0x95: {  	s3 =	sld [smem:$0x3FFD];
	_ =	sdelay $0x3  }
0x96: {  	_ =	strace s3  }
0x97: {  	_ =	strace $0x8FFFFFFF  }
0x98: {  	s19 =	sld [smem:$0x3FDB];
	_ =	sdelay $0x1  }
0x99: {  	s4 =	simm.s32 $_scs_section_size  }
0x9a: {  	s5 =	simm.s32 $_size__tile_overlayer_lowered;
	s6 =	simm.s32 $_tile_overlayer_lowered  }
0x9b: {  	s22 =	simm.s32 $0x1BFF;
	s21 =	sshll.u32 s6, $0x1;
	s3 =	sadd.s32 s4, s19  }
0x9c: {  	s7 =	simm.s32 $0x0;
	s20 =	sshll.u32 s5, $0x1;
	s5 =	sadd.s32 s21, s3  }
0x9d: {  	[timem:s7], [sflag:s22] =	dma.local [hbm:s5], s20  }
0x9e: {  	_ =	swait.ge [sflag:s22], s20  }
0x9f: {  	s4 =	ssub.s32 $0x0, s20;
	[sflag:s22] =	ssyncset.done $0x0  }
0xa0: {  	[sflag:s22] =	ssyncadd.s32 s4;
	_ =	sdelay $0x1  }
0xa1: {  	s23 =	simm.s32 $0x1B8B  }
0xa2: {  	_ =	swait.ge [sflag:s23], $0x1  }
0xa3: {  	[sflag:s23] =	ssyncset.done $0x0  }
0xa4: {  	s25 =	simm.s32 $0x1B8E;
	s24 =	sld [smem:$0x3FFE];
	[sflag:s23] =	ssyncadd.s32 $0xFFFFFFFF  }
0xa5: {  	s26 =	simm.s32 $execute0_lowered;
	[smem:$0x3FD2] =	sst s25  }
0xa6: {  	s5 =	sshll.u32 s26, $0x1;
	_ =	strace $0x8000004F;
	[dreg:$0x1] =	wrdreg $0xFFFFFFFF  }
0xa7: {  	s28 =	simm.s32 $_size_execute0_lowered;
	s3 =	sadd.s32 s3, s5;
	[dreg:$0x0] =	wrdreg $0x0  }
0xa8: {  	s5 =	sshll.u32 s28, $0x1;
	[dreg:$0x2] =	wrdreg s3  }
0xa9: {  	[dreg:$0x3] =	wrdreg s5  }
0xaa: {  	[dreg:$0x4] =	wrdreg $0xC0  }
0xab: {  	_ =	task [dreg:s7], $0x5FFFF  }
0xac: {  	[dreg:$0x1] =	wrdreg $0xFFFFFFFF  }
0xad: {  	[dreg:$0x0] =	wrdreg $0x60  }
0xae: {  	[dreg:$0x2] =	wrdreg s2  }
0xaf: {  	[dreg:$0x3] =	wrdreg s24  }
0xb0: {  	[dreg:$0x4] =	wrdreg $0x0  }
0xb1: {  	[dreg:$0x5] =	wrdreg $0x9  }
0xb2: {  	_ =	task.clear_ibuf [dreg:s7], $0x6FFFF;
	_ =	strace $0x9000004F  }
0xb3: {  	s29 =	simm.s32 $0x9;
	_ =	strace $0x80000051  }
0xb4: {  	_ =	swait.ge [sflag:s29], $0x1  }
0xb5: {  	[sflag:s29] =	ssyncadd.s32 $0xFFFFFFFF  }
0xb6: {  	_ =	strace $0x90000051  }
0xb7: {  	_ =	sfence  }
0xb8: {  	s30 =	sld [smem:$0x0];
	_ =	sdelay $0x2  }
0xb9: {  	s31 =	sshll.u32 s1, $0xD;
	s1 =	sshrl.u32 s1, $0x2  }
0xba: {  	s3 =	sand.u32 $0x4000, s31;
	s1 =	sadd.s32 s1, s30  }
0xbb: {  	s0 =	sor.u32 s3, s0;
	s1 =	sshll.u32 s1, $0x11  }
0xbc: {  	s0 =	sor.u32 s1, s0  }
0xbd: {  	s0 =	sadd.s32 $0x8F2B, s0  }
0xbe: {  	[sflag:s0] =	ssyncadd.remote.s32 $0x1  }
0xbf: {  	_ =	sfence.sel $0xFFFF  }
0xc0: {  	[dreg:$0x0] =	wrdreg $0xFFFFFFFF;
	(pc) =	sbr.abs _section_cstart, $3  }
0xc1: {  	[dreg:$0x1] =	wrdreg $0xFFFFFFFF  }
0xc2: {  	_ =	task.clear_ibuf [dreg:s7], $0x2FFFF;
	_ =	strace $0x9FFFFFFF  }
0xc3: {  	(tm) =	ssettm $0x7FFFFFFF  }
tec
execute0_lowered:
.L_overlay_start_1:
0x0: {  	(tag) =	ssettag $0x1  }
0x1: {  	s1 =	rddreg [dreg:$0x0];
	s0 =	srdreg.scid  }
0x2: {  	s2 =	rddreg [dreg:$0x1];
	s12 =	stileid.u32  }
0x3: {  	s3 =	rddreg [dreg:$0x2];
	s4 =	simm.s32 $0x0;
	s28 =	simm.s32 $0x80  }
0x4: {  	s29 =	simm.s32 $0x14000;
	s30 =	simm.s32 $0x18000;
	s31 =	simm.s32 $0x1  }
0x5: {  	s0 =	sand.u32 $0x1, s0;
	s6 =	smul.u32 $0x14000, s12;
	[smem:$0x7FF] =	sst s4  }
0x6: {  	s8 =	sadd.s32 $0xDE00, s2;
	s18 =	sadd.s32 $0x3800, s2;
	s19 =	smul.u32 $0x50000, s12  }
0x7: {  	s9 =	sshll.u32 s12, $0x6;
	p0 =	sgt.u32 s12, $0x1;
	s5 =	smul.u32 $0x140000, s0  }
0x8: {  	_ =	strace $0x80000050;
	[dreg:$0x4] =	wrdreg s18;
	s20 =	ssub.s32 $0x2, s0  }
0x9: {  	s0 =	sshll.u32 s0, $0x5;
	s26 =	sadd.s32 s9, s8;
	s18 =	simm.s32 $0x8  }
0xa: {  	s7 =	sshrl.u32 s20, $0x1;
	s10 =	sor.u32 s0, s9;
	s16 =	sadd.s32 s0, s26  }
0xb: {  	s26 =	simm.s32 $0x7;
	s0 =	simm.s32 $0x3;
	s5 =	sadd.s32 s6, s5  }
0xc: {  	s11 =	ssub.s32 s20, s7;
	s6 =	sadd.s32 s8, s10;
	s7 =	sor.u32 $0x1C08, s9  }
0xd: {  	s20 =	simm.s32 $0x1C100;
	s8 =	simm.s32 $0x1C180;
	s10 =	sadd.s32 $0x400, s6  }
0xe: {  	s9 =	simm.s32 $0x1C280;
	s21 =	sadd.s32 $0x800, s6;
	[dreg:$0x5] =	wrdreg s10  }
0xf: {  	s5 =	sshrl.u32 s5, $0x3;
	s22 =	sadd.s32 $0xC00, s6;
	[dreg:$0x6] =	wrdreg s21  }
0x10: {  	s23 =	smax.u32 s11, $0x1;
	s24 =	sadd.s32 $0x13000, s6;
	[dreg:$0x7] =	wrdreg s22  }
0x11: {  	s25 =	sadd.s32 $0x13400, s6;
	s15 =	sadd.s32 $0x13800, s6;
	[dreg:$0x9] =	wrdreg s23  }
0x12: {  	s11 =	simm.s32 $0x0;
	s2 =	sadd.s32 s5, s2;
	[dreg:$0xa] =	wrdreg s24  }
0x13: {  	s5 =	sshrl.u32 s19, $0x2;
	[dreg:$0xb] =	wrdreg s25;
	s19 =	simm.s32 $0x1C000  }
0x14: {  	s21 =	simm.s32 $0x1C200;
	s22 =	simm.s32 $0x1C300;
	s23 =	simm.s32 $0x4  }
0x15: {  	s24 =	simm.s32 $0x5;
	s25 =	simm.s32 $0x6;
	s2 =	sadd.s32 $0x21800, s2  }
0x16: {  	s10 =	simm.s32 $0x1C380;
	s5 =	sadd.s32 s5, s3;
	[dreg:$0x8] =	wrdreg s2  }
0x17: {  	s17 =	sshrl.u32 s5, $0x3;
	s2 =	simm.s32 $0x1C080;
	s5 =	simm.s32 $0x2  }
.LBB2_1:
0x18: {  	s12 =	rddreg [dreg:$0x4]  }
0x19: {  	[spmem:s17], [sflag:s7] =	dma.local [hbm:s12], $0x2800  }
0x1a: {  	_ =	swait.ge [sflag:s18], $0x2800  }
0x1b: {  	[sflag:s18] =	ssyncset.done $0x0  }
0x1c: {  	[sflag:s18] =	ssyncadd.s32 $0xFFFFD800  }
0x1d: {  	[tilespmem:s19], [sflag:$0x4] =	stream.linear.gather [hbm4b:s6+s4], $0x100, $0x38;
	[tilespmem:$0x1C400] =	vst v63  }
0x1e: {  	s13 =	rddreg [dreg:$0x5]  }
0x1f: {  	[tilespmem:s20], [sflag:$0x5] =	stream.linear.gather [hbm4b:s13+s4], $0x100, $0x38;
	[tilespmem:$0x1C400] =	vst v63  }
0x20: {  	s14 =	rddreg [dreg:$0x6]  }
0x21: {  	[tilespmem:s21], [sflag:$0x6] =	stream.linear.gather [hbm4b:s14+s4], $0x100, $0x38;
	[tilespmem:$0x1C400] =	vst v63  }
0x22: {  	s13 =	rddreg [dreg:$0x7]  }
0x23: {  	[tilespmem:s22], [sflag:$0x7] =	stream.linear.gather [hbm4b:s13+s4], $0x100, $0x38;
	[tilespmem:$0x1C400] =	vst v63  }
0x24: {  	[bflag:$0x0] =	sbarrier.arrive $0xFFFF  }
0x25: {  	_ =	swait.ge [sflag:s23], $0x100  }
0x26: {  	[sflag:s23] =	ssyncset.done $0x0  }
0x27: {  	[sflag:s23] =	ssyncadd.s32 $0xFFFFFF00  }
0x28: {  	_ =	swait.ge [sflag:s24], $0x100  }
0x29: {  	[sflag:s24] =	ssyncset.done $0x0  }
0x2a: {  	[sflag:s24] =	ssyncadd.s32 $0xFFFFFF00  }
0x2b: {  	_ =	swait.ge [sflag:s25], $0x100  }
0x2c: {  	[sflag:s25] =	ssyncset.done $0x0  }
0x2d: {  	[sflag:s25] =	ssyncadd.s32 $0xFFFFFF00  }
0x2e: {  	_ =	swait.ge [sflag:s26], $0x100  }
0x2f: {  	[sflag:s26] =	ssyncset.done $0x0  }
0x30: {  	[sflag:s26] =	ssyncadd.s32 $0xFFFFFF00  }
0x31: {  	[tilespmem:s29], [sflag:$0x1] =	stream.indirect.gather [hbm4b:s1+s28], $0x80, s19, s28, $0xb8;
	[tilespmem:$0x1C400] =	vst v63  }
0x32: {  	_ = 	snop  }
0x33: {  	[tilespmem:s30], [sflag:$0x2] =	stream.indirect.gather [hbm4b:s1+s28], $0x80, s20, s28, $0xb8;
	[tilespmem:$0x1C400] =	vst v63  }
0x34: {  	_ =	swait.ge [sflag:s31], $0x4000  }
0x35: {  	[sflag:s31] =	ssyncset.done $0x0  }
0x36: {  	[sflag:s31] =	ssyncadd.s32 $0xFFFFC000  }
0x37: {  	[spmem:s3] =	stream.indirect.scatter.add.f32 [tilespmem:s29], [sflag:$0x3], $0x80, s2, s28, $0xb8;
	[tilespmem:$0x1C400] =	vst v63  }
0x38: {  	_ =	swait.ge [sflag:s0], $0x4000  }
0x39: {  	[sflag:s0] =	ssyncset.done $0x0  }
0x3a: {  	[sflag:s0] =	ssyncadd.s32 $0xFFFFC000  }
0x3b: {  	[tilespmem:s29], [sflag:$0x1] =	stream.indirect.gather [hbm4b:s1+s28], $0x80, s21, s28, $0xb8;
	[tilespmem:$0x1C400] =	vst v63  }
0x3c: {  	_ =	swait.ge [sflag:s5], $0x4000  }
0x3d: {  	[sflag:s5] =	ssyncset.done $0x0  }
0x3e: {  	[sflag:s5] =	ssyncadd.s32 $0xFFFFC000  }
0x3f: {  	[spmem:s3] =	stream.indirect.scatter.add.f32 [tilespmem:s30], [sflag:$0x3], $0x80, s8, s28, $0xb8;
	[tilespmem:$0x1C400] =	vst v63  }
0x40: {  	_ =	swait.ge [sflag:s0], $0x4000  }
0x41: {  	[sflag:s0] =	ssyncset.done $0x0  }
0x42: {  	[sflag:s0] =	ssyncadd.s32 $0xFFFFC000  }
0x43: {  	[tilespmem:s30], [sflag:$0x2] =	stream.indirect.gather [hbm4b:s1+s28], $0x80, s22, s28, $0xb8;
	[tilespmem:$0x1C400] =	vst v63  }
0x44: {  	_ =	swait.ge [sflag:s31], $0x4000  }
0x45: {  	[sflag:s31] =	ssyncset.done $0x0  }
0x46: {  	[sflag:s31] =	ssyncadd.s32 $0xFFFFC000  }
0x47: {  	[spmem:s3] =	stream.indirect.scatter.add.f32 [tilespmem:s29], [sflag:$0x3], $0x80, s9, s28, $0xb8;
	[tilespmem:$0x1C400] =	vst v63  }
0x48: {  	_ =	swait.ge [sflag:s0], $0x4000  }
0x49: {  	s13 =	sadd.s32 $0x0, s16;
	[sflag:s0] =	ssyncset.done $0x0  }
0x4a: {  	s14 =	sadd.s32 $0x1000, s13;
	[sflag:s0] =	ssyncadd.s32 $0xFFFFC000  }
0x4b: {  	[tilespmem:s19], [sflag:$0x4] =	stream.linear.gather [hbm4b:s14+s4], $0x100, $0x38;
	[tilespmem:$0x1C400] =	vst v63  }
0x4c: {  	s14 =	sadd.s32 $0x1400, s13  }
0x4d: {  	[tilespmem:s20], [sflag:$0x5] =	stream.linear.gather [hbm4b:s14+s4], $0x100, $0x38;
	[tilespmem:$0x1C400] =	vst v63  }
0x4e: {  	s14 =	sadd.s32 $0x1800, s13  }
0x4f: {  	[tilespmem:s21], [sflag:$0x6] =	stream.linear.gather [hbm4b:s14+s4], $0x100, $0x38;
	[tilespmem:$0x1C400] =	vst v63  }
0x50: {  	_ =	swait.ge [sflag:s5], $0x4000  }
0x51: {  	[sflag:s5] =	ssyncset.done $0x0  }
0x52: {  	[sflag:s5] =	ssyncadd.s32 $0xFFFFC000  }
0x53: {  	[spmem:s3] =	stream.indirect.scatter.add.f32 [tilespmem:s30], [sflag:$0x3], $0x80, s10, s28, $0xb8;
	[tilespmem:$0x1C400] =	vst v63  }
0x54: {  	_ =	swait.ge [sflag:s0], $0x4000  }
0x55: {  	[sflag:s0] =	ssyncset.done $0x0  }
0x56: {  	s12 =	simm.s32 $0x1000;
	s13 =	sadd.s32 $0x1C00, s13;
	[sflag:s0] =	ssyncadd.s32 $0xFFFFC000  }
.LBB2_2:
0x57: {  	[tilespmem:s22], [sflag:$0x7] =	stream.linear.gather [hbm4b:s13+s4], $0x100, $0x38;
	[tilespmem:$0x1C400] =	vst v63  }
0x58: {  	s13 =	smov.u32 s12  }
0x59: {  	p1 =	sne.s32 s12, $0x11000;
	s12 =	sadd.s32 $0x1000, s12;
	_ =	swait.ge [sflag:s23], $0x100  }
0x5a: {  	[sflag:s23] =	ssyncset.done $0x0  }
0x5b: {  	[sflag:s23] =	ssyncadd.s32 $0xFFFFFF00  }
0x5c: {  	_ =	swait.ge [sflag:s24], $0x100  }
0x5d: {  	[sflag:s24] =	ssyncset.done $0x0  }
0x5e: {  	[sflag:s24] =	ssyncadd.s32 $0xFFFFFF00  }
0x5f: {  	_ =	swait.ge [sflag:s25], $0x100  }
0x60: {  	[sflag:s25] =	ssyncset.done $0x0  }
0x61: {  	[sflag:s25] =	ssyncadd.s32 $0xFFFFFF00  }
0x62: {  	_ =	swait.ge [sflag:s26], $0x100  }
0x63: {  	[sflag:s26] =	ssyncset.done $0x0  }
0x64: {  	[sflag:s26] =	ssyncadd.s32 $0xFFFFFF00  }
0x65: {  	[tilespmem:s29], [sflag:$0x1] =	stream.indirect.gather [hbm4b:s1+s28], $0x80, s19, s28, $0xb8;
	[tilespmem:$0x1C400] =	vst v63  }
0x66: {  	_ = 	snop  }
0x67: {  	[tilespmem:s30], [sflag:$0x2] =	stream.indirect.gather [hbm4b:s1+s28], $0x80, s20, s28, $0xb8;
	[tilespmem:$0x1C400] =	vst v63  }
0x68: {  	_ =	swait.ge [sflag:s31], $0x4000  }
0x69: {  	[sflag:s31] =	ssyncset.done $0x0  }
0x6a: {  	[sflag:s31] =	ssyncadd.s32 $0xFFFFC000  }
0x6b: {  	[spmem:s3] =	stream.indirect.scatter.add.f32 [tilespmem:s29], [sflag:$0x3], $0x80, s2, s28, $0xb8;
	[tilespmem:$0x1C400] =	vst v63  }
0x6c: {  	_ =	swait.ge [sflag:s0], $0x4000  }
0x6d: {  	[sflag:s0] =	ssyncset.done $0x0  }
0x6e: {  	[sflag:s0] =	ssyncadd.s32 $0xFFFFC000  }
0x6f: {  	[tilespmem:s29], [sflag:$0x1] =	stream.indirect.gather [hbm4b:s1+s28], $0x80, s21, s28, $0xb8;
	[tilespmem:$0x1C400] =	vst v63  }
0x70: {  	_ =	swait.ge [sflag:s5], $0x4000  }
0x71: {  	[sflag:s5] =	ssyncset.done $0x0  }
0x72: {  	[sflag:s5] =	ssyncadd.s32 $0xFFFFC000  }
0x73: {  	[spmem:s3] =	stream.indirect.scatter.add.f32 [tilespmem:s30], [sflag:$0x3], $0x80, s8, s28, $0xb8;
	[tilespmem:$0x1C400] =	vst v63  }
0x74: {  	_ =	swait.ge [sflag:s0], $0x4000  }
0x75: {  	[sflag:s0] =	ssyncset.done $0x0  }
0x76: {  	[sflag:s0] =	ssyncadd.s32 $0xFFFFC000  }
0x77: {  	[tilespmem:s30], [sflag:$0x2] =	stream.indirect.gather [hbm4b:s1+s28], $0x80, s22, s28, $0xb8;
	[tilespmem:$0x1C400] =	vst v63  }
0x78: {  	_ =	swait.ge [sflag:s31], $0x4000  }
0x79: {  	[sflag:s31] =	ssyncset.done $0x0  }
0x7a: {  	[sflag:s31] =	ssyncadd.s32 $0xFFFFC000  }
0x7b: {  	[spmem:s3] =	stream.indirect.scatter.add.f32 [tilespmem:s29], [sflag:$0x3], $0x80, s9, s28, $0xb8;
	[tilespmem:$0x1C400] =	vst v63  }
0x7c: {  	_ =	swait.ge [sflag:s0], $0x4000  }
0x7d: {  	s13 =	sadd.s32 s13, s16;
	[sflag:s0] =	ssyncset.done $0x0  }
0x7e: {  	s14 =	sadd.s32 $0x1000, s13;
	[sflag:s0] =	ssyncadd.s32 $0xFFFFC000  }
0x7f: {  	[tilespmem:s19], [sflag:$0x4] =	stream.linear.gather [hbm4b:s14+s4], $0x100, $0x38;
	[tilespmem:$0x1C400] =	vst v63  }
0x80: {  	s14 =	sadd.s32 $0x1400, s13  }
0x81: {  	[tilespmem:s20], [sflag:$0x5] =	stream.linear.gather [hbm4b:s14+s4], $0x100, $0x38;
	[tilespmem:$0x1C400] =	vst v63  }
0x82: {  	s14 =	sadd.s32 $0x1800, s13  }
0x83: {  	[tilespmem:s21], [sflag:$0x6] =	stream.linear.gather [hbm4b:s14+s4], $0x100, $0x38;
	[tilespmem:$0x1C400] =	vst v63  }
0x84: {  	_ =	swait.ge [sflag:s5], $0x4000  }
0x85: {  	[sflag:s5] =	ssyncset.done $0x0  }
.Ltmp0:
0x86: {  	[sflag:s5] =	ssyncadd.s32 $0xFFFFC000;
	(pc) =	sbr.rel @p1 .LBB2_2-.Ltmp0, $4  }
0x87: {  	[spmem:s3] =	stream.indirect.scatter.add.f32 [tilespmem:s30], [sflag:$0x3], $0x80, s10, s28, $0xb8;
	[tilespmem:$0x1C400] =	vst v63  }
0x88: {  	_ =	swait.ge [sflag:s0], $0x4000  }
0x89: {  	[sflag:s0] =	ssyncset.done $0x0  }
0x8a: {  	s13 =	sadd.s32 $0x1C00, s13;
	[sflag:s0] =	ssyncadd.s32 $0xFFFFC000  }
0x8b: {  	[tilespmem:s22], [sflag:$0x7] =	stream.linear.gather [hbm4b:s13+s4], $0x100, $0x38;
	[tilespmem:$0x1C400] =	vst v63  }
0x8c: {  	_ =	swait.ge [sflag:s23], $0x100  }
0x8d: {  	[sflag:s23] =	ssyncset.done $0x0  }
0x8e: {  	[sflag:s23] =	ssyncadd.s32 $0xFFFFFF00  }
0x8f: {  	_ =	swait.ge [sflag:s24], $0x100  }
0x90: {  	[sflag:s24] =	ssyncset.done $0x0  }
0x91: {  	[sflag:s24] =	ssyncadd.s32 $0xFFFFFF00  }
0x92: {  	_ =	swait.ge [sflag:s25], $0x100  }
0x93: {  	[sflag:s25] =	ssyncset.done $0x0  }
0x94: {  	[sflag:s25] =	ssyncadd.s32 $0xFFFFFF00  }
0x95: {  	_ =	swait.ge [sflag:s26], $0x100  }
0x96: {  	[sflag:s26] =	ssyncset.done $0x0  }
0x97: {  	[sflag:s26] =	ssyncadd.s32 $0xFFFFFF00  }
0x98: {  	[tilespmem:s29], [sflag:$0x1] =	stream.indirect.gather [hbm4b:s1+s28], $0x80, s19, s28, $0xb8;
	[tilespmem:$0x1C400] =	vst v63  }
0x99: {  	_ = 	snop  }
0x9a: {  	[tilespmem:s30], [sflag:$0x2] =	stream.indirect.gather [hbm4b:s1+s28], $0x80, s20, s28, $0xb8;
	[tilespmem:$0x1C400] =	vst v63  }
0x9b: {  	_ =	swait.ge [sflag:s31], $0x4000  }
0x9c: {  	[sflag:s31] =	ssyncset.done $0x0  }
0x9d: {  	[sflag:s31] =	ssyncadd.s32 $0xFFFFC000  }
0x9e: {  	[spmem:s3] =	stream.indirect.scatter.add.f32 [tilespmem:s29], [sflag:$0x3], $0x80, s2, s28, $0xb8;
	[tilespmem:$0x1C400] =	vst v63  }
0x9f: {  	_ =	swait.ge [sflag:s0], $0x4000  }
0xa0: {  	[sflag:s0] =	ssyncset.done $0x0  }
0xa1: {  	[sflag:s0] =	ssyncadd.s32 $0xFFFFC000  }
0xa2: {  	[tilespmem:s29], [sflag:$0x1] =	stream.indirect.gather [hbm4b:s1+s28], $0x80, s21, s28, $0xb8;
	[tilespmem:$0x1C400] =	vst v63  }
0xa3: {  	_ =	swait.ge [sflag:s5], $0x4000  }
0xa4: {  	[sflag:s5] =	ssyncset.done $0x0  }
0xa5: {  	[sflag:s5] =	ssyncadd.s32 $0xFFFFC000  }
0xa6: {  	[spmem:s3] =	stream.indirect.scatter.add.f32 [tilespmem:s30], [sflag:$0x3], $0x80, s8, s28, $0xb8;
	[tilespmem:$0x1C400] =	vst v63  }
0xa7: {  	_ =	swait.ge [sflag:s0], $0x4000  }
0xa8: {  	[sflag:s0] =	ssyncset.done $0x0  }
0xa9: {  	[sflag:s0] =	ssyncadd.s32 $0xFFFFC000  }
0xaa: {  	[tilespmem:s30], [sflag:$0x2] =	stream.indirect.gather [hbm4b:s1+s28], $0x80, s22, s28, $0xb8;
	[tilespmem:$0x1C400] =	vst v63  }
0xab: {  	_ =	swait.ge [sflag:s31], $0x4000  }
0xac: {  	[sflag:s31] =	ssyncset.done $0x0  }
0xad: {  	[sflag:s31] =	ssyncadd.s32 $0xFFFFC000  }
0xae: {  	[spmem:s3] =	stream.indirect.scatter.add.f32 [tilespmem:s29], [sflag:$0x3], $0x80, s9, s28, $0xb8;
	[tilespmem:$0x1C400] =	vst v63  }
0xaf: {  	_ =	swait.ge [sflag:s0], $0x4000  }
0xb0: {  	[sflag:s0] =	ssyncset.done $0x0  }
0xb1: {  	s12 =	rddreg [dreg:$0xa];
	[sflag:s0] =	ssyncadd.s32 $0xFFFFC000  }
0xb2: {  	[tilespmem:s19], [sflag:$0x4] =	stream.linear.gather [hbm4b:s12+s4], $0x100, $0x38;
	[tilespmem:$0x1C400] =	vst v63  }
0xb3: {  	s14 =	rddreg [dreg:$0xb]  }
0xb4: {  	[tilespmem:s20], [sflag:$0x5] =	stream.linear.gather [hbm4b:s14+s4], $0x100, $0x38;
	[tilespmem:$0x1C400] =	vst v63  }
0xb5: {  	s13 =	simm.s32 @!p0 $0x1C200;
	s12 =	simm.s32 @!p0 $0x0  }
0xb6: {  	[tilespmem:s13], [sflag:$0x6] =	stream.linear.gather @!p0 [hbm4b:s15+s12], $0x100, $0x38;
	[tilespmem:$0x1C400] =	vst v63  }
0xb7: {  	_ =	swait.ge [sflag:s5], $0x4000  }
0xb8: {  	[sflag:s5] =	ssyncset.done $0x0  }
0xb9: {  	[sflag:s5] =	ssyncadd.s32 $0xFFFFC000  }
0xba: {  	[spmem:s3] =	stream.indirect.scatter.add.f32 [tilespmem:s30], [sflag:$0x3], $0x80, s10, s28, $0xb8;
	[tilespmem:$0x1C400] =	vst v63  }
0xbb: {  	_ =	swait.ge [sflag:s0], $0x4000  }
0xbc: {  	[sflag:s0] =	ssyncset.done $0x0  }
0xbd: {  	[sflag:s0] =	ssyncadd.s32 $0xFFFFC000  }
0xbe: {  	_ =	swait.ge [sflag:s23], $0x100  }
0xbf: {  	[sflag:s23] =	ssyncset.done $0x0  }
0xc0: {  	[sflag:s23] =	ssyncadd.s32 $0xFFFFFF00  }
0xc1: {  	_ =	swait.ge [sflag:s24], $0x100  }
0xc2: {  	[sflag:s24] =	ssyncset.done $0x0  }
0xc3: {  	[sflag:s24] =	ssyncadd.s32 $0xFFFFFF00  }
0xc4: {  	[tilespmem:s29], [sflag:$0x1] =	stream.indirect.gather [hbm4b:s1+s28], $0x80, s19, s28, $0xb8;
	[tilespmem:$0x1C400] =	vst v63  }
0xc5: {  	_ = 	snop  }
0xc6: {  	[tilespmem:s30], [sflag:$0x2] =	stream.indirect.gather [hbm4b:s1+s28], $0x80, s20, s28, $0xb8;
	[tilespmem:$0x1C400] =	vst v63  }
0xc7: {  	_ =	swait.ge [sflag:s31], $0x4000  }
0xc8: {  	[sflag:s31] =	ssyncset.done $0x0  }
0xc9: {  	[sflag:s31] =	ssyncadd.s32 $0xFFFFC000  }
0xca: {  	[spmem:s3] =	stream.indirect.scatter.add.f32 [tilespmem:s29], [sflag:$0x3], $0x80, s2, s28, $0xb8;
	[tilespmem:$0x1C400] =	vst v63  }
0xcb: {  	_ =	swait.ge [sflag:s0], $0x4000  }
0xcc: {  	[sflag:s0] =	ssyncset.done $0x0  }
0xcd: {  	[sflag:s0] =	ssyncadd.s32 $0xFFFFC000  }
0xce: {  	_ =	swait.ge [sflag:s5], $0x4000  }
0xcf: {  	[sflag:s5] =	ssyncset.done $0x0  }
0xd0: {  	[sflag:s5] =	ssyncadd.s32 $0xFFFFC000  }
0xd1: {  	[spmem:s3] =	stream.indirect.scatter.add.f32 [tilespmem:s30], [sflag:$0x3], $0x80, s8, s28, $0xb8;
	[tilespmem:$0x1C400] =	vst v63  }
0xd2: {  	_ =	swait.ge [sflag:s0], $0x4000  }
0xd3: {  	[sflag:s0] =	ssyncset.done $0x0  }
0xd4: {  	s12 =	simm.s32 @!p0 $0x6;
	[sflag:s0] =	ssyncadd.s32 $0xFFFFC000  }
0xd5: {  	_ =	swait.ge @!p0 [sflag:s12], $0x100  }
0xd6: {  	[sflag:s12] =	ssyncset.done @!p0 $0x0  }
0xd7: {  	s14 =	simm.s32 @!p0 $0x14000;
	[sflag:s12] =	ssyncadd.s32 @!p0 $0xFFFFFF00;
	s12 =	simm.s32 @!p0 $0x80  }
0xd8: {  	[tilespmem:s14], [sflag:$0x1] =	stream.indirect.gather @!p0 [hbm4b:s1+s12], $0x80, s13, s12, $0xb8;
	[tilespmem:$0x1C400] =	vst v63  }
0xd9: {  	s13 =	simm.s32 @!p0 $0x1  }
0xda: {  	_ =	swait.ge @!p0 [sflag:s13], $0x4000  }
0xdb: {  	[sflag:s13] =	ssyncset.done @!p0 $0x0  }
0xdc: {  	[sflag:s13] =	ssyncadd.s32 @!p0 $0xFFFFC000;
	s13 =	simm.s32 @!p0 $0x1C280  }
0xdd: {  	[spmem:s3] =	stream.indirect.scatter.add.f32 @!p0 [tilespmem:s14], [sflag:$0x3], $0x80, s13, s12, $0xb8;
	[tilespmem:$0x1C400] =	vst v63  }
0xde: {  	s12 =	simm.s32 @!p0 $0x3  }
0xdf: {  	_ =	swait.ge @!p0 [sflag:s12], $0x4000  }
0xe0: {  	[sflag:s12] =	ssyncset.done @!p0 $0x0  }
0xe1: {  	[sflag:s12] =	ssyncadd.s32 @!p0 $0xFFFFC000  }
0xe2: {  	[bflag:$0x0] =	sbarrier.arrive $0xFFFF  }
0xe3: {  	s13 =	rddreg [dreg:$0x8]  }
0xe4: {  	[hbm:s13], [sflag:s7] =	dma.local [spmem:s17], $0x2800  }
0xe5: {  	_ =	swait.ge [sflag:s18], $0x2800  }
0xe6: {  	s11 =	sadd.s32 $0x1, s11;
	s14 =	rddreg [dreg:$0x9]  }
0xe7: {  	p1 =	sne.s32 s11, s14  }
.Ltmp1:
0xe8: {  	_ = 	snop;
	(pc) =	sbr.rel @p1 .LBB2_1-.Ltmp1, $3  }
0xe9: {  	_ =	sdelay $0x1  }
0xea: {  	[sflag:s18] =	ssyncset.done $0x0  }
0xeb: {  	[sflag:s18] =	ssyncadd.s32 $0xFFFFD800  }
0xec: {  	_ =	sfence.sel $0x180000  }
0xed: {  	[bflag:$0x0] =	sbarrier.arrive $0xFFFF  }
0xee: {  	_ =	strace $0x90000050  }
0xef: {  	s0 =	stileid.u32;
	[bflag:$0x2] =	sbarrier.arrive $0xFFFF  }
0xf0: {  	p0 =	sne.s32 s0, $0x0;
	s0 =	rddreg [dreg:$0x3]  }
0xf1: {  	s0 =	sadd.s32 @!p0 $0x100000, s0  }
0xf2: {  	[sflag:s0] =	ssyncadd.tile.s32 @!p0 $0x1;
	_ =	shalt  }
.Lfunc_end2:
_tile_overlayer_lowered:
.L_overlay_start_2:
0xf3: {  	(tag) =	ssettag $0x2  }
0xf4: {  	s0 =	rddreg [dreg:$0x0];
	s2 =	stileid.u32  }
0xf5: {  	s1 =	rddreg [dreg:$0x1];
	p0 =	sne.s32 s2, $0x0  }
0xf6: {  	s3 =	rddreg [dreg:$0x2];
	[bflag:$0x3] =	sbarrier.arrive $0xFFFF;
	s2 =	simm.s32 @!p0 $0x1C08  }
0xf7: {  	[timem:s3], [sflag:s2] =	dma.local @!p0 [hbm:s0], s1  }
0xf8: {  	s0 =	simm.s32 @!p0 $0x8  }
0xf9: {  	_ =	swait.ge @!p0 [sflag:s0], s1  }
0xfa: {  	s1 =	ssub.s32 @!p0 $0x0, s1;
	[sflag:s0] =	ssyncset.done @!p0 $0x0  }
0xfb: {  	[sflag:s0] =	ssyncadd.s32 @!p0 s1  }
0xfc: {  	[bflag:$0x3] =	sbarrier.arrive $0xFFFF  }
0xfd: {  	_ =	shalt  }

</sc_bundles>
